<compile_context>
chip_gen: v7x
topology: tpu7x:2x2x1
jax: 0.10.2.dev20260603
libtpu: 0.0.44.dev20260713+nightly
codegen_flags: <defaults>
</compile_context>

<pallas_src>
import jax
import jax.numpy as jnp
from jax import lax
from jax.experimental import pallas as pl
from jax.experimental.pallas import tpu as pltpu
from jax.experimental.pallas import tpu_sc as plsc

_N = 100000
_NB = 256
_BS = 1.0 / _NB
_INV_BS = float(_NB)
_MIN_SIZE = _BS * 1.4142135
_SCALE = 1.0 / (_BS * _BS * 100.0)
_NW = 32
_CHUNK = 3128
_LAST = _N - (_NW - 1) * _CHUNK
_GROUPS = _CHUNK // 16
_NBINS = _NB * _NB
_KMAX = 7


def _sc_body(x_hbm, y_hbm, sx_hbm, sy_hbm, w_hbm, out_hbm,
             xv, yv, sxv, syv, wv, rix, acc):
    wid = lax.axis_index("s") * 2 + lax.axis_index("c")
    is_last = wid == _NW - 1
    base = wid * _CHUNK

    zeros16 = jnp.zeros((16,), jnp.float32)
    for buf in (xv, yv, sxv, syv, wv):
        buf[pl.ds(3120, 16)] = zeros16

    @pl.when(is_last)
    def _():
        for buf in (xv, yv, sxv, syv, wv):
            for r in range(3024, 3136, 16):
                buf[pl.ds(r, 16)] = zeros16

    @pl.when(jnp.logical_not(is_last))
    def _():
        pltpu.sync_copy(x_hbm.at[pl.ds(base, _CHUNK)], xv.at[pl.ds(0, _CHUNK)])
        pltpu.sync_copy(y_hbm.at[pl.ds(base, _CHUNK)], yv.at[pl.ds(0, _CHUNK)])
        pltpu.sync_copy(sx_hbm.at[pl.ds(base, _CHUNK)], sxv.at[pl.ds(0, _CHUNK)])
        pltpu.sync_copy(sy_hbm.at[pl.ds(base, _CHUNK)], syv.at[pl.ds(0, _CHUNK)])
        pltpu.sync_copy(w_hbm.at[pl.ds(base, _CHUNK)], wv.at[pl.ds(0, _CHUNK)])

    @pl.when(is_last)
    def _():
        pltpu.sync_copy(x_hbm.at[pl.ds(base, _LAST)], xv.at[pl.ds(0, _LAST)])
        pltpu.sync_copy(y_hbm.at[pl.ds(base, _LAST)], yv.at[pl.ds(0, _LAST)])
        pltpu.sync_copy(sx_hbm.at[pl.ds(base, _LAST)], sxv.at[pl.ds(0, _LAST)])
        pltpu.sync_copy(sy_hbm.at[pl.ds(base, _LAST)], syv.at[pl.ds(0, _LAST)])
        pltpu.sync_copy(w_hbm.at[pl.ds(base, _LAST)], wv.at[pl.ds(0, _LAST)])

    zero16 = jnp.zeros((16,), jnp.float32)
    iota16 = lax.iota(jnp.int32, 16)
    pad16 = jnp.full((16,), 3120, jnp.int32)

    @plsc.parallel_loop(0, _NBINS // 16, unroll=4)
    def zero_body(i):
        acc[pl.ds(i * 16, 16)] = zero16

    @plsc.parallel_loop(0, (_GROUPS + 2) * 16 // 16)
    def prefill_body(i):
        rix[pl.ds(i * 16, 16)] = pad16

    def axes_setup(x, y, sx_r, sy_r, w):
        sx = jnp.maximum(sx_r, _MIN_SIZE)
        sy = jnp.maximum(sy_r, _MIN_SIZE)
        hx = 0.5 * sx
        hy = 0.5 * sy
        x_min = x - hx
        x_max = x + hx
        y_min = y - hy
        y_max = y + hy
        dens = (w * _SCALE) / (sx * sy)
        ix0 = (x_min * _INV_BS + 1024.0).astype(jnp.int32) - 1024
        iy0 = (y_min * _INV_BS + 1024.0).astype(jnp.int32) - 1024
        return x_min, x_max, y_min, y_max, dens, ix0, iy0

    def y_side(y_min, y_max, iy0, dys):
        ylo0 = iy0.astype(jnp.float32) * _BS
        col = {}
        py = {}
        for dy in dys:
            by = iy0 + dy
            oy = jnp.maximum(
                jnp.minimum(y_max, ylo0 + (dy + 1) * _BS)
                - jnp.maximum(y_min, ylo0 + dy * _BS), 0.0)
            in_y = lax.bitcast_convert_type(by, jnp.uint32) < _NB
            py[dy] = jnp.where(in_y, oy, 0.0)
            col[dy] = jnp.clip(by, 0, _NB - 1)
        return col, py

    def x_scatter(x_min, x_max, ix0, dens, col, py, dxs, pairs):
        xlo0 = ix0.astype(jnp.float32) * _BS
        for dx in dxs:
            bx = ix0 + dx
            ox = jnp.maximum(
                jnp.minimum(x_max, xlo0 + (dx + 1) * _BS)
                - jnp.maximum(x_min, xlo0 + dx * _BS), 0.0)
            in_x = lax.bitcast_convert_type(bx, jnp.uint32) < _NB
            pxd = jnp.where(in_x, dens * ox, 0.0)
            rowbase = jnp.clip(bx, 0, _NB - 1) * _NB
            for dy in pairs(dx):
                idx = rowbase + col[dy]
                val = pxd * py[dy]
                plsc.addupdate_scatter(acc, [idx], val)

    @plsc.parallel_loop(0, _GROUPS + 1, carry=jnp.int32(0))
    def group_body(g, n_res):
        s = g * 16
        x = xv[pl.ds(s, 16)]
        y = yv[pl.ds(s, 16)]
        sx_r = sxv[pl.ds(s, 16)]
        sy_r = syv[pl.ds(s, 16)]
        w = wv[pl.ds(s, 16)]
        x_min, x_max, y_min, y_max, dens, ix0, iy0 = axes_setup(
            x, y, sx_r, sy_r, w)
        ix1 = (x_max * _INV_BS + 1024.0).astype(jnp.int32) - 1024
        iy1 = (y_max * _INV_BS + 1024.0).astype(jnp.int32) - 1024
        big = ((ix1 - ix0) >= _KMAX - 1) | ((iy1 - iy0) >= _KMAX - 1)
        plsc.store_compressed(rix.at[pl.ds(n_res, 16)], s + iota16, mask=big)
        cnt = plsc.all_reduce_population_count(big)

        col, py = y_side(y_min, y_max, iy0, range(_KMAX - 1))
        x_scatter(x_min, x_max, ix0, dens, col, py,
                  range(_KMAX - 1), lambda dx: range(_KMAX - 1))
        return n_res + cnt[0]

    n_res = group_body
    ng2 = (n_res + 15) >> 4

    def res_body(g, c):
        idxv = rix[pl.ds(g * 16, 16)]
        x = plsc.load_gather(xv, [idxv])
        y = plsc.load_gather(yv, [idxv])
        sx_r = plsc.load_gather(sxv, [idxv])
        sy_r = plsc.load_gather(syv, [idxv])
        w = plsc.load_gather(wv, [idxv])
        x_min, x_max, y_min, y_max, dens, ix0, iy0 = axes_setup(
            x, y, sx_r, sy_r, w)
        col, py = y_side(y_min, y_max, iy0, range(_KMAX))
        x_scatter(x_min, x_max, ix0, dens, col, py, range(_KMAX),
                  lambda dx: range(_KMAX) if dx == _KMAX - 1
                  else [_KMAX - 1])
        return c

    lax.fori_loop(0, ng2, res_body, 0)

    pltpu.sync_copy(acc, out_hbm.at[pl.ds(wid * _NBINS, _NBINS)])


@jax.jit
def _sc_maps(x, y, sx, sy, w):
    mesh = plsc.VectorSubcoreMesh(core_axis_name="c", subcore_axis_name="s")
    return pl.kernel(
        _sc_body,
        out_type=jax.ShapeDtypeStruct((_NW * _NBINS,), jnp.float32),
        mesh=mesh,
        compiler_params=pltpu.CompilerParams(needs_layout_passes=False),
        scratch_types=[
            pltpu.VMEM((3136,), jnp.float32),
            pltpu.VMEM((3136,), jnp.float32),
            pltpu.VMEM((3136,), jnp.float32),
            pltpu.VMEM((3136,), jnp.float32),
            pltpu.VMEM((3136,), jnp.float32),
            pltpu.VMEM(((_GROUPS + 2) * 16,), jnp.int32),
            pltpu.VMEM((_NBINS,), jnp.float32),
        ],
    )(x, y, sx, sy, w)


def _reduce_body(maps_ref, out_ref):
    out_ref[...] = jnp.sum(maps_ref[...], axis=0).reshape(_NB, _NB)


@jax.jit
def _reduce(maps):
    return pl.pallas_call(
        _reduce_body,
        out_shape=jax.ShapeDtypeStruct((_NB, _NB), jnp.float32),
    )(maps.reshape(_NW, 2 * _NB, _NB // 2))


def kernel(inst_sizes, inst_pos, inst_pin_weights):
    maps = _sc_maps(inst_pos[:, 0], inst_pos[:, 1],
                    inst_sizes[:, 0], inst_sizes[:, 1], inst_pin_weights)
    return _reduce(maps)

# --- scband reference (transcript-rebuilt; emitter-appended) ---
"""Pipeline reference for scband-pin-utilization-16561393894025 (READ-ONLY COPY).

The authoritative reference and input builder live on the scoring server;
editing this copy changes nothing except your own understanding.
"""

import jax, jax.numpy as jnp
import numpy as np

N = 100000
NBX = 256
NBY = 256
XL, XH, YL, YH = 0.0, 1.0, 0.0, 1.0
BSX = (XH - XL) / NBX
BSY = (YH - YL) / NBY
PIN_STRETCH_RATIO = 1.4142135
UNIT_PIN_CAPACITY = 100.0


def setup_inputs(seed: int = 0) -> dict:
    key = jax.random.key(seed)
    k1, k2, k3 = jax.random.split(key, 3)
    # instance centers uniformly inside the layout region
    inst_pos = jax.random.uniform(k1, (N, 2), dtype=jnp.float32) * jnp.array([XH - XL, YH - YL], jnp.float32) + jnp.array([XL, YL], jnp.float32)
    # instance (width, height); small cells relative to the die, many get stretched to the min pin bin size
    inst_sizes = jax.random.uniform(k2, (N, 2), dtype=jnp.float32) * 0.02
    # per-instance pin weights (learned/derived parameter of the module)
    inst_pin_weights = jax.random.uniform(k3, (N,), dtype=jnp.float32) + 0.5
    return {"inst_sizes": inst_sizes, "inst_pos": inst_pos, "inst_pin_weights": inst_pin_weights}


def _pin_utilization(inst_sizes, inst_pos, inst_pin_weights):
    # stretch each instance so it is at least pin_stretch_ratio of a bin (matches clamp_ in forward)
    sx = jnp.maximum(inst_sizes[:, 0], BSX * PIN_STRETCH_RATIO)
    sy = jnp.maximum(inst_sizes[:, 1], BSY * PIN_STRETCH_RATIO)
    x_min = inst_pos[:, 0] - 0.5 * sx
    x_max = inst_pos[:, 0] + 0.5 * sx
    y_min = inst_pos[:, 1] - 0.5 * sy
    y_max = inst_pos[:, 1] + 0.5 * sy
    # pin demand density per unit area of the (stretched) instance
    density = inst_pin_weights / (sx * sy)
    # bin edges
    bin_xl = XL + jnp.arange(NBX, dtype=jnp.float32) * BSX
    bin_xh = bin_xl + BSX
    bin_yl = YL + jnp.arange(NBY, dtype=jnp.float32) * BSY
    bin_yh = bin_yl + BSY
    # separable 1D overlaps: [N, NBX] and [N, NBY]
    ox = jnp.clip(jnp.minimum(x_max[:, None], bin_xh[None, :]) - jnp.maximum(x_min[:, None], bin_xl[None, :]), 0.0, None)
    oy = jnp.clip(jnp.minimum(y_max[:, None], bin_yh[None, :]) - jnp.maximum(y_min[:, None], bin_yl[None, :]), 0.0, None)
    # pin_map[bx, by] = sum_i density_i * ox[i, bx] * oy[i, by]  (scatter-add of per-bin overlap demand)
    pin_map = (ox * density[:, None]).T @ oy
    # output.mul_(1 / (bin_size_x * bin_size_y * unit_pin_capacity))
    pin_map = pin_map * (1.0 / (BSX * BSY * UNIT_PIN_CAPACITY))
    return pin_map


def reference(inst_sizes, inst_pos, inst_pin_weights):
    return _pin_utilization(inst_sizes, inst_pos, inst_pin_weights)

if __name__ == "__main__":
    import jax
    _d = setup_inputs()
    print(jax.jit(kernel)(*tuple(_d.values())))

</pallas_src>

<mosaic_0001>
#map = affine_map<(d0, d1) -> (0)>
module attributes {stable_mosaic.version = 14 : i64} {
  func.func @_sc_body(%arg0: i32, %arg1: i32, %arg2: memref<100000xf32, #tpu.memory_space<hbm>>, %arg3: memref<100000xf32, #tpu.memory_space<hbm>>, %arg4: memref<100000xf32, #tpu.memory_space<hbm>>, %arg5: memref<100000xf32, #tpu.memory_space<hbm>>, %arg6: memref<100000xf32, #tpu.memory_space<hbm>>, %arg7: memref<2097152xf32, #tpu.memory_space<hbm>>, %arg8: memref<3136xf32, #tpu.memory_space<vmem>>, %arg9: memref<3136xf32, #tpu.memory_space<vmem>>, %arg10: memref<3136xf32, #tpu.memory_space<vmem>>, %arg11: memref<3136xf32, #tpu.memory_space<vmem>>, %arg12: memref<3136xf32, #tpu.memory_space<vmem>>, %arg13: memref<3152xi32, #tpu.memory_space<vmem>>, %arg14: memref<65536xf32, #tpu.memory_space<vmem>>) attributes {dimension_semantics = [#tpu.dimension_semantics<core_parallel>, #tpu.dimension_semantics<subcore_parallel>], iteration_bounds = array<i64: 2, 16>, scalar_prefetch = 0 : i64, scratch_operands = 7 : i64, tpu.core_type = #tpu.core_type<sc_vector_subcore>, window_params = [{transform_indices = #map}, {transform_indices = #map}, {transform_indices = #map}, {transform_indices = #map}, {transform_indices = #map}, {transform_indices = #map}]} {
    %mul3A = arith.constant 2 : i32
    %mul3A_0 = arith.muli %arg1, %mul3A : i32
    %add3A = arith.addi %mul3A_0, %arg0 : i32
    %eq3A = arith.constant 31 : i32
    %eq3A_1 = arith.cmpi eq, %add3A, %eq3A : i32
    %mul3A_2 = arith.constant 3128 : i32
    %mul3A_3 = arith.muli %add3A, %mul3A_2 : i32
    %broadcast_in_dim3A = arith.constant 0.000000e+00 : f32
    %broadcast_in_dim3A_4 = vector.broadcast %broadcast_in_dim3A : f32 to vector<16xf32>
    %swap3A = arith.constant 3120 : index
    %swap3A_5 = tpu.vector_load %arg8[%swap3A] {strides = array<i32>} : memref<3136xf32, #tpu.memory_space<vmem>>, vector<16xf32>,
    tpu.vector_store %arg8[%swap3A], %broadcast_in_dim3A_4 {strides = array<i32>} : memref<3136xf32, #tpu.memory_space<vmem>>, vector<16xf32>,
    %swap3A_6 = arith.constant 3120 : index
    %swap3A_7 = tpu.vector_load %arg9[%swap3A_6] {strides = array<i32>} : memref<3136xf32, #tpu.memory_space<vmem>>, vector<16xf32>,
    tpu.vector_store %arg9[%swap3A_6], %broadcast_in_dim3A_4 {strides = array<i32>} : memref<3136xf32, #tpu.memory_space<vmem>>, vector<16xf32>,
    %swap3A_8 = arith.constant 3120 : index
    %swap3A_9 = tpu.vector_load %arg10[%swap3A_8] {strides = array<i32>} : memref<3136xf32, #tpu.memory_space<vmem>>, vector<16xf32>,
    tpu.vector_store %arg10[%swap3A_8], %broadcast_in_dim3A_4 {strides = array<i32>} : memref<3136xf32, #tpu.memory_space<vmem>>, vector<16xf32>,
    %swap3A_10 = arith.constant 3120 : index
    %swap3A_11 = tpu.vector_load %arg11[%swap3A_10] {strides = array<i32>} : memref<3136xf32, #tpu.memory_space<vmem>>, vector<16xf32>,
    tpu.vector_store %arg11[%swap3A_10], %broadcast_in_dim3A_4 {strides = array<i32>} : memref<3136xf32, #tpu.memory_space<vmem>>, vector<16xf32>,
    %swap3A_12 = arith.constant 3120 : index
    %swap3A_13 = tpu.vector_load %arg12[%swap3A_12] {strides = array<i32>} : memref<3136xf32, #tpu.memory_space<vmem>>, vector<16xf32>,
    tpu.vector_store %arg12[%swap3A_12], %broadcast_in_dim3A_4 {strides = array<i32>} : memref<3136xf32, #tpu.memory_space<vmem>>, vector<16xf32>,
    %convert_element_type3A = arith.extui %eq3A_1 : i1 to i32
    %cond3A = arith.constant 0 : i32
    %cond3A_14 = arith.cmpi ne, %convert_element_type3A, %cond3A : i32
    scf.if %cond3A_14 {
      %swap3A_50 = arith.constant 3024 : index
      %swap3A_51 = tpu.vector_load %arg8[%swap3A_50] {strides = array<i32>} : memref<3136xf32, #tpu.memory_space<vmem>>, vector<16xf32>,
      tpu.vector_store %arg8[%swap3A_50], %broadcast_in_dim3A_4 {strides = array<i32>} : memref<3136xf32, #tpu.memory_space<vmem>>, vector<16xf32>,
      %swap3A_52 = arith.constant 3040 : index
      %swap3A_53 = tpu.vector_load %arg8[%swap3A_52] {strides = array<i32>} : memref<3136xf32, #tpu.memory_space<vmem>>, vector<16xf32>,
      tpu.vector_store %arg8[%swap3A_52], %broadcast_in_dim3A_4 {strides = array<i32>} : memref<3136xf32, #tpu.memory_space<vmem>>, vector<16xf32>,
      %swap3A_54 = arith.constant 3056 : index
      %swap3A_55 = tpu.vector_load %arg8[%swap3A_54] {strides = array<i32>} : memref<3136xf32, #tpu.memory_space<vmem>>, vector<16xf32>,
      tpu.vector_store %arg8[%swap3A_54], %broadcast_in_dim3A_4 {strides = array<i32>} : memref<3136xf32, #tpu.memory_space<vmem>>, vector<16xf32>,
      %swap3A_56 = arith.constant 3072 : index
      %swap3A_57 = tpu.vector_load %arg8[%swap3A_56] {strides = array<i32>} : memref<3136xf32, #tpu.memory_space<vmem>>, vector<16xf32>,
      tpu.vector_store %arg8[%swap3A_56], %broadcast_in_dim3A_4 {strides = array<i32>} : memref<3136xf32, #tpu.memory_space<vmem>>, vector<16xf32>,
      %swap3A_58 = arith.constant 3088 : index
      %swap3A_59 = tpu.vector_load %arg8[%swap3A_58] {strides = array<i32>} : memref<3136xf32, #tpu.memory_space<vmem>>, vector<16xf32>,
      tpu.vector_store %arg8[%swap3A_58], %broadcast_in_dim3A_4 {strides = array<i32>} : memref<3136xf32, #tpu.memory_space<vmem>>, vector<16xf32>,
      %swap3A_60 = arith.constant 3104 : index
      %swap3A_61 = tpu.vector_load %arg8[%swap3A_60] {strides = array<i32>} : memref<3136xf32, #tpu.memory_space<vmem>>, vector<16xf32>,
      tpu.vector_store %arg8[%swap3A_60], %broadcast_in_dim3A_4 {strides = array<i32>} : memref<3136xf32, #tpu.memory_space<vmem>>, vector<16xf32>,
      %swap3A_62 = arith.constant 3120 : index
      %swap3A_63 = tpu.vector_load %arg8[%swap3A_62] {strides = array<i32>} : memref<3136xf32, #tpu.memory_space<vmem>>, vector<16xf32>,
      tpu.vector_store %arg8[%swap3A_62], %broadcast_in_dim3A_4 {strides = array<i32>} : memref<3136xf32, #tpu.memory_space<vmem>>, vector<16xf32>,
      %swap3A_64 = arith.constant 3024 : index
      %swap3A_65 = tpu.vector_load %arg9[%swap3A_64] {strides = array<i32>} : memref<3136xf32, #tpu.memory_space<vmem>>, vector<16xf32>,
      tpu.vector_store %arg9[%swap3A_64], %broadcast_in_dim3A_4 {strides = array<i32>} : memref<3136xf32, #tpu.memory_space<vmem>>, vector<16xf32>,
      %swap3A_66 = arith.constant 3040 : index
      %swap3A_67 = tpu.vector_load %arg9[%swap3A_66] {strides = array<i32>} : memref<3136xf32, #tpu.memory_space<vmem>>, vector<16xf32>,
      tpu.vector_store %arg9[%swap3A_66], %broadcast_in_dim3A_4 {strides = array<i32>} : memref<3136xf32, #tpu.memory_space<vmem>>, vector<16xf32>,
      %swap3A_68 = arith.constant 3056 : index
      %swap3A_69 = tpu.vector_load %arg9[%swap3A_68] {strides = array<i32>} : memref<3136xf32, #tpu.memory_space<vmem>>, vector<16xf32>,
      tpu.vector_store %arg9[%swap3A_68], %broadcast_in_dim3A_4 {strides = array<i32>} : memref<3136xf32, #tpu.memory_space<vmem>>, vector<16xf32>,
      %swap3A_70 = arith.constant 3072 : index
      %swap3A_71 = tpu.vector_load %arg9[%swap3A_70] {strides = array<i32>} : memref<3136xf32, #tpu.memory_space<vmem>>, vector<16xf32>,
      tpu.vector_store %arg9[%swap3A_70], %broadcast_in_dim3A_4 {strides = array<i32>} : memref<3136xf32, #tpu.memory_space<vmem>>, vector<16xf32>,
      %swap3A_72 = arith.constant 3088 : index
      %swap3A_73 = tpu.vector_load %arg9[%swap3A_72] {strides = array<i32>} : memref<3136xf32, #tpu.memory_space<vmem>>, vector<16xf32>,
      tpu.vector_store %arg9[%swap3A_72], %broadcast_in_dim3A_4 {strides = array<i32>} : memref<3136xf32, #tpu.memory_space<vmem>>, vector<16xf32>,
      %swap3A_74 = arith.constant 3104 : index
      %swap3A_75 = tpu.vector_load %arg9[%swap3A_74] {strides = array<i32>} : memref<3136xf32, #tpu.memory_space<vmem>>, vector<16xf32>,
      tpu.vector_store %arg9[%swap3A_74], %broadcast_in_dim3A_4 {strides = array<i32>} : memref<3136xf32, #tpu.memory_space<vmem>>, vector<16xf32>,
      %swap3A_76 = arith.constant 3120 : index
      %swap3A_77 = tpu.vector_load %arg9[%swap3A_76] {strides = array<i32>} : memref<3136xf32, #tpu.memory_space<vmem>>, vector<16xf32>,
      tpu.vector_store %arg9[%swap3A_76], %broadcast_in_dim3A_4 {strides = array<i32>} : memref<3136xf32, #tpu.memory_space<vmem>>, vector<16xf32>,
      %swap3A_78 = arith.constant 3024 : index
      %swap3A_79 = tpu.vector_load %arg10[%swap3A_78] {strides = array<i32>} : memref<3136xf32, #tpu.memory_space<vmem>>, vector<16xf32>,
      tpu.vector_store %arg10[%swap3A_78], %broadcast_in_dim3A_4 {strides = array<i32>} : memref<3136xf32, #tpu.memory_space<vmem>>, vector<16xf32>,
      %swap3A_80 = arith.constant 3040 : index
      %swap3A_81 = tpu.vector_load %arg10[%swap3A_80] {strides = array<i32>} : memref<3136xf32, #tpu.memory_space<vmem>>, vector<16xf32>,
      tpu.vector_store %arg10[%swap3A_80], %broadcast_in_dim3A_4 {strides = array<i32>} : memref<3136xf32, #tpu.memory_space<vmem>>, vector<16xf32>,
      %swap3A_82 = arith.constant 3056 : index
      %swap3A_83 = tpu.vector_load %arg10[%swap3A_82] {strides = array<i32>} : memref<3136xf32, #tpu.memory_space<vmem>>, vector<16xf32>,
      tpu.vector_store %arg10[%swap3A_82], %broadcast_in_dim3A_4 {strides = array<i32>} : memref<3136xf32, #tpu.memory_space<vmem>>, vector<16xf32>,
      %swap3A_84 = arith.constant 3072 : index
      %swap3A_85 = tpu.vector_load %arg10[%swap3A_84] {strides = array<i32>} : memref<3136xf32, #tpu.memory_space<vmem>>, vector<16xf32>,
      tpu.vector_store %arg10[%swap3A_84], %broadcast_in_dim3A_4 {strides = array<i32>} : memref<3136xf32, #tpu.memory_space<vmem>>, vector<16xf32>,
      %swap3A_86 = arith.constant 3088 : index
      %swap3A_87 = tpu.vector_load %arg10[%swap3A_86] {strides = array<i32>} : memref<3136xf32, #tpu.memory_space<vmem>>, vector<16xf32>,
      tpu.vector_store %arg10[%swap3A_86], %broadcast_in_dim3A_4 {strides = array<i32>} : memref<3136xf32, #tpu.memory_space<vmem>>, vector<16xf32>,
      %swap3A_88 = arith.constant 3104 : index
      %swap3A_89 = tpu.vector_load %arg10[%swap3A_88] {strides = array<i32>} : memref<3136xf32, #tpu.memory_space<vmem>>, vector<16xf32>,
      tpu.vector_store %arg10[%swap3A_88], %broadcast_in_dim3A_4 {strides = array<i32>} : memref<3136xf32, #tpu.memory_space<vmem>>, vector<16xf32>,
      %swap3A_90 = arith.constant 3120 : index
      %swap3A_91 = tpu.vector_load %arg10[%swap3A_90] {strides = array<i32>} : memref<3136xf32, #tpu.memory_space<vmem>>, vector<16xf32>,
      tpu.vector_store %arg10[%swap3A_90], %broadcast_in_dim3A_4 {strides = array<i32>} : memref<3136xf32, #tpu.memory_space<vmem>>, vector<16xf32>,
      %swap3A_92 = arith.constant 3024 : index
      %swap3A_93 = tpu.vector_load %arg11[%swap3A_92] {strides = array<i32>} : memref<3136xf32, #tpu.memory_space<vmem>>, vector<16xf32>,
      tpu.vector_store %arg11[%swap3A_92], %broadcast_in_dim3A_4 {strides = array<i32>} : memref<3136xf32, #tpu.memory_space<vmem>>, vector<16xf32>,
      %swap3A_94 = arith.constant 3040 : index
      %swap3A_95 = tpu.vector_load %arg11[%swap3A_94] {strides = array<i32>} : memref<3136xf32, #tpu.memory_space<vmem>>, vector<16xf32>,
      tpu.vector_store %arg11[%swap3A_94], %broadcast_in_dim3A_4 {strides = array<i32>} : memref<3136xf32, #tpu.memory_space<vmem>>, vector<16xf32>,
      %swap3A_96 = arith.constant 3056 : index
      %swap3A_97 = tpu.vector_load %arg11[%swap3A_96] {strides = array<i32>} : memref<3136xf32, #tpu.memory_space<vmem>>, vector<16xf32>,
      tpu.vector_store %arg11[%swap3A_96], %broadcast_in_dim3A_4 {strides = array<i32>} : memref<3136xf32, #tpu.memory_space<vmem>>, vector<16xf32>,
      %swap3A_98 = arith.constant 3072 : index
      %swap3A_99 = tpu.vector_load %arg11[%swap3A_98] {strides = array<i32>} : memref<3136xf32, #tpu.memory_space<vmem>>, vector<16xf32>,
      tpu.vector_store %arg11[%swap3A_98], %broadcast_in_dim3A_4 {strides = array<i32>} : memref<3136xf32, #tpu.memory_space<vmem>>, vector<16xf32>,
      %swap3A_100 = arith.constant 3088 : index
      %swap3A_101 = tpu.vector_load %arg11[%swap3A_100] {strides = array<i32>} : memref<3136xf32, #tpu.memory_space<vmem>>, vector<16xf32>,
      tpu.vector_store %arg11[%swap3A_100], %broadcast_in_dim3A_4 {strides = array<i32>} : memref<3136xf32, #tpu.memory_space<vmem>>, vector<16xf32>,
      %swap3A_102 = arith.constant 3104 : index
      %swap3A_103 = tpu.vector_load %arg11[%swap3A_102] {strides = array<i32>} : memref<3136xf32, #tpu.memory_space<vmem>>, vector<16xf32>,
      tpu.vector_store %arg11[%swap3A_102], %broadcast_in_dim3A_4 {strides = array<i32>} : memref<3136xf32, #tpu.memory_space<vmem>>, vector<16xf32>,
      %swap3A_104 = arith.constant 3120 : index
      %swap3A_105 = tpu.vector_load %arg11[%swap3A_104] {strides = array<i32>} : memref<3136xf32, #tpu.memory_space<vmem>>, vector<16xf32>,
      tpu.vector_store %arg11[%swap3A_104], %broadcast_in_dim3A_4 {strides = array<i32>} : memref<3136xf32, #tpu.memory_space<vmem>>, vector<16xf32>,
      %swap3A_106 = arith.constant 3024 : index
      %swap3A_107 = tpu.vector_load %arg12[%swap3A_106] {strides = array<i32>} : memref<3136xf32, #tpu.memory_space<vmem>>, vector<16xf32>,
      tpu.vector_store %arg12[%swap3A_106], %broadcast_in_dim3A_4 {strides = array<i32>} : memref<3136xf32, #tpu.memory_space<vmem>>, vector<16xf32>,
      %swap3A_108 = arith.constant 3040 : index
      %swap3A_109 = tpu.vector_load %arg12[%swap3A_108] {strides = array<i32>} : memref<3136xf32, #tpu.memory_space<vmem>>, vector<16xf32>,
      tpu.vector_store %arg12[%swap3A_108], %broadcast_in_dim3A_4 {strides = array<i32>} : memref<3136xf32, #tpu.memory_space<vmem>>, vector<16xf32>,
      %swap3A_110 = arith.constant 3056 : index
      %swap3A_111 = tpu.vector_load %arg12[%swap3A_110] {strides = array<i32>} : memref<3136xf32, #tpu.memory_space<vmem>>, vector<16xf32>,
      tpu.vector_store %arg12[%swap3A_110], %broadcast_in_dim3A_4 {strides = array<i32>} : memref<3136xf32, #tpu.memory_space<vmem>>, vector<16xf32>,
      %swap3A_112 = arith.constant 3072 : index
      %swap3A_113 = tpu.vector_load %arg12[%swap3A_112] {strides = array<i32>} : memref<3136xf32, #tpu.memory_space<vmem>>, vector<16xf32>,
      tpu.vector_store %arg12[%swap3A_112], %broadcast_in_dim3A_4 {strides = array<i32>} : memref<3136xf32, #tpu.memory_space<vmem>>, vector<16xf32>,
      %swap3A_114 = arith.constant 3088 : index
      %swap3A_115 = tpu.vector_load %arg12[%swap3A_114] {strides = array<i32>} : memref<3136xf32, #tpu.memory_space<vmem>>, vector<16xf32>,
      tpu.vector_store %arg12[%swap3A_114], %broadcast_in_dim3A_4 {strides = array<i32>} : memref<3136xf32, #tpu.memory_space<vmem>>, vector<16xf32>,
      %swap3A_116 = arith.constant 3104 : index
      %swap3A_117 = tpu.vector_load %arg12[%swap3A_116] {strides = array<i32>} : memref<3136xf32, #tpu.memory_space<vmem>>, vector<16xf32>,
      tpu.vector_store %arg12[%swap3A_116], %broadcast_in_dim3A_4 {strides = array<i32>} : memref<3136xf32, #tpu.memory_space<vmem>>, vector<16xf32>,
      %swap3A_118 = arith.constant 3120 : index
      %swap3A_119 = tpu.vector_load %arg12[%swap3A_118] {strides = array<i32>} : memref<3136xf32, #tpu.memory_space<vmem>>, vector<16xf32>,
      tpu.vector_store %arg12[%swap3A_118], %broadcast_in_dim3A_4 {strides = array<i32>} : memref<3136xf32, #tpu.memory_space<vmem>>, vector<16xf32>,
    } else {
    }
    %not3A = arith.constant true
    %not3A_15 = arith.xori %eq3A_1, %not3A : i1
    %convert_element_type3A_16 = arith.extui %not3A_15 : i1 to i32
    %cond3A_17 = arith.constant 0 : i32
    %cond3A_18 = arith.cmpi ne, %convert_element_type3A_16, %cond3A_17 : i32
    scf.if %cond3A_18 {
      "tpu.region"() ({
        %run_scoped3A = tpu.sem_alloc : memref<!tpu.dma_semaphore, #tpu.memory_space<semaphore_mem>>
        %dma_start3A = arith.constant 0 : i32
        %dma_start3A_50 = tpu.memref_slice %arg8[%dma_start3A] : memref<3136xf32, #tpu.memory_space<vmem>> -> memref<3128xf32, #tpu.memory_space<vmem>>
        %dma_start3A_51 = tpu.memref_slice %arg2[%mul3A_3] : memref<100000xf32, #tpu.memory_space<hbm>> -> memref<3128xf32, #tpu.memory_space<hbm>>
        %dma_start3A_52 = arith.constant 0 : i32
        %dma_start3A_53 = tpu.memref_slice %arg8[%dma_start3A_52] : memref<3136xf32, #tpu.memory_space<vmem>> -> memref<3128xf32, #tpu.memory_space<vmem>>
        %dma_start3A_54 = tpu.memref_slice %arg2[%mul3A_3] : memref<100000xf32, #tpu.memory_space<hbm>> -> memref<3128xf32, #tpu.memory_space<hbm>>
        tpu.enqueue_dma source(%dma_start3A_54 : memref<3128xf32, #tpu.memory_space<hbm>>) target(%dma_start3A_53 : memref<3128xf32, #tpu.memory_space<vmem>>) target_semaphore(%run_scoped3A : memref<!tpu.dma_semaphore, #tpu.memory_space<semaphore_mem>>)
        %dma_wait3A = arith.constant 0 : i32
        %dma_wait3A_55 = tpu.memref_slice %arg8[%dma_wait3A] : memref<3136xf32, #tpu.memory_space<vmem>> -> memref<3128xf32, #tpu.memory_space<vmem>>
        %dma_wait3A_56 = tpu.memref_slice %arg2[%mul3A_3] : memref<100000xf32, #tpu.memory_space<hbm>> -> memref<3128xf32, #tpu.memory_space<hbm>>
        %dma_wait3A_57 = arith.constant 0 : i32
        %dma_wait3A_58 = tpu.memref_slice %arg8[%dma_wait3A_57] : memref<3136xf32, #tpu.memory_space<vmem>> -> memref<3128xf32, #tpu.memory_space<vmem>>
        %dma_wait3A_59 = tpu.memref_slice %arg2[%mul3A_3] : memref<100000xf32, #tpu.memory_space<hbm>> -> memref<3128xf32, #tpu.memory_space<hbm>>
        tpu.wait_dma2 semaphore(%run_scoped3A : memref<!tpu.dma_semaphore, #tpu.memory_space<semaphore_mem>>) src(%dma_wait3A_59 : memref<3128xf32, #tpu.memory_space<hbm>>) dst(%dma_wait3A_58 : memref<3128xf32, #tpu.memory_space<vmem>>)
        tpu.yield
      }) : () -> ()
      "tpu.region"() ({
        %run_scoped3A = tpu.sem_alloc : memref<!tpu.dma_semaphore, #tpu.memory_space<semaphore_mem>>
        %dma_start3A = arith.constant 0 : i32
        %dma_start3A_50 = tpu.memref_slice %arg9[%dma_start3A] : memref<3136xf32, #tpu.memory_space<vmem>> -> memref<3128xf32, #tpu.memory_space<vmem>>
        %dma_start3A_51 = tpu.memref_slice %arg3[%mul3A_3] : memref<100000xf32, #tpu.memory_space<hbm>> -> memref<3128xf32, #tpu.memory_space<hbm>>
        %dma_start3A_52 = arith.constant 0 : i32
        %dma_start3A_53 = tpu.memref_slice %arg9[%dma_start3A_52] : memref<3136xf32, #tpu.memory_space<vmem>> -> memref<3128xf32, #tpu.memory_space<vmem>>
        %dma_start3A_54 = tpu.memref_slice %arg3[%mul3A_3] : memref<100000xf32, #tpu.memory_space<hbm>> -> memref<3128xf32, #tpu.memory_space<hbm>>
        tpu.enqueue_dma source(%dma_start3A_54 : memref<3128xf32, #tpu.memory_space<hbm>>) target(%dma_start3A_53 : memref<3128xf32, #tpu.memory_space<vmem>>) target_semaphore(%run_scoped3A : memref<!tpu.dma_semaphore, #tpu.memory_space<semaphore_mem>>)
        %dma_wait3A = arith.constant 0 : i32
        %dma_wait3A_55 = tpu.memref_slice %arg9[%dma_wait3A] : memref<3136xf32, #tpu.memory_space<vmem>> -> memref<3128xf32, #tpu.memory_space<vmem>>
        %dma_wait3A_56 = tpu.memref_slice %arg3[%mul3A_3] : memref<100000xf32, #tpu.memory_space<hbm>> -> memref<3128xf32, #tpu.memory_space<hbm>>
        %dma_wait3A_57 = arith.constant 0 : i32
        %dma_wait3A_58 = tpu.memref_slice %arg9[%dma_wait3A_57] : memref<3136xf32, #tpu.memory_space<vmem>> -> memref<3128xf32, #tpu.memory_space<vmem>>
        %dma_wait3A_59 = tpu.memref_slice %arg3[%mul3A_3] : memref<100000xf32, #tpu.memory_space<hbm>> -> memref<3128xf32, #tpu.memory_space<hbm>>
        tpu.wait_dma2 semaphore(%run_scoped3A : memref<!tpu.dma_semaphore, #tpu.memory_space<semaphore_mem>>) src(%dma_wait3A_59 : memref<3128xf32, #tpu.memory_space<hbm>>) dst(%dma_wait3A_58 : memref<3128xf32, #tpu.memory_space<vmem>>)
        tpu.yield
      }) : () -> ()
      "tpu.region"() ({
        %run_scoped3A = tpu.sem_alloc : memref<!tpu.dma_semaphore, #tpu.memory_space<semaphore_mem>>
        %dma_start3A = arith.constant 0 : i32
        %dma_start3A_50 = tpu.memref_slice %arg10[%dma_start3A] : memref<3136xf32, #tpu.memory_space<vmem>> -> memref<3128xf32, #tpu.memory_space<vmem>>
        %dma_start3A_51 = tpu.memref_slice %arg4[%mul3A_3] : memref<100000xf32, #tpu.memory_space<hbm>> -> memref<3128xf32, #tpu.memory_space<hbm>>
        %dma_start3A_52 = arith.constant 0 : i32
        %dma_start3A_53 = tpu.memref_slice %arg10[%dma_start3A_52] : memref<3136xf32, #tpu.memory_space<vmem>> -> memref<3128xf32, #tpu.memory_space<vmem>>
        %dma_start3A_54 = tpu.memref_slice %arg4[%mul3A_3] : memref<100000xf32, #tpu.memory_space<hbm>> -> memref<3128xf32, #tpu.memory_space<hbm>>
        tpu.enqueue_dma source(%dma_start3A_54 : memref<3128xf32, #tpu.memory_space<hbm>>) target(%dma_start3A_53 : memref<3128xf32, #tpu.memory_space<vmem>>) target_semaphore(%run_scoped3A : memref<!tpu.dma_semaphore, #tpu.memory_space<semaphore_mem>>)
        %dma_wait3A = arith.constant 0 : i32
        %dma_wait3A_55 = tpu.memref_slice %arg10[%dma_wait3A] : memref<3136xf32, #tpu.memory_space<vmem>> -> memref<3128xf32, #tpu.memory_space<vmem>>
        %dma_wait3A_56 = tpu.memref_slice %arg4[%mul3A_3] : memref<100000xf32, #tpu.memory_space<hbm>> -> memref<3128xf32, #tpu.memory_space<hbm>>
        %dma_wait3A_57 = arith.constant 0 : i32
        %dma_wait3A_58 = tpu.memref_slice %arg10[%dma_wait3A_57] : memref<3136xf32, #tpu.memory_space<vmem>> -> memref<3128xf32, #tpu.memory_space<vmem>>
        %dma_wait3A_59 = tpu.memref_slice %arg4[%mul3A_3] : memref<100000xf32, #tpu.memory_space<hbm>> -> memref<3128xf32, #tpu.memory_space<hbm>>
        tpu.wait_dma2 semaphore(%run_scoped3A : memref<!tpu.dma_semaphore, #tpu.memory_space<semaphore_mem>>) src(%dma_wait3A_59 : memref<3128xf32, #tpu.memory_space<hbm>>) dst(%dma_wait3A_58 : memref<3128xf32, #tpu.memory_space<vmem>>)
        tpu.yield
      }) : () -> ()
      "tpu.region"() ({
        %run_scoped3A = tpu.sem_alloc : memref<!tpu.dma_semaphore, #tpu.memory_space<semaphore_mem>>
        %dma_start3A = arith.constant 0 : i32
        %dma_start3A_50 = tpu.memref_slice %arg11[%dma_start3A] : memref<3136xf32, #tpu.memory_space<vmem>> -> memref<3128xf32, #tpu.memory_space<vmem>>
        %dma_start3A_51 = tpu.memref_slice %arg5[%mul3A_3] : memref<100000xf32, #tpu.memory_space<hbm>> -> memref<3128xf32, #tpu.memory_space<hbm>>
        %dma_start3A_52 = arith.constant 0 : i32
        %dma_start3A_53 = tpu.memref_slice %arg11[%dma_start3A_52] : memref<3136xf32, #tpu.memory_space<vmem>> -> memref<3128xf32, #tpu.memory_space<vmem>>
        %dma_start3A_54 = tpu.memref_slice %arg5[%mul3A_3] : memref<100000xf32, #tpu.memory_space<hbm>> -> memref<3128xf32, #tpu.memory_space<hbm>>
        tpu.enqueue_dma source(%dma_start3A_54 : memref<3128xf32, #tpu.memory_space<hbm>>) target(%dma_start3A_53 : memref<3128xf32, #tpu.memory_space<vmem>>) target_semaphore(%run_scoped3A : memref<!tpu.dma_semaphore, #tpu.memory_space<semaphore_mem>>)
        %dma_wait3A = arith.constant 0 : i32
        %dma_wait3A_55 = tpu.memref_slice %arg11[%dma_wait3A] : memref<3136xf32, #tpu.memory_space<vmem>> -> memref<3128xf32, #tpu.memory_space<vmem>>
        %dma_wait3A_56 = tpu.memref_slice %arg5[%mul3A_3] : memref<100000xf32, #tpu.memory_space<hbm>> -> memref<3128xf32, #tpu.memory_space<hbm>>
        %dma_wait3A_57 = arith.constant 0 : i32
        %dma_wait3A_58 = tpu.memref_slice %arg11[%dma_wait3A_57] : memref<3136xf32, #tpu.memory_space<vmem>> -> memref<3128xf32, #tpu.memory_space<vmem>>
        %dma_wait3A_59 = tpu.memref_slice %arg5[%mul3A_3] : memref<100000xf32, #tpu.memory_space<hbm>> -> memref<3128xf32, #tpu.memory_space<hbm>>
        tpu.wait_dma2 semaphore(%run_scoped3A : memref<!tpu.dma_semaphore, #tpu.memory_space<semaphore_mem>>) src(%dma_wait3A_59 : memref<3128xf32, #tpu.memory_space<hbm>>) dst(%dma_wait3A_58 : memref<3128xf32, #tpu.memory_space<vmem>>)
        tpu.yield
      }) : () -> ()
      "tpu.region"() ({
        %run_scoped3A = tpu.sem_alloc : memref<!tpu.dma_semaphore, #tpu.memory_space<semaphore_mem>>
        %dma_start3A = arith.constant 0 : i32
        %dma_start3A_50 = tpu.memref_slice %arg12[%dma_start3A] : memref<3136xf32, #tpu.memory_space<vmem>> -> memref<3128xf32, #tpu.memory_space<vmem>>
        %dma_start3A_51 = tpu.memref_slice %arg6[%mul3A_3] : memref<100000xf32, #tpu.memory_space<hbm>> -> memref<3128xf32, #tpu.memory_space<hbm>>
        %dma_start3A_52 = arith.constant 0 : i32
        %dma_start3A_53 = tpu.memref_slice %arg12[%dma_start3A_52] : memref<3136xf32, #tpu.memory_space<vmem>> -> memref<3128xf32, #tpu.memory_space<vmem>>
        %dma_start3A_54 = tpu.memref_slice %arg6[%mul3A_3] : memref<100000xf32, #tpu.memory_space<hbm>> -> memref<3128xf32, #tpu.memory_space<hbm>>
        tpu.enqueue_dma source(%dma_start3A_54 : memref<3128xf32, #tpu.memory_space<hbm>>) target(%dma_start3A_53 : memref<3128xf32, #tpu.memory_space<vmem>>) target_semaphore(%run_scoped3A : memref<!tpu.dma_semaphore, #tpu.memory_space<semaphore_mem>>)
        %dma_wait3A = arith.constant 0 : i32
        %dma_wait3A_55 = tpu.memref_slice %arg12[%dma_wait3A] : memref<3136xf32, #tpu.memory_space<vmem>> -> memref<3128xf32, #tpu.memory_space<vmem>>
        %dma_wait3A_56 = tpu.memref_slice %arg6[%mul3A_3] : memref<100000xf32, #tpu.memory_space<hbm>> -> memref<3128xf32, #tpu.memory_space<hbm>>
        %dma_wait3A_57 = arith.constant 0 : i32
        %dma_wait3A_58 = tpu.memref_slice %arg12[%dma_wait3A_57] : memref<3136xf32, #tpu.memory_space<vmem>> -> memref<3128xf32, #tpu.memory_space<vmem>>
        %dma_wait3A_59 = tpu.memref_slice %arg6[%mul3A_3] : memref<100000xf32, #tpu.memory_space<hbm>> -> memref<3128xf32, #tpu.memory_space<hbm>>
        tpu.wait_dma2 semaphore(%run_scoped3A : memref<!tpu.dma_semaphore, #tpu.memory_space<semaphore_mem>>) src(%dma_wait3A_59 : memref<3128xf32, #tpu.memory_space<hbm>>) dst(%dma_wait3A_58 : memref<3128xf32, #tpu.memory_space<vmem>>)
        tpu.yield
      }) : () -> ()
    } else {
    }
    %convert_element_type3A_19 = arith.extui %eq3A_1 : i1 to i32
    %cond3A_20 = arith.constant 0 : i32
    %cond3A_21 = arith.cmpi ne, %convert_element_type3A_19, %cond3A_20 : i32
    scf.if %cond3A_21 {
      "tpu.region"() ({
        %run_scoped3A = tpu.sem_alloc : memref<!tpu.dma_semaphore, #tpu.memory_space<semaphore_mem>>
        %dma_start3A = arith.constant 0 : i32
        %dma_start3A_50 = tpu.memref_slice %arg8[%dma_start3A] : memref<3136xf32, #tpu.memory_space<vmem>> -> memref<3032xf32, #tpu.memory_space<vmem>>
        %dma_start3A_51 = tpu.memref_slice %arg2[%mul3A_3] : memref<100000xf32, #tpu.memory_space<hbm>> -> memref<3032xf32, #tpu.memory_space<hbm>>
        %dma_start3A_52 = arith.constant 0 : i32
        %dma_start3A_53 = tpu.memref_slice %arg8[%dma_start3A_52] : memref<3136xf32, #tpu.memory_space<vmem>> -> memref<3032xf32, #tpu.memory_space<vmem>>
        %dma_start3A_54 = tpu.memref_slice %arg2[%mul3A_3] : memref<100000xf32, #tpu.memory_space<hbm>> -> memref<3032xf32, #tpu.memory_space<hbm>>
        tpu.enqueue_dma source(%dma_start3A_54 : memref<3032xf32, #tpu.memory_space<hbm>>) target(%dma_start3A_53 : memref<3032xf32, #tpu.memory_space<vmem>>) target_semaphore(%run_scoped3A : memref<!tpu.dma_semaphore, #tpu.memory_space<semaphore_mem>>)
        %dma_wait3A = arith.constant 0 : i32
        %dma_wait3A_55 = tpu.memref_slice %arg8[%dma_wait3A] : memref<3136xf32, #tpu.memory_space<vmem>> -> memref<3032xf32, #tpu.memory_space<vmem>>
        %dma_wait3A_56 = tpu.memref_slice %arg2[%mul3A_3] : memref<100000xf32, #tpu.memory_space<hbm>> -> memref<3032xf32, #tpu.memory_space<hbm>>
        %dma_wait3A_57 = arith.constant 0 : i32
        %dma_wait3A_58 = tpu.memref_slice %arg8[%dma_wait3A_57] : memref<3136xf32, #tpu.memory_space<vmem>> -> memref<3032xf32, #tpu.memory_space<vmem>>
        %dma_wait3A_59 = tpu.memref_slice %arg2[%mul3A_3] : memref<100000xf32, #tpu.memory_space<hbm>> -> memref<3032xf32, #tpu.memory_space<hbm>>
        tpu.wait_dma2 semaphore(%run_scoped3A : memref<!tpu.dma_semaphore, #tpu.memory_space<semaphore_mem>>) src(%dma_wait3A_59 : memref<3032xf32, #tpu.memory_space<hbm>>) dst(%dma_wait3A_58 : memref<3032xf32, #tpu.memory_space<vmem>>)
        tpu.yield
      }) : () -> ()
      "tpu.region"() ({
        %run_scoped3A = tpu.sem_alloc : memref<!tpu.dma_semaphore, #tpu.memory_space<semaphore_mem>>
        %dma_start3A = arith.constant 0 : i32
        %dma_start3A_50 = tpu.memref_slice %arg9[%dma_start3A] : memref<3136xf32, #tpu.memory_space<vmem>> -> memref<3032xf32, #tpu.memory_space<vmem>>
        %dma_start3A_51 = tpu.memref_slice %arg3[%mul3A_3] : memref<100000xf32, #tpu.memory_space<hbm>> -> memref<3032xf32, #tpu.memory_space<hbm>>
        %dma_start3A_52 = arith.constant 0 : i32
        %dma_start3A_53 = tpu.memref_slice %arg9[%dma_start3A_52] : memref<3136xf32, #tpu.memory_space<vmem>> -> memref<3032xf32, #tpu.memory_space<vmem>>
        %dma_start3A_54 = tpu.memref_slice %arg3[%mul3A_3] : memref<100000xf32, #tpu.memory_space<hbm>> -> memref<3032xf32, #tpu.memory_space<hbm>>
        tpu.enqueue_dma source(%dma_start3A_54 : memref<3032xf32, #tpu.memory_space<hbm>>) target(%dma_start3A_53 : memref<3032xf32, #tpu.memory_space<vmem>>) target_semaphore(%run_scoped3A : memref<!tpu.dma_semaphore, #tpu.memory_space<semaphore_mem>>)
        %dma_wait3A = arith.constant 0 : i32
        %dma_wait3A_55 = tpu.memref_slice %arg9[%dma_wait3A] : memref<3136xf32, #tpu.memory_space<vmem>> -> memref<3032xf32, #tpu.memory_space<vmem>>
        %dma_wait3A_56 = tpu.memref_slice %arg3[%mul3A_3] : memref<100000xf32, #tpu.memory_space<hbm>> -> memref<3032xf32, #tpu.memory_space<hbm>>
        %dma_wait3A_57 = arith.constant 0 : i32
        %dma_wait3A_58 = tpu.memref_slice %arg9[%dma_wait3A_57] : memref<3136xf32, #tpu.memory_space<vmem>> -> memref<3032xf32, #tpu.memory_space<vmem>>
        %dma_wait3A_59 = tpu.memref_slice %arg3[%mul3A_3] : memref<100000xf32, #tpu.memory_space<hbm>> -> memref<3032xf32, #tpu.memory_space<hbm>>
        tpu.wait_dma2 semaphore(%run_scoped3A : memref<!tpu.dma_semaphore, #tpu.memory_space<semaphore_mem>>) src(%dma_wait3A_59 : memref<3032xf32, #tpu.memory_space<hbm>>) dst(%dma_wait3A_58 : memref<3032xf32, #tpu.memory_space<vmem>>)
        tpu.yield
      }) : () -> ()
      "tpu.region"() ({
        %run_scoped3A = tpu.sem_alloc : memref<!tpu.dma_semaphore, #tpu.memory_space<semaphore_mem>>
        %dma_start3A = arith.constant 0 : i32
        %dma_start3A_50 = tpu.memref_slice %arg10[%dma_start3A] : memref<3136xf32, #tpu.memory_space<vmem>> -> memref<3032xf32, #tpu.memory_space<vmem>>
        %dma_start3A_51 = tpu.memref_slice %arg4[%mul3A_3] : memref<100000xf32, #tpu.memory_space<hbm>> -> memref<3032xf32, #tpu.memory_space<hbm>>
        %dma_start3A_52 = arith.constant 0 : i32
        %dma_start3A_53 = tpu.memref_slice %arg10[%dma_start3A_52] : memref<3136xf32, #tpu.memory_space<vmem>> -> memref<3032xf32, #tpu.memory_space<vmem>>
        %dma_start3A_54 = tpu.memref_slice %arg4[%mul3A_3] : memref<100000xf32, #tpu.memory_space<hbm>> -> memref<3032xf32, #tpu.memory_space<hbm>>
        tpu.enqueue_dma source(%dma_start3A_54 : memref<3032xf32, #tpu.memory_space<hbm>>) target(%dma_start3A_53 : memref<3032xf32, #tpu.memory_space<vmem>>) target_semaphore(%run_scoped3A : memref<!tpu.dma_semaphore, #tpu.memory_space<semaphore_mem>>)
        %dma_wait3A = arith.constant 0 : i32
        %dma_wait3A_55 = tpu.memref_slice %arg10[%dma_wait3A] : memref<3136xf32, #tpu.memory_space<vmem>> -> memref<3032xf32, #tpu.memory_space<vmem>>
        %dma_wait3A_56 = tpu.memref_slice %arg4[%mul3A_3] : memref<100000xf32, #tpu.memory_space<hbm>> -> memref<3032xf32, #tpu.memory_space<hbm>>
        %dma_wait3A_57 = arith.constant 0 : i32
        %dma_wait3A_58 = tpu.memref_slice %arg10[%dma_wait3A_57] : memref<3136xf32, #tpu.memory_space<vmem>> -> memref<3032xf32, #tpu.memory_space<vmem>>
        %dma_wait3A_59 = tpu.memref_slice %arg4[%mul3A_3] : memref<100000xf32, #tpu.memory_space<hbm>> -> memref<3032xf32, #tpu.memory_space<hbm>>
        tpu.wait_dma2 semaphore(%run_scoped3A : memref<!tpu.dma_semaphore, #tpu.memory_space<semaphore_mem>>) src(%dma_wait3A_59 : memref<3032xf32, #tpu.memory_space<hbm>>) dst(%dma_wait3A_58 : memref<3032xf32, #tpu.memory_space<vmem>>)
        tpu.yield
      }) : () -> ()
      "tpu.region"() ({
        %run_scoped3A = tpu.sem_alloc : memref<!tpu.dma_semaphore, #tpu.memory_space<semaphore_mem>>
        %dma_start3A = arith.constant 0 : i32
        %dma_start3A_50 = tpu.memref_slice %arg11[%dma_start3A] : memref<3136xf32, #tpu.memory_space<vmem>> -> memref<3032xf32, #tpu.memory_space<vmem>>
        %dma_start3A_51 = tpu.memref_slice %arg5[%mul3A_3] : memref<100000xf32, #tpu.memory_space<hbm>> -> memref<3032xf32, #tpu.memory_space<hbm>>
        %dma_start3A_52 = arith.constant 0 : i32
        %dma_start3A_53 = tpu.memref_slice %arg11[%dma_start3A_52] : memref<3136xf32, #tpu.memory_space<vmem>> -> memref<3032xf32, #tpu.memory_space<vmem>>
        %dma_start3A_54 = tpu.memref_slice %arg5[%mul3A_3] : memref<100000xf32, #tpu.memory_space<hbm>> -> memref<3032xf32, #tpu.memory_space<hbm>>
        tpu.enqueue_dma source(%dma_start3A_54 : memref<3032xf32, #tpu.memory_space<hbm>>) target(%dma_start3A_53 : memref<3032xf32, #tpu.memory_space<vmem>>) target_semaphore(%run_scoped3A : memref<!tpu.dma_semaphore, #tpu.memory_space<semaphore_mem>>)
        %dma_wait3A = arith.constant 0 : i32
        %dma_wait3A_55 = tpu.memref_slice %arg11[%dma_wait3A] : memref<3136xf32, #tpu.memory_space<vmem>> -> memref<3032xf32, #tpu.memory_space<vmem>>
        %dma_wait3A_56 = tpu.memref_slice %arg5[%mul3A_3] : memref<100000xf32, #tpu.memory_space<hbm>> -> memref<3032xf32, #tpu.memory_space<hbm>>
        %dma_wait3A_57 = arith.constant 0 : i32
        %dma_wait3A_58 = tpu.memref_slice %arg11[%dma_wait3A_57] : memref<3136xf32, #tpu.memory_space<vmem>> -> memref<3032xf32, #tpu.memory_space<vmem>>
        %dma_wait3A_59 = tpu.memref_slice %arg5[%mul3A_3] : memref<100000xf32, #tpu.memory_space<hbm>> -> memref<3032xf32, #tpu.memory_space<hbm>>
        tpu.wait_dma2 semaphore(%run_scoped3A : memref<!tpu.dma_semaphore, #tpu.memory_space<semaphore_mem>>) src(%dma_wait3A_59 : memref<3032xf32, #tpu.memory_space<hbm>>) dst(%dma_wait3A_58 : memref<3032xf32, #tpu.memory_space<vmem>>)
        tpu.yield
      }) : () -> ()
      "tpu.region"() ({
        %run_scoped3A = tpu.sem_alloc : memref<!tpu.dma_semaphore, #tpu.memory_space<semaphore_mem>>
        %dma_start3A = arith.constant 0 : i32
        %dma_start3A_50 = tpu.memref_slice %arg12[%dma_start3A] : memref<3136xf32, #tpu.memory_space<vmem>> -> memref<3032xf32, #tpu.memory_space<vmem>>
        %dma_start3A_51 = tpu.memref_slice %arg6[%mul3A_3] : memref<100000xf32, #tpu.memory_space<hbm>> -> memref<3032xf32, #tpu.memory_space<hbm>>
        %dma_start3A_52 = arith.constant 0 : i32
        %dma_start3A_53 = tpu.memref_slice %arg12[%dma_start3A_52] : memref<3136xf32, #tpu.memory_space<vmem>> -> memref<3032xf32, #tpu.memory_space<vmem>>
        %dma_start3A_54 = tpu.memref_slice %arg6[%mul3A_3] : memref<100000xf32, #tpu.memory_space<hbm>> -> memref<3032xf32, #tpu.memory_space<hbm>>
        tpu.enqueue_dma source(%dma_start3A_54 : memref<3032xf32, #tpu.memory_space<hbm>>) target(%dma_start3A_53 : memref<3032xf32, #tpu.memory_space<vmem>>) target_semaphore(%run_scoped3A : memref<!tpu.dma_semaphore, #tpu.memory_space<semaphore_mem>>)
        %dma_wait3A = arith.constant 0 : i32
        %dma_wait3A_55 = tpu.memref_slice %arg12[%dma_wait3A] : memref<3136xf32, #tpu.memory_space<vmem>> -> memref<3032xf32, #tpu.memory_space<vmem>>
        %dma_wait3A_56 = tpu.memref_slice %arg6[%mul3A_3] : memref<100000xf32, #tpu.memory_space<hbm>> -> memref<3032xf32, #tpu.memory_space<hbm>>
        %dma_wait3A_57 = arith.constant 0 : i32
        %dma_wait3A_58 = tpu.memref_slice %arg12[%dma_wait3A_57] : memref<3136xf32, #tpu.memory_space<vmem>> -> memref<3032xf32, #tpu.memory_space<vmem>>
        %dma_wait3A_59 = tpu.memref_slice %arg6[%mul3A_3] : memref<100000xf32, #tpu.memory_space<hbm>> -> memref<3032xf32, #tpu.memory_space<hbm>>
        tpu.wait_dma2 semaphore(%run_scoped3A : memref<!tpu.dma_semaphore, #tpu.memory_space<semaphore_mem>>) src(%dma_wait3A_59 : memref<3032xf32, #tpu.memory_space<hbm>>) dst(%dma_wait3A_58 : memref<3032xf32, #tpu.memory_space<vmem>>)
        tpu.yield
      }) : () -> ()
    } else {
    }
    %broadcast_in_dim3A_22 = arith.constant 0.000000e+00 : f32
    %broadcast_in_dim3A_23 = vector.broadcast %broadcast_in_dim3A_22 : f32 to vector<16xf32>
    %iota3A = tpu.iota {dimensions = array<i32: 0>} : vector<16xi32>
    %broadcast_in_dim3A_24 = arith.constant 3120 : i32
    %broadcast_in_dim3A_25 = vector.broadcast %broadcast_in_dim3A_24 : i32 to vector<16xi32>
    %parallel_loop3A = arith.constant 0 : i32
    %parallel_loop3A_26 = arith.constant 4096 : i32
    %parallel_loop3A_27 = arith.constant 1 : i32
    scf.for %parallel_loop3A_50 = %parallel_loop3A to %parallel_loop3A_26 step %parallel_loop3A_27  : i32 {
      %parallel_loop3A_51 = arith.constant 16 : i32
      %parallel_loop3A_52 = arith.muli %parallel_loop3A_50, %parallel_loop3A_51 : i32
      %parallel_loop3A_53 = arith.index_cast %parallel_loop3A_52 : i32 to index
      %parallel_loop3A_54 = tpu.vector_load %arg14[%parallel_loop3A_53] {strides = array<i32>} : memref<65536xf32, #tpu.memory_space<vmem>>, vector<16xf32>,
      tpu.vector_store %arg14[%parallel_loop3A_53], %broadcast_in_dim3A_23 {strides = array<i32>} : memref<65536xf32, #tpu.memory_space<vmem>>, vector<16xf32>,
    } {sc.loop_unroll_factor = 4 : i64, sc.parallel_access}
    %parallel_loop3A_28 = arith.constant 0 : i32
    %parallel_loop3A_29 = arith.constant 197 : i32
    %parallel_loop3A_30 = arith.constant 1 : i32
    scf.for %parallel_loop3A_50 = %parallel_loop3A_28 to %parallel_loop3A_29 step %parallel_loop3A_30  : i32 {
      %parallel_loop3A_51 = arith.constant 16 : i32
      %parallel_loop3A_52 = arith.muli %parallel_loop3A_50, %parallel_loop3A_51 : i32
      %parallel_loop3A_53 = arith.index_cast %parallel_loop3A_52 : i32 to index
      %parallel_loop3A_54 = tpu.vector_load %arg13[%parallel_loop3A_53] {strides = array<i32>} : memref<3152xi32, #tpu.memory_space<vmem>>, vector<16xi32>,
      tpu.vector_store %arg13[%parallel_loop3A_53], %broadcast_in_dim3A_25 {strides = array<i32>} : memref<3152xi32, #tpu.memory_space<vmem>>, vector<16xi32>,
    } {sc.loop_unroll_factor = 1 : i64, sc.parallel_access}
    %parallel_loop3A_31 = arith.constant 0 : i32
    %parallel_loop3A_32 = arith.constant 196 : i32
    %parallel_loop3A_33 = arith.constant 1 : i32
    %parallel_loop3A_34 = arith.constant 0 : i32
    %parallel_loop3A_35 = scf.for %parallel_loop3A_50 = %parallel_loop3A_31 to %parallel_loop3A_32 step %parallel_loop3A_33 iter_args(%parallel_loop3A_51 = %parallel_loop3A_34) -> (i32)  : i32 {
      %parallel_loop3A_52 = arith.constant 16 : i32
      %parallel_loop3A_53 = arith.muli %parallel_loop3A_50, %parallel_loop3A_52 : i32
      %parallel_loop3A_54 = arith.index_cast %parallel_loop3A_53 : i32 to index
      %parallel_loop3A_55 = tpu.vector_load %arg8[%parallel_loop3A_54] {strides = array<i32>} : memref<3136xf32, #tpu.memory_space<vmem>>, vector<16xf32>,
      %parallel_loop3A_56 = arith.index_cast %parallel_loop3A_53 : i32 to index
      %parallel_loop3A_57 = tpu.vector_load %arg9[%parallel_loop3A_56] {strides = array<i32>} : memref<3136xf32, #tpu.memory_space<vmem>>, vector<16xf32>,
      %parallel_loop3A_58 = arith.index_cast %parallel_loop3A_53 : i32 to index
      %parallel_loop3A_59 = tpu.vector_load %arg10[%parallel_loop3A_58] {strides = array<i32>} : memref<3136xf32, #tpu.memory_space<vmem>>, vector<16xf32>,
      %parallel_loop3A_60 = arith.index_cast %parallel_loop3A_53 : i32 to index
      %parallel_loop3A_61 = tpu.vector_load %arg11[%parallel_loop3A_60] {strides = array<i32>} : memref<3136xf32, #tpu.memory_space<vmem>>, vector<16xf32>,
      %parallel_loop3A_62 = arith.index_cast %parallel_loop3A_53 : i32 to index
      %parallel_loop3A_63 = tpu.vector_load %arg12[%parallel_loop3A_62] {strides = array<i32>} : memref<3136xf32, #tpu.memory_space<vmem>>, vector<16xf32>,
      %parallel_loop3A_64 = arith.constant 0.00552427163 : f32
      %parallel_loop3A_65 = vector.broadcast %parallel_loop3A_64 : f32 to vector<16xf32>
      %parallel_loop3A_66 = arith.maximumf %parallel_loop3A_59, %parallel_loop3A_65 : vector<16xf32>
      %parallel_loop3A_67 = arith.constant 0.00552427163 : f32
      %parallel_loop3A_68 = vector.broadcast %parallel_loop3A_67 : f32 to vector<16xf32>
      %parallel_loop3A_69 = arith.maximumf %parallel_loop3A_61, %parallel_loop3A_68 : vector<16xf32>
      %parallel_loop3A_70 = arith.constant 5.000000e-01 : f32
      %parallel_loop3A_71 = vector.broadcast %parallel_loop3A_70 : f32 to vector<16xf32>
      %parallel_loop3A_72 = arith.mulf %parallel_loop3A_71, %parallel_loop3A_66 : vector<16xf32>
      %parallel_loop3A_73 = arith.constant 5.000000e-01 : f32
      %parallel_loop3A_74 = vector.broadcast %parallel_loop3A_73 : f32 to vector<16xf32>
      %parallel_loop3A_75 = arith.mulf %parallel_loop3A_74, %parallel_loop3A_69 : vector<16xf32>
      %parallel_loop3A_76 = arith.subf %parallel_loop3A_55, %parallel_loop3A_72 : vector<16xf32>
      %parallel_loop3A_77 = arith.addf %parallel_loop3A_55, %parallel_loop3A_72 : vector<16xf32>
      %parallel_loop3A_78 = arith.subf %parallel_loop3A_57, %parallel_loop3A_75 : vector<16xf32>
      %parallel_loop3A_79 = arith.addf %parallel_loop3A_57, %parallel_loop3A_75 : vector<16xf32>
      %parallel_loop3A_80 = arith.constant 6.553600e+02 : f32
      %parallel_loop3A_81 = vector.broadcast %parallel_loop3A_80 : f32 to vector<16xf32>
      %parallel_loop3A_82 = arith.mulf %parallel_loop3A_63, %parallel_loop3A_81 : vector<16xf32>
      %parallel_loop3A_83 = arith.mulf %parallel_loop3A_66, %parallel_loop3A_69 : vector<16xf32>
      %parallel_loop3A_84 = arith.divf %parallel_loop3A_82, %parallel_loop3A_83 : vector<16xf32>
      %parallel_loop3A_85 = arith.constant 2.560000e+02 : f32
      %parallel_loop3A_86 = vector.broadcast %parallel_loop3A_85 : f32 to vector<16xf32>
      %parallel_loop3A_87 = arith.mulf %parallel_loop3A_76, %parallel_loop3A_86 : vector<16xf32>
      %parallel_loop3A_88 = arith.constant 1.024000e+03 : f32
      %parallel_loop3A_89 = vector.broadcast %parallel_loop3A_88 : f32 to vector<16xf32>
      %parallel_loop3A_90 = arith.addf %parallel_loop3A_87, %parallel_loop3A_89 : vector<16xf32>
      %parallel_loop3A_91 = arith.fptosi %parallel_loop3A_90 : vector<16xf32> to vector<16xi32>
      %parallel_loop3A_92 = arith.constant 1024 : i32
      %parallel_loop3A_93 = vector.broadcast %parallel_loop3A_92 : i32 to vector<16xi32>
      %parallel_loop3A_94 = arith.subi %parallel_loop3A_91, %parallel_loop3A_93 : vector<16xi32>
      %parallel_loop3A_95 = arith.constant 2.560000e+02 : f32
      %parallel_loop3A_96 = vector.broadcast %parallel_loop3A_95 : f32 to vector<16xf32>
      %parallel_loop3A_97 = arith.mulf %parallel_loop3A_78, %parallel_loop3A_96 : vector<16xf32>
      %parallel_loop3A_98 = arith.constant 1.024000e+03 : f32
      %parallel_loop3A_99 = vector.broadcast %parallel_loop3A_98 : f32 to vector<16xf32>
      %parallel_loop3A_100 = arith.addf %parallel_loop3A_97, %parallel_loop3A_99 : vector<16xf32>
      %parallel_loop3A_101 = arith.fptosi %parallel_loop3A_100 : vector<16xf32> to vector<16xi32>
      %parallel_loop3A_102 = arith.constant 1024 : i32
      %parallel_loop3A_103 = vector.broadcast %parallel_loop3A_102 : i32 to vector<16xi32>
      %parallel_loop3A_104 = arith.subi %parallel_loop3A_101, %parallel_loop3A_103 : vector<16xi32>
      %parallel_loop3A_105 = arith.constant 2.560000e+02 : f32
      %parallel_loop3A_106 = vector.broadcast %parallel_loop3A_105 : f32 to vector<16xf32>
      %parallel_loop3A_107 = arith.mulf %parallel_loop3A_77, %parallel_loop3A_106 : vector<16xf32>
      %parallel_loop3A_108 = arith.constant 1.024000e+03 : f32
      %parallel_loop3A_109 = vector.broadcast %parallel_loop3A_108 : f32 to vector<16xf32>
      %parallel_loop3A_110 = arith.addf %parallel_loop3A_107, %parallel_loop3A_109 : vector<16xf32>
      %parallel_loop3A_111 = arith.fptosi %parallel_loop3A_110 : vector<16xf32> to vector<16xi32>
      %parallel_loop3A_112 = arith.constant 1024 : i32
      %parallel_loop3A_113 = vector.broadcast %parallel_loop3A_112 : i32 to vector<16xi32>
      %parallel_loop3A_114 = arith.subi %parallel_loop3A_111, %parallel_loop3A_113 : vector<16xi32>
      %parallel_loop3A_115 = arith.constant 2.560000e+02 : f32
      %parallel_loop3A_116 = vector.broadcast %parallel_loop3A_115 : f32 to vector<16xf32>
      %parallel_loop3A_117 = arith.mulf %parallel_loop3A_79, %parallel_loop3A_116 : vector<16xf32>
      %parallel_loop3A_118 = arith.constant 1.024000e+03 : f32
      %parallel_loop3A_119 = vector.broadcast %parallel_loop3A_118 : f32 to vector<16xf32>
      %parallel_loop3A_120 = arith.addf %parallel_loop3A_117, %parallel_loop3A_119 : vector<16xf32>
      %parallel_loop3A_121 = arith.fptosi %parallel_loop3A_120 : vector<16xf32> to vector<16xi32>
      %parallel_loop3A_122 = arith.constant 1024 : i32
      %parallel_loop3A_123 = vector.broadcast %parallel_loop3A_122 : i32 to vector<16xi32>
      %parallel_loop3A_124 = arith.subi %parallel_loop3A_121, %parallel_loop3A_123 : vector<16xi32>
      %parallel_loop3A_125 = arith.subi %parallel_loop3A_114, %parallel_loop3A_94 : vector<16xi32>
      %parallel_loop3A_126 = arith.constant 6 : i32
      %parallel_loop3A_127 = vector.broadcast %parallel_loop3A_126 : i32 to vector<16xi32>
      %parallel_loop3A_128 = arith.cmpi sge, %parallel_loop3A_125, %parallel_loop3A_127 : vector<16xi32>
      %parallel_loop3A_129 = arith.subi %parallel_loop3A_124, %parallel_loop3A_104 : vector<16xi32>
      %parallel_loop3A_130 = arith.constant 6 : i32
      %parallel_loop3A_131 = vector.broadcast %parallel_loop3A_130 : i32 to vector<16xi32>
      %parallel_loop3A_132 = arith.cmpi sge, %parallel_loop3A_129, %parallel_loop3A_131 : vector<16xi32>
      %parallel_loop3A_133 = arith.ori %parallel_loop3A_128, %parallel_loop3A_132 : vector<16xi1>
      %parallel_loop3A_134 = vector.broadcast %parallel_loop3A_53 : i32 to vector<16xi32>
      %parallel_loop3A_135 = arith.addi %parallel_loop3A_134, %iota3A : vector<16xi32>
      %parallel_loop3A_136 = arith.index_cast %parallel_loop3A_51 : i32 to index
      %parallel_loop3A_137 = tpu.vector_load %arg13[%parallel_loop3A_136] masked %parallel_loop3A_133 {strides = array<i32>} : memref<3152xi32, #tpu.memory_space<vmem>>, vector<16xi32>, vector<16xi1>
      tpu.vector_store %arg13[%parallel_loop3A_136], %parallel_loop3A_135 masked %parallel_loop3A_133 {strides = array<i32>} : memref<3152xi32, #tpu.memory_space<vmem>>, vector<16xi32>, vector<16xi1>
      %parallel_loop3A_138 = tpu.all_reduce %parallel_loop3A_133 {dim = 0 : i64, kind = #tpu.reduction_kind<sum>} : vector<16xi1> -> vector<16xi32>
      %parallel_loop3A_139 = arith.sitofp %parallel_loop3A_104 : vector<16xi32> to vector<16xf32>
      %parallel_loop3A_140 = arith.constant 3.906250e-03 : f32
      %parallel_loop3A_141 = vector.broadcast %parallel_loop3A_140 : f32 to vector<16xf32>
      %parallel_loop3A_142 = arith.mulf %parallel_loop3A_139, %parallel_loop3A_141 : vector<16xf32>
      %parallel_loop3A_143 = arith.constant 0 : i32
      %parallel_loop3A_144 = vector.broadcast %parallel_loop3A_143 : i32 to vector<16xi32>
      %parallel_loop3A_145 = arith.addi %parallel_loop3A_104, %parallel_loop3A_144 : vector<16xi32>
      %parallel_loop3A_146 = arith.constant 3.906250e-03 : f32
      %parallel_loop3A_147 = vector.broadcast %parallel_loop3A_146 : f32 to vector<16xf32>
      %parallel_loop3A_148 = arith.addf %parallel_loop3A_142, %parallel_loop3A_147 : vector<16xf32>
      %parallel_loop3A_149 = arith.minimumf %parallel_loop3A_79, %parallel_loop3A_148 : vector<16xf32>
      %parallel_loop3A_150 = arith.constant 0.000000e+00 : f32
      %parallel_loop3A_151 = vector.broadcast %parallel_loop3A_150 : f32 to vector<16xf32>
      %parallel_loop3A_152 = arith.addf %parallel_loop3A_142, %parallel_loop3A_151 : vector<16xf32>
      %parallel_loop3A_153 = arith.maximumf %parallel_loop3A_78, %parallel_loop3A_152 : vector<16xf32>
      %parallel_loop3A_154 = arith.subf %parallel_loop3A_149, %parallel_loop3A_153 : vector<16xf32>
      %parallel_loop3A_155 = arith.constant 0.000000e+00 : f32
      %parallel_loop3A_156 = vector.broadcast %parallel_loop3A_155 : f32 to vector<16xf32>
      %parallel_loop3A_157 = arith.maximumf %parallel_loop3A_154, %parallel_loop3A_156 : vector<16xf32>
      %parallel_loop3A_158 = tpu.bitcast %parallel_loop3A_145 : vector<16xi32> -> vector<16xi32>
      %parallel_loop3A_159 = arith.constant 256 : i32
      %parallel_loop3A_160 = vector.broadcast %parallel_loop3A_159 : i32 to vector<16xi32>
      %parallel_loop3A_161 = arith.cmpi ult, %parallel_loop3A_158, %parallel_loop3A_160 : vector<16xi32>
      %parallel_loop3A_162 = arith.constant 0.000000e+00 : f32
      %parallel_loop3A_163 = vector.broadcast %parallel_loop3A_162 : f32 to vector<16xf32>
      %parallel_loop3A_164 = arith.select %parallel_loop3A_161, %parallel_loop3A_157, %parallel_loop3A_163 : vector<16xi1>, vector<16xf32>
      %parallel_loop3A_165 = arith.constant 0 : i32
      %parallel_loop3A_166 = arith.constant 255 : i32
      %parallel_loop3A_167 = vector.broadcast %parallel_loop3A_165 : i32 to vector<16xi32>
      %parallel_loop3A_168 = arith.maxsi %parallel_loop3A_167, %parallel_loop3A_145 : vector<16xi32>
      %parallel_loop3A_169 = vector.broadcast %parallel_loop3A_166 : i32 to vector<16xi32>
      %parallel_loop3A_170 = arith.minsi %parallel_loop3A_169, %parallel_loop3A_168 : vector<16xi32>
      %parallel_loop3A_171 = arith.constant 1 : i32
      %parallel_loop3A_172 = vector.broadcast %parallel_loop3A_171 : i32 to vector<16xi32>
      %parallel_loop3A_173 = arith.addi %parallel_loop3A_104, %parallel_loop3A_172 : vector<16xi32>
      %parallel_loop3A_174 = arith.constant 7.812500e-03 : f32
      %parallel_loop3A_175 = vector.broadcast %parallel_loop3A_174 : f32 to vector<16xf32>
      %parallel_loop3A_176 = arith.addf %parallel_loop3A_142, %parallel_loop3A_175 : vector<16xf32>
      %parallel_loop3A_177 = arith.minimumf %parallel_loop3A_79, %parallel_loop3A_176 : vector<16xf32>
      %parallel_loop3A_178 = arith.constant 3.906250e-03 : f32
      %parallel_loop3A_179 = vector.broadcast %parallel_loop3A_178 : f32 to vector<16xf32>
      %parallel_loop3A_180 = arith.addf %parallel_loop3A_142, %parallel_loop3A_179 : vector<16xf32>
      %parallel_loop3A_181 = arith.maximumf %parallel_loop3A_78, %parallel_loop3A_180 : vector<16xf32>
      %parallel_loop3A_182 = arith.subf %parallel_loop3A_177, %parallel_loop3A_181 : vector<16xf32>
      %parallel_loop3A_183 = arith.constant 0.000000e+00 : f32
      %parallel_loop3A_184 = vector.broadcast %parallel_loop3A_183 : f32 to vector<16xf32>
      %parallel_loop3A_185 = arith.maximumf %parallel_loop3A_182, %parallel_loop3A_184 : vector<16xf32>
      %parallel_loop3A_186 = tpu.bitcast %parallel_loop3A_173 : vector<16xi32> -> vector<16xi32>
      %parallel_loop3A_187 = arith.constant 256 : i32
      %parallel_loop3A_188 = vector.broadcast %parallel_loop3A_187 : i32 to vector<16xi32>
      %parallel_loop3A_189 = arith.cmpi ult, %parallel_loop3A_186, %parallel_loop3A_188 : vector<16xi32>
      %parallel_loop3A_190 = arith.constant 0.000000e+00 : f32
      %parallel_loop3A_191 = vector.broadcast %parallel_loop3A_190 : f32 to vector<16xf32>
      %parallel_loop3A_192 = arith.select %parallel_loop3A_189, %parallel_loop3A_185, %parallel_loop3A_191 : vector<16xi1>, vector<16xf32>
      %parallel_loop3A_193 = arith.constant 0 : i32
      %parallel_loop3A_194 = arith.constant 255 : i32
      %parallel_loop3A_195 = vector.broadcast %parallel_loop3A_193 : i32 to vector<16xi32>
      %parallel_loop3A_196 = arith.maxsi %parallel_loop3A_195, %parallel_loop3A_173 : vector<16xi32>
      %parallel_loop3A_197 = vector.broadcast %parallel_loop3A_194 : i32 to vector<16xi32>
      %parallel_loop3A_198 = arith.minsi %parallel_loop3A_197, %parallel_loop3A_196 : vector<16xi32>
      %parallel_loop3A_199 = arith.constant 2 : i32
      %parallel_loop3A_200 = vector.broadcast %parallel_loop3A_199 : i32 to vector<16xi32>
      %parallel_loop3A_201 = arith.addi %parallel_loop3A_104, %parallel_loop3A_200 : vector<16xi32>
      %parallel_loop3A_202 = arith.constant 0.01171875 : f32
      %parallel_loop3A_203 = vector.broadcast %parallel_loop3A_202 : f32 to vector<16xf32>
      %parallel_loop3A_204 = arith.addf %parallel_loop3A_142, %parallel_loop3A_203 : vector<16xf32>
      %parallel_loop3A_205 = arith.minimumf %parallel_loop3A_79, %parallel_loop3A_204 : vector<16xf32>
      %parallel_loop3A_206 = arith.constant 7.812500e-03 : f32
      %parallel_loop3A_207 = vector.broadcast %parallel_loop3A_206 : f32 to vector<16xf32>
      %parallel_loop3A_208 = arith.addf %parallel_loop3A_142, %parallel_loop3A_207 : vector<16xf32>
      %parallel_loop3A_209 = arith.maximumf %parallel_loop3A_78, %parallel_loop3A_208 : vector<16xf32>
      %parallel_loop3A_210 = arith.subf %parallel_loop3A_205, %parallel_loop3A_209 : vector<16xf32>
      %parallel_loop3A_211 = arith.constant 0.000000e+00 : f32
      %parallel_loop3A_212 = vector.broadcast %parallel_loop3A_211 : f32 to vector<16xf32>
      %parallel_loop3A_213 = arith.maximumf %parallel_loop3A_210, %parallel_loop3A_212 : vector<16xf32>
      %parallel_loop3A_214 = tpu.bitcast %parallel_loop3A_201 : vector<16xi32> -> vector<16xi32>
      %parallel_loop3A_215 = arith.constant 256 : i32
      %parallel_loop3A_216 = vector.broadcast %parallel_loop3A_215 : i32 to vector<16xi32>
      %parallel_loop3A_217 = arith.cmpi ult, %parallel_loop3A_214, %parallel_loop3A_216 : vector<16xi32>
      %parallel_loop3A_218 = arith.constant 0.000000e+00 : f32
      %parallel_loop3A_219 = vector.broadcast %parallel_loop3A_218 : f32 to vector<16xf32>
      %parallel_loop3A_220 = arith.select %parallel_loop3A_217, %parallel_loop3A_213, %parallel_loop3A_219 : vector<16xi1>, vector<16xf32>
      %parallel_loop3A_221 = arith.constant 0 : i32
      %parallel_loop3A_222 = arith.constant 255 : i32
      %parallel_loop3A_223 = vector.broadcast %parallel_loop3A_221 : i32 to vector<16xi32>
      %parallel_loop3A_224 = arith.maxsi %parallel_loop3A_223, %parallel_loop3A_201 : vector<16xi32>
      %parallel_loop3A_225 = vector.broadcast %parallel_loop3A_222 : i32 to vector<16xi32>
      %parallel_loop3A_226 = arith.minsi %parallel_loop3A_225, %parallel_loop3A_224 : vector<16xi32>
      %parallel_loop3A_227 = arith.constant 3 : i32
      %parallel_loop3A_228 = vector.broadcast %parallel_loop3A_227 : i32 to vector<16xi32>
      %parallel_loop3A_229 = arith.addi %parallel_loop3A_104, %parallel_loop3A_228 : vector<16xi32>
      %parallel_loop3A_230 = arith.constant 1.562500e-02 : f32
      %parallel_loop3A_231 = vector.broadcast %parallel_loop3A_230 : f32 to vector<16xf32>
      %parallel_loop3A_232 = arith.addf %parallel_loop3A_142, %parallel_loop3A_231 : vector<16xf32>
      %parallel_loop3A_233 = arith.minimumf %parallel_loop3A_79, %parallel_loop3A_232 : vector<16xf32>
      %parallel_loop3A_234 = arith.constant 0.01171875 : f32
      %parallel_loop3A_235 = vector.broadcast %parallel_loop3A_234 : f32 to vector<16xf32>
      %parallel_loop3A_236 = arith.addf %parallel_loop3A_142, %parallel_loop3A_235 : vector<16xf32>
      %parallel_loop3A_237 = arith.maximumf %parallel_loop3A_78, %parallel_loop3A_236 : vector<16xf32>
      %parallel_loop3A_238 = arith.subf %parallel_loop3A_233, %parallel_loop3A_237 : vector<16xf32>
      %parallel_loop3A_239 = arith.constant 0.000000e+00 : f32
      %parallel_loop3A_240 = vector.broadcast %parallel_loop3A_239 : f32 to vector<16xf32>
      %parallel_loop3A_241 = arith.maximumf %parallel_loop3A_238, %parallel_loop3A_240 : vector<16xf32>
      %parallel_loop3A_242 = tpu.bitcast %parallel_loop3A_229 : vector<16xi32> -> vector<16xi32>
      %parallel_loop3A_243 = arith.constant 256 : i32
      %parallel_loop3A_244 = vector.broadcast %parallel_loop3A_243 : i32 to vector<16xi32>
      %parallel_loop3A_245 = arith.cmpi ult, %parallel_loop3A_242, %parallel_loop3A_244 : vector<16xi32>
      %parallel_loop3A_246 = arith.constant 0.000000e+00 : f32
      %parallel_loop3A_247 = vector.broadcast %parallel_loop3A_246 : f32 to vector<16xf32>
      %parallel_loop3A_248 = arith.select %parallel_loop3A_245, %parallel_loop3A_241, %parallel_loop3A_247 : vector<16xi1>, vector<16xf32>
      %parallel_loop3A_249 = arith.constant 0 : i32
      %parallel_loop3A_250 = arith.constant 255 : i32
      %parallel_loop3A_251 = vector.broadcast %parallel_loop3A_249 : i32 to vector<16xi32>
      %parallel_loop3A_252 = arith.maxsi %parallel_loop3A_251, %parallel_loop3A_229 : vector<16xi32>
      %parallel_loop3A_253 = vector.broadcast %parallel_loop3A_250 : i32 to vector<16xi32>
      %parallel_loop3A_254 = arith.minsi %parallel_loop3A_253, %parallel_loop3A_252 : vector<16xi32>
      %parallel_loop3A_255 = arith.constant 4 : i32
      %parallel_loop3A_256 = vector.broadcast %parallel_loop3A_255 : i32 to vector<16xi32>
      %parallel_loop3A_257 = arith.addi %parallel_loop3A_104, %parallel_loop3A_256 : vector<16xi32>
      %parallel_loop3A_258 = arith.constant 0.01953125 : f32
      %parallel_loop3A_259 = vector.broadcast %parallel_loop3A_258 : f32 to vector<16xf32>
      %parallel_loop3A_260 = arith.addf %parallel_loop3A_142, %parallel_loop3A_259 : vector<16xf32>
      %parallel_loop3A_261 = arith.minimumf %parallel_loop3A_79, %parallel_loop3A_260 : vector<16xf32>
      %parallel_loop3A_262 = arith.constant 1.562500e-02 : f32
      %parallel_loop3A_263 = vector.broadcast %parallel_loop3A_262 : f32 to vector<16xf32>
      %parallel_loop3A_264 = arith.addf %parallel_loop3A_142, %parallel_loop3A_263 : vector<16xf32>
      %parallel_loop3A_265 = arith.maximumf %parallel_loop3A_78, %parallel_loop3A_264 : vector<16xf32>
      %parallel_loop3A_266 = arith.subf %parallel_loop3A_261, %parallel_loop3A_265 : vector<16xf32>
      %parallel_loop3A_267 = arith.constant 0.000000e+00 : f32
      %parallel_loop3A_268 = vector.broadcast %parallel_loop3A_267 : f32 to vector<16xf32>
      %parallel_loop3A_269 = arith.maximumf %parallel_loop3A_266, %parallel_loop3A_268 : vector<16xf32>
      %parallel_loop3A_270 = tpu.bitcast %parallel_loop3A_257 : vector<16xi32> -> vector<16xi32>
      %parallel_loop3A_271 = arith.constant 256 : i32
      %parallel_loop3A_272 = vector.broadcast %parallel_loop3A_271 : i32 to vector<16xi32>
      %parallel_loop3A_273 = arith.cmpi ult, %parallel_loop3A_270, %parallel_loop3A_272 : vector<16xi32>
      %parallel_loop3A_274 = arith.constant 0.000000e+00 : f32
      %parallel_loop3A_275 = vector.broadcast %parallel_loop3A_274 : f32 to vector<16xf32>
      %parallel_loop3A_276 = arith.select %parallel_loop3A_273, %parallel_loop3A_269, %parallel_loop3A_275 : vector<16xi1>, vector<16xf32>
      %parallel_loop3A_277 = arith.constant 0 : i32
      %parallel_loop3A_278 = arith.constant 255 : i32
      %parallel_loop3A_279 = vector.broadcast %parallel_loop3A_277 : i32 to vector<16xi32>
      %parallel_loop3A_280 = arith.maxsi %parallel_loop3A_279, %parallel_loop3A_257 : vector<16xi32>
      %parallel_loop3A_281 = vector.broadcast %parallel_loop3A_278 : i32 to vector<16xi32>
      %parallel_loop3A_282 = arith.minsi %parallel_loop3A_281, %parallel_loop3A_280 : vector<16xi32>
      %parallel_loop3A_283 = arith.constant 5 : i32
      %parallel_loop3A_284 = vector.broadcast %parallel_loop3A_283 : i32 to vector<16xi32>
      %parallel_loop3A_285 = arith.addi %parallel_loop3A_104, %parallel_loop3A_284 : vector<16xi32>
      %parallel_loop3A_286 = arith.constant 2.343750e-02 : f32
      %parallel_loop3A_287 = vector.broadcast %parallel_loop3A_286 : f32 to vector<16xf32>
      %parallel_loop3A_288 = arith.addf %parallel_loop3A_142, %parallel_loop3A_287 : vector<16xf32>
      %parallel_loop3A_289 = arith.minimumf %parallel_loop3A_79, %parallel_loop3A_288 : vector<16xf32>
      %parallel_loop3A_290 = arith.constant 0.01953125 : f32
      %parallel_loop3A_291 = vector.broadcast %parallel_loop3A_290 : f32 to vector<16xf32>
      %parallel_loop3A_292 = arith.addf %parallel_loop3A_142, %parallel_loop3A_291 : vector<16xf32>
      %parallel_loop3A_293 = arith.maximumf %parallel_loop3A_78, %parallel_loop3A_292 : vector<16xf32>
      %parallel_loop3A_294 = arith.subf %parallel_loop3A_289, %parallel_loop3A_293 : vector<16xf32>
      %parallel_loop3A_295 = arith.constant 0.000000e+00 : f32
      %parallel_loop3A_296 = vector.broadcast %parallel_loop3A_295 : f32 to vector<16xf32>
      %parallel_loop3A_297 = arith.maximumf %parallel_loop3A_294, %parallel_loop3A_296 : vector<16xf32>
      %parallel_loop3A_298 = tpu.bitcast %parallel_loop3A_285 : vector<16xi32> -> vector<16xi32>
      %parallel_loop3A_299 = arith.constant 256 : i32
      %parallel_loop3A_300 = vector.broadcast %parallel_loop3A_299 : i32 to vector<16xi32>
      %parallel_loop3A_301 = arith.cmpi ult, %parallel_loop3A_298, %parallel_loop3A_300 : vector<16xi32>
      %parallel_loop3A_302 = arith.constant 0.000000e+00 : f32
      %parallel_loop3A_303 = vector.broadcast %parallel_loop3A_302 : f32 to vector<16xf32>
      %parallel_loop3A_304 = arith.select %parallel_loop3A_301, %parallel_loop3A_297, %parallel_loop3A_303 : vector<16xi1>, vector<16xf32>
      %parallel_loop3A_305 = arith.constant 0 : i32
      %parallel_loop3A_306 = arith.constant 255 : i32
      %parallel_loop3A_307 = vector.broadcast %parallel_loop3A_305 : i32 to vector<16xi32>
      %parallel_loop3A_308 = arith.maxsi %parallel_loop3A_307, %parallel_loop3A_285 : vector<16xi32>
      %parallel_loop3A_309 = vector.broadcast %parallel_loop3A_306 : i32 to vector<16xi32>
      %parallel_loop3A_310 = arith.minsi %parallel_loop3A_309, %parallel_loop3A_308 : vector<16xi32>
      %parallel_loop3A_311 = arith.sitofp %parallel_loop3A_94 : vector<16xi32> to vector<16xf32>
      %parallel_loop3A_312 = arith.constant 3.906250e-03 : f32
      %parallel_loop3A_313 = vector.broadcast %parallel_loop3A_312 : f32 to vector<16xf32>
      %parallel_loop3A_314 = arith.mulf %parallel_loop3A_311, %parallel_loop3A_313 : vector<16xf32>
      %parallel_loop3A_315 = arith.constant 0 : i32
      %parallel_loop3A_316 = vector.broadcast %parallel_loop3A_315 : i32 to vector<16xi32>
      %parallel_loop3A_317 = arith.addi %parallel_loop3A_94, %parallel_loop3A_316 : vector<16xi32>
      %parallel_loop3A_318 = arith.constant 3.906250e-03 : f32
      %parallel_loop3A_319 = vector.broadcast %parallel_loop3A_318 : f32 to vector<16xf32>
      %parallel_loop3A_320 = arith.addf %parallel_loop3A_314, %parallel_loop3A_319 : vector<16xf32>
      %parallel_loop3A_321 = arith.minimumf %parallel_loop3A_77, %parallel_loop3A_320 : vector<16xf32>
      %parallel_loop3A_322 = arith.constant 0.000000e+00 : f32
      %parallel_loop3A_323 = vector.broadcast %parallel_loop3A_322 : f32 to vector<16xf32>
      %parallel_loop3A_324 = arith.addf %parallel_loop3A_314, %parallel_loop3A_323 : vector<16xf32>
      %parallel_loop3A_325 = arith.maximumf %parallel_loop3A_76, %parallel_loop3A_324 : vector<16xf32>
      %parallel_loop3A_326 = arith.subf %parallel_loop3A_321, %parallel_loop3A_325 : vector<16xf32>
      %parallel_loop3A_327 = arith.constant 0.000000e+00 : f32
      %parallel_loop3A_328 = vector.broadcast %parallel_loop3A_327 : f32 to vector<16xf32>
      %parallel_loop3A_329 = arith.maximumf %parallel_loop3A_326, %parallel_loop3A_328 : vector<16xf32>
      %parallel_loop3A_330 = tpu.bitcast %parallel_loop3A_317 : vector<16xi32> -> vector<16xi32>
      %parallel_loop3A_331 = arith.constant 256 : i32
      %parallel_loop3A_332 = vector.broadcast %parallel_loop3A_331 : i32 to vector<16xi32>
      %parallel_loop3A_333 = arith.cmpi ult, %parallel_loop3A_330, %parallel_loop3A_332 : vector<16xi32>
      %parallel_loop3A_334 = arith.mulf %parallel_loop3A_84, %parallel_loop3A_329 : vector<16xf32>
      %parallel_loop3A_335 = arith.constant 0.000000e+00 : f32
      %parallel_loop3A_336 = vector.broadcast %parallel_loop3A_335 : f32 to vector<16xf32>
      %parallel_loop3A_337 = arith.select %parallel_loop3A_333, %parallel_loop3A_334, %parallel_loop3A_336 : vector<16xi1>, vector<16xf32>
      %parallel_loop3A_338 = arith.constant 0 : i32
      %parallel_loop3A_339 = arith.constant 255 : i32
      %parallel_loop3A_340 = vector.broadcast %parallel_loop3A_338 : i32 to vector<16xi32>
      %parallel_loop3A_341 = arith.maxsi %parallel_loop3A_340, %parallel_loop3A_317 : vector<16xi32>
      %parallel_loop3A_342 = vector.broadcast %parallel_loop3A_339 : i32 to vector<16xi32>
      %parallel_loop3A_343 = arith.minsi %parallel_loop3A_342, %parallel_loop3A_341 : vector<16xi32>
      %parallel_loop3A_344 = arith.constant 256 : i32
      %parallel_loop3A_345 = vector.broadcast %parallel_loop3A_344 : i32 to vector<16xi32>
      %parallel_loop3A_346 = arith.muli %parallel_loop3A_343, %parallel_loop3A_345 : vector<16xi32>
      %parallel_loop3A_347 = arith.addi %parallel_loop3A_346, %parallel_loop3A_170 : vector<16xi32>
      %parallel_loop3A_348 = arith.mulf %parallel_loop3A_337, %parallel_loop3A_164 : vector<16xf32>
      tpu.vector_store_idx %arg14[%parallel_loop3A_347], %parallel_loop3A_348 {add = true} : memref<65536xf32, #tpu.memory_space<vmem>>[vector<16xi32>], vector<16xf32>,
      %parallel_loop3A_349 = arith.addi %parallel_loop3A_346, %parallel_loop3A_198 : vector<16xi32>
      %parallel_loop3A_350 = arith.mulf %parallel_loop3A_337, %parallel_loop3A_192 : vector<16xf32>
      tpu.vector_store_idx %arg14[%parallel_loop3A_349], %parallel_loop3A_350 {add = true} : memref<65536xf32, #tpu.memory_space<vmem>>[vector<16xi32>], vector<16xf32>,
      %parallel_loop3A_351 = arith.addi %parallel_loop3A_346, %parallel_loop3A_226 : vector<16xi32>
      %parallel_loop3A_352 = arith.mulf %parallel_loop3A_337, %parallel_loop3A_220 : vector<16xf32>
      tpu.vector_store_idx %arg14[%parallel_loop3A_351], %parallel_loop3A_352 {add = true} : memref<65536xf32, #tpu.memory_space<vmem>>[vector<16xi32>], vector<16xf32>,
      %parallel_loop3A_353 = arith.addi %parallel_loop3A_346, %parallel_loop3A_254 : vector<16xi32>
      %parallel_loop3A_354 = arith.mulf %parallel_loop3A_337, %parallel_loop3A_248 : vector<16xf32>
      tpu.vector_store_idx %arg14[%parallel_loop3A_353], %parallel_loop3A_354 {add = true} : memref<65536xf32, #tpu.memory_space<vmem>>[vector<16xi32>], vector<16xf32>,
      %parallel_loop3A_355 = arith.addi %parallel_loop3A_346, %parallel_loop3A_282 : vector<16xi32>
      %parallel_loop3A_356 = arith.mulf %parallel_loop3A_337, %parallel_loop3A_276 : vector<16xf32>
      tpu.vector_store_idx %arg14[%parallel_loop3A_355], %parallel_loop3A_356 {add = true} : memref<65536xf32, #tpu.memory_space<vmem>>[vector<16xi32>], vector<16xf32>,
      %parallel_loop3A_357 = arith.addi %parallel_loop3A_346, %parallel_loop3A_310 : vector<16xi32>
      %parallel_loop3A_358 = arith.mulf %parallel_loop3A_337, %parallel_loop3A_304 : vector<16xf32>
      tpu.vector_store_idx %arg14[%parallel_loop3A_357], %parallel_loop3A_358 {add = true} : memref<65536xf32, #tpu.memory_space<vmem>>[vector<16xi32>], vector<16xf32>,
      %parallel_loop3A_359 = arith.constant 1 : i32
      %parallel_loop3A_360 = vector.broadcast %parallel_loop3A_359 : i32 to vector<16xi32>
      %parallel_loop3A_361 = arith.addi %parallel_loop3A_94, %parallel_loop3A_360 : vector<16xi32>
      %parallel_loop3A_362 = arith.constant 7.812500e-03 : f32
      %parallel_loop3A_363 = vector.broadcast %parallel_loop3A_362 : f32 to vector<16xf32>
      %parallel_loop3A_364 = arith.addf %parallel_loop3A_314, %parallel_loop3A_363 : vector<16xf32>
      %parallel_loop3A_365 = arith.minimumf %parallel_loop3A_77, %parallel_loop3A_364 : vector<16xf32>
      %parallel_loop3A_366 = arith.constant 3.906250e-03 : f32
      %parallel_loop3A_367 = vector.broadcast %parallel_loop3A_366 : f32 to vector<16xf32>
      %parallel_loop3A_368 = arith.addf %parallel_loop3A_314, %parallel_loop3A_367 : vector<16xf32>
      %parallel_loop3A_369 = arith.maximumf %parallel_loop3A_76, %parallel_loop3A_368 : vector<16xf32>
      %parallel_loop3A_370 = arith.subf %parallel_loop3A_365, %parallel_loop3A_369 : vector<16xf32>
      %parallel_loop3A_371 = arith.constant 0.000000e+00 : f32
      %parallel_loop3A_372 = vector.broadcast %parallel_loop3A_371 : f32 to vector<16xf32>
      %parallel_loop3A_373 = arith.maximumf %parallel_loop3A_370, %parallel_loop3A_372 : vector<16xf32>
      %parallel_loop3A_374 = tpu.bitcast %parallel_loop3A_361 : vector<16xi32> -> vector<16xi32>
      %parallel_loop3A_375 = arith.constant 256 : i32
      %parallel_loop3A_376 = vector.broadcast %parallel_loop3A_375 : i32 to vector<16xi32>
      %parallel_loop3A_377 = arith.cmpi ult, %parallel_loop3A_374, %parallel_loop3A_376 : vector<16xi32>
      %parallel_loop3A_378 = arith.mulf %parallel_loop3A_84, %parallel_loop3A_373 : vector<16xf32>
      %parallel_loop3A_379 = arith.constant 0.000000e+00 : f32
      %parallel_loop3A_380 = vector.broadcast %parallel_loop3A_379 : f32 to vector<16xf32>
      %parallel_loop3A_381 = arith.select %parallel_loop3A_377, %parallel_loop3A_378, %parallel_loop3A_380 : vector<16xi1>, vector<16xf32>
      %parallel_loop3A_382 = arith.constant 0 : i32
      %parallel_loop3A_383 = arith.constant 255 : i32
      %parallel_loop3A_384 = vector.broadcast %parallel_loop3A_382 : i32 to vector<16xi32>
      %parallel_loop3A_385 = arith.maxsi %parallel_loop3A_384, %parallel_loop3A_361 : vector<16xi32>
      %parallel_loop3A_386 = vector.broadcast %parallel_loop3A_383 : i32 to vector<16xi32>
      %parallel_loop3A_387 = arith.minsi %parallel_loop3A_386, %parallel_loop3A_385 : vector<16xi32>
      %parallel_loop3A_388 = arith.constant 256 : i32
      %parallel_loop3A_389 = vector.broadcast %parallel_loop3A_388 : i32 to vector<16xi32>
      %parallel_loop3A_390 = arith.muli %parallel_loop3A_387, %parallel_loop3A_389 : vector<16xi32>
      %parallel_loop3A_391 = arith.addi %parallel_loop3A_390, %parallel_loop3A_170 : vector<16xi32>
      %parallel_loop3A_392 = arith.mulf %parallel_loop3A_381, %parallel_loop3A_164 : vector<16xf32>
      tpu.vector_store_idx %arg14[%parallel_loop3A_391], %parallel_loop3A_392 {add = true} : memref<65536xf32, #tpu.memory_space<vmem>>[vector<16xi32>], vector<16xf32>,
      %parallel_loop3A_393 = arith.addi %parallel_loop3A_390, %parallel_loop3A_198 : vector<16xi32>
      %parallel_loop3A_394 = arith.mulf %parallel_loop3A_381, %parallel_loop3A_192 : vector<16xf32>
      tpu.vector_store_idx %arg14[%parallel_loop3A_393], %parallel_loop3A_394 {add = true} : memref<65536xf32, #tpu.memory_space<vmem>>[vector<16xi32>], vector<16xf32>,
      %parallel_loop3A_395 = arith.addi %parallel_loop3A_390, %parallel_loop3A_226 : vector<16xi32>
      %parallel_loop3A_396 = arith.mulf %parallel_loop3A_381, %parallel_loop3A_220 : vector<16xf32>
      tpu.vector_store_idx %arg14[%parallel_loop3A_395], %parallel_loop3A_396 {add = true} : memref<65536xf32, #tpu.memory_space<vmem>>[vector<16xi32>], vector<16xf32>,
      %parallel_loop3A_397 = arith.addi %parallel_loop3A_390, %parallel_loop3A_254 : vector<16xi32>
      %parallel_loop3A_398 = arith.mulf %parallel_loop3A_381, %parallel_loop3A_248 : vector<16xf32>
      tpu.vector_store_idx %arg14[%parallel_loop3A_397], %parallel_loop3A_398 {add = true} : memref<65536xf32, #tpu.memory_space<vmem>>[vector<16xi32>], vector<16xf32>,
      %parallel_loop3A_399 = arith.addi %parallel_loop3A_390, %parallel_loop3A_282 : vector<16xi32>
      %parallel_loop3A_400 = arith.mulf %parallel_loop3A_381, %parallel_loop3A_276 : vector<16xf32>
      tpu.vector_store_idx %arg14[%parallel_loop3A_399], %parallel_loop3A_400 {add = true} : memref<65536xf32, #tpu.memory_space<vmem>>[vector<16xi32>], vector<16xf32>,
      %parallel_loop3A_401 = arith.addi %parallel_loop3A_390, %parallel_loop3A_310 : vector<16xi32>
      %parallel_loop3A_402 = arith.mulf %parallel_loop3A_381, %parallel_loop3A_304 : vector<16xf32>
      tpu.vector_store_idx %arg14[%parallel_loop3A_401], %parallel_loop3A_402 {add = true} : memref<65536xf32, #tpu.memory_space<vmem>>[vector<16xi32>], vector<16xf32>,
      %parallel_loop3A_403 = arith.constant 2 : i32
      %parallel_loop3A_404 = vector.broadcast %parallel_loop3A_403 : i32 to vector<16xi32>
      %parallel_loop3A_405 = arith.addi %parallel_loop3A_94, %parallel_loop3A_404 : vector<16xi32>
      %parallel_loop3A_406 = arith.constant 0.01171875 : f32
      %parallel_loop3A_407 = vector.broadcast %parallel_loop3A_406 : f32 to vector<16xf32>
      %parallel_loop3A_408 = arith.addf %parallel_loop3A_314, %parallel_loop3A_407 : vector<16xf32>
      %parallel_loop3A_409 = arith.minimumf %parallel_loop3A_77, %parallel_loop3A_408 : vector<16xf32>
      %parallel_loop3A_410 = arith.constant 7.812500e-03 : f32
      %parallel_loop3A_411 = vector.broadcast %parallel_loop3A_410 : f32 to vector<16xf32>
      %parallel_loop3A_412 = arith.addf %parallel_loop3A_314, %parallel_loop3A_411 : vector<16xf32>
      %parallel_loop3A_413 = arith.maximumf %parallel_loop3A_76, %parallel_loop3A_412 : vector<16xf32>
      %parallel_loop3A_414 = arith.subf %parallel_loop3A_409, %parallel_loop3A_413 : vector<16xf32>
      %parallel_loop3A_415 = arith.constant 0.000000e+00 : f32
      %parallel_loop3A_416 = vector.broadcast %parallel_loop3A_415 : f32 to vector<16xf32>
      %parallel_loop3A_417 = arith.maximumf %parallel_loop3A_414, %parallel_loop3A_416 : vector<16xf32>
      %parallel_loop3A_418 = tpu.bitcast %parallel_loop3A_405 : vector<16xi32> -> vector<16xi32>
      %parallel_loop3A_419 = arith.constant 256 : i32
      %parallel_loop3A_420 = vector.broadcast %parallel_loop3A_419 : i32 to vector<16xi32>
      %parallel_loop3A_421 = arith.cmpi ult, %parallel_loop3A_418, %parallel_loop3A_420 : vector<16xi32>
      %parallel_loop3A_422 = arith.mulf %parallel_loop3A_84, %parallel_loop3A_417 : vector<16xf32>
      %parallel_loop3A_423 = arith.constant 0.000000e+00 : f32
      %parallel_loop3A_424 = vector.broadcast %parallel_loop3A_423 : f32 to vector<16xf32>
      %parallel_loop3A_425 = arith.select %parallel_loop3A_421, %parallel_loop3A_422, %parallel_loop3A_424 : vector<16xi1>, vector<16xf32>
      %parallel_loop3A_426 = arith.constant 0 : i32
      %parallel_loop3A_427 = arith.constant 255 : i32
      %parallel_loop3A_428 = vector.broadcast %parallel_loop3A_426 : i32 to vector<16xi32>
      %parallel_loop3A_429 = arith.maxsi %parallel_loop3A_428, %parallel_loop3A_405 : vector<16xi32>
      %parallel_loop3A_430 = vector.broadcast %parallel_loop3A_427 : i32 to vector<16xi32>
      %parallel_loop3A_431 = arith.minsi %parallel_loop3A_430, %parallel_loop3A_429 : vector<16xi32>
      %parallel_loop3A_432 = arith.constant 256 : i32
      %parallel_loop3A_433 = vector.broadcast %parallel_loop3A_432 : i32 to vector<16xi32>
      %parallel_loop3A_434 = arith.muli %parallel_loop3A_431, %parallel_loop3A_433 : vector<16xi32>
      %parallel_loop3A_435 = arith.addi %parallel_loop3A_434, %parallel_loop3A_170 : vector<16xi32>
      %parallel_loop3A_436 = arith.mulf %parallel_loop3A_425, %parallel_loop3A_164 : vector<16xf32>
      tpu.vector_store_idx %arg14[%parallel_loop3A_435], %parallel_loop3A_436 {add = true} : memref<65536xf32, #tpu.memory_space<vmem>>[vector<16xi32>], vector<16xf32>,
      %parallel_loop3A_437 = arith.addi %parallel_loop3A_434, %parallel_loop3A_198 : vector<16xi32>
      %parallel_loop3A_438 = arith.mulf %parallel_loop3A_425, %parallel_loop3A_192 : vector<16xf32>
      tpu.vector_store_idx %arg14[%parallel_loop3A_437], %parallel_loop3A_438 {add = true} : memref<65536xf32, #tpu.memory_space<vmem>>[vector<16xi32>], vector<16xf32>,
      %parallel_loop3A_439 = arith.addi %parallel_loop3A_434, %parallel_loop3A_226 : vector<16xi32>
      %parallel_loop3A_440 = arith.mulf %parallel_loop3A_425, %parallel_loop3A_220 : vector<16xf32>
      tpu.vector_store_idx %arg14[%parallel_loop3A_439], %parallel_loop3A_440 {add = true} : memref<65536xf32, #tpu.memory_space<vmem>>[vector<16xi32>], vector<16xf32>,
      %parallel_loop3A_441 = arith.addi %parallel_loop3A_434, %parallel_loop3A_254 : vector<16xi32>
      %parallel_loop3A_442 = arith.mulf %parallel_loop3A_425, %parallel_loop3A_248 : vector<16xf32>
      tpu.vector_store_idx %arg14[%parallel_loop3A_441], %parallel_loop3A_442 {add = true} : memref<65536xf32, #tpu.memory_space<vmem>>[vector<16xi32>], vector<16xf32>,
      %parallel_loop3A_443 = arith.addi %parallel_loop3A_434, %parallel_loop3A_282 : vector<16xi32>
      %parallel_loop3A_444 = arith.mulf %parallel_loop3A_425, %parallel_loop3A_276 : vector<16xf32>
      tpu.vector_store_idx %arg14[%parallel_loop3A_443], %parallel_loop3A_444 {add = true} : memref<65536xf32, #tpu.memory_space<vmem>>[vector<16xi32>], vector<16xf32>,
      %parallel_loop3A_445 = arith.addi %parallel_loop3A_434, %parallel_loop3A_310 : vector<16xi32>
      %parallel_loop3A_446 = arith.mulf %parallel_loop3A_425, %parallel_loop3A_304 : vector<16xf32>
      tpu.vector_store_idx %arg14[%parallel_loop3A_445], %parallel_loop3A_446 {add = true} : memref<65536xf32, #tpu.memory_space<vmem>>[vector<16xi32>], vector<16xf32>,
      %parallel_loop3A_447 = arith.constant 3 : i32
      %parallel_loop3A_448 = vector.broadcast %parallel_loop3A_447 : i32 to vector<16xi32>
      %parallel_loop3A_449 = arith.addi %parallel_loop3A_94, %parallel_loop3A_448 : vector<16xi32>
      %parallel_loop3A_450 = arith.constant 1.562500e-02 : f32
      %parallel_loop3A_451 = vector.broadcast %parallel_loop3A_450 : f32 to vector<16xf32>
      %parallel_loop3A_452 = arith.addf %parallel_loop3A_314, %parallel_loop3A_451 : vector<16xf32>
      %parallel_loop3A_453 = arith.minimumf %parallel_loop3A_77, %parallel_loop3A_452 : vector<16xf32>
      %parallel_loop3A_454 = arith.constant 0.01171875 : f32
      %parallel_loop3A_455 = vector.broadcast %parallel_loop3A_454 : f32 to vector<16xf32>
      %parallel_loop3A_456 = arith.addf %parallel_loop3A_314, %parallel_loop3A_455 : vector<16xf32>
      %parallel_loop3A_457 = arith.maximumf %parallel_loop3A_76, %parallel_loop3A_456 : vector<16xf32>
      %parallel_loop3A_458 = arith.subf %parallel_loop3A_453, %parallel_loop3A_457 : vector<16xf32>
      %parallel_loop3A_459 = arith.constant 0.000000e+00 : f32
      %parallel_loop3A_460 = vector.broadcast %parallel_loop3A_459 : f32 to vector<16xf32>
      %parallel_loop3A_461 = arith.maximumf %parallel_loop3A_458, %parallel_loop3A_460 : vector<16xf32>
      %parallel_loop3A_462 = tpu.bitcast %parallel_loop3A_449 : vector<16xi32> -> vector<16xi32>
      %parallel_loop3A_463 = arith.constant 256 : i32
      %parallel_loop3A_464 = vector.broadcast %parallel_loop3A_463 : i32 to vector<16xi32>
      %parallel_loop3A_465 = arith.cmpi ult, %parallel_loop3A_462, %parallel_loop3A_464 : vector<16xi32>
      %parallel_loop3A_466 = arith.mulf %parallel_loop3A_84, %parallel_loop3A_461 : vector<16xf32>
      %parallel_loop3A_467 = arith.constant 0.000000e+00 : f32
      %parallel_loop3A_468 = vector.broadcast %parallel_loop3A_467 : f32 to vector<16xf32>
      %parallel_loop3A_469 = arith.select %parallel_loop3A_465, %parallel_loop3A_466, %parallel_loop3A_468 : vector<16xi1>, vector<16xf32>
      %parallel_loop3A_470 = arith.constant 0 : i32
      %parallel_loop3A_471 = arith.constant 255 : i32
      %parallel_loop3A_472 = vector.broadcast %parallel_loop3A_470 : i32 to vector<16xi32>
      %parallel_loop3A_473 = arith.maxsi %parallel_loop3A_472, %parallel_loop3A_449 : vector<16xi32>
      %parallel_loop3A_474 = vector.broadcast %parallel_loop3A_471 : i32 to vector<16xi32>
      %parallel_loop3A_475 = arith.minsi %parallel_loop3A_474, %parallel_loop3A_473 : vector<16xi32>
      %parallel_loop3A_476 = arith.constant 256 : i32
      %parallel_loop3A_477 = vector.broadcast %parallel_loop3A_476 : i32 to vector<16xi32>
      %parallel_loop3A_478 = arith.muli %parallel_loop3A_475, %parallel_loop3A_477 : vector<16xi32>
      %parallel_loop3A_479 = arith.addi %parallel_loop3A_478, %parallel_loop3A_170 : vector<16xi32>
      %parallel_loop3A_480 = arith.mulf %parallel_loop3A_469, %parallel_loop3A_164 : vector<16xf32>
      tpu.vector_store_idx %arg14[%parallel_loop3A_479], %parallel_loop3A_480 {add = true} : memref<65536xf32, #tpu.memory_space<vmem>>[vector<16xi32>], vector<16xf32>,
      %parallel_loop3A_481 = arith.addi %parallel_loop3A_478, %parallel_loop3A_198 : vector<16xi32>
      %parallel_loop3A_482 = arith.mulf %parallel_loop3A_469, %parallel_loop3A_192 : vector<16xf32>
      tpu.vector_store_idx %arg14[%parallel_loop3A_481], %parallel_loop3A_482 {add = true} : memref<65536xf32, #tpu.memory_space<vmem>>[vector<16xi32>], vector<16xf32>,
      %parallel_loop3A_483 = arith.addi %parallel_loop3A_478, %parallel_loop3A_226 : vector<16xi32>
      %parallel_loop3A_484 = arith.mulf %parallel_loop3A_469, %parallel_loop3A_220 : vector<16xf32>
      tpu.vector_store_idx %arg14[%parallel_loop3A_483], %parallel_loop3A_484 {add = true} : memref<65536xf32, #tpu.memory_space<vmem>>[vector<16xi32>], vector<16xf32>,
      %parallel_loop3A_485 = arith.addi %parallel_loop3A_478, %parallel_loop3A_254 : vector<16xi32>
      %parallel_loop3A_486 = arith.mulf %parallel_loop3A_469, %parallel_loop3A_248 : vector<16xf32>
      tpu.vector_store_idx %arg14[%parallel_loop3A_485], %parallel_loop3A_486 {add = true} : memref<65536xf32, #tpu.memory_space<vmem>>[vector<16xi32>], vector<16xf32>,
      %parallel_loop3A_487 = arith.addi %parallel_loop3A_478, %parallel_loop3A_282 : vector<16xi32>
      %parallel_loop3A_488 = arith.mulf %parallel_loop3A_469, %parallel_loop3A_276 : vector<16xf32>
      tpu.vector_store_idx %arg14[%parallel_loop3A_487], %parallel_loop3A_488 {add = true} : memref<65536xf32, #tpu.memory_space<vmem>>[vector<16xi32>], vector<16xf32>,
      %parallel_loop3A_489 = arith.addi %parallel_loop3A_478, %parallel_loop3A_310 : vector<16xi32>
      %parallel_loop3A_490 = arith.mulf %parallel_loop3A_469, %parallel_loop3A_304 : vector<16xf32>
      tpu.vector_store_idx %arg14[%parallel_loop3A_489], %parallel_loop3A_490 {add = true} : memref<65536xf32, #tpu.memory_space<vmem>>[vector<16xi32>], vector<16xf32>,
      %parallel_loop3A_491 = arith.constant 4 : i32
      %parallel_loop3A_492 = vector.broadcast %parallel_loop3A_491 : i32 to vector<16xi32>
      %parallel_loop3A_493 = arith.addi %parallel_loop3A_94, %parallel_loop3A_492 : vector<16xi32>
      %parallel_loop3A_494 = arith.constant 0.01953125 : f32
      %parallel_loop3A_495 = vector.broadcast %parallel_loop3A_494 : f32 to vector<16xf32>
      %parallel_loop3A_496 = arith.addf %parallel_loop3A_314, %parallel_loop3A_495 : vector<16xf32>
      %parallel_loop3A_497 = arith.minimumf %parallel_loop3A_77, %parallel_loop3A_496 : vector<16xf32>
      %parallel_loop3A_498 = arith.constant 1.562500e-02 : f32
      %parallel_loop3A_499 = vector.broadcast %parallel_loop3A_498 : f32 to vector<16xf32>
      %parallel_loop3A_500 = arith.addf %parallel_loop3A_314, %parallel_loop3A_499 : vector<16xf32>
      %parallel_loop3A_501 = arith.maximumf %parallel_loop3A_76, %parallel_loop3A_500 : vector<16xf32>
      %parallel_loop3A_502 = arith.subf %parallel_loop3A_497, %parallel_loop3A_501 : vector<16xf32>
      %parallel_loop3A_503 = arith.constant 0.000000e+00 : f32
      %parallel_loop3A_504 = vector.broadcast %parallel_loop3A_503 : f32 to vector<16xf32>
      %parallel_loop3A_505 = arith.maximumf %parallel_loop3A_502, %parallel_loop3A_504 : vector<16xf32>
      %parallel_loop3A_506 = tpu.bitcast %parallel_loop3A_493 : vector<16xi32> -> vector<16xi32>
      %parallel_loop3A_507 = arith.constant 256 : i32
      %parallel_loop3A_508 = vector.broadcast %parallel_loop3A_507 : i32 to vector<16xi32>
      %parallel_loop3A_509 = arith.cmpi ult, %parallel_loop3A_506, %parallel_loop3A_508 : vector<16xi32>
      %parallel_loop3A_510 = arith.mulf %parallel_loop3A_84, %parallel_loop3A_505 : vector<16xf32>
      %parallel_loop3A_511 = arith.constant 0.000000e+00 : f32
      %parallel_loop3A_512 = vector.broadcast %parallel_loop3A_511 : f32 to vector<16xf32>
      %parallel_loop3A_513 = arith.select %parallel_loop3A_509, %parallel_loop3A_510, %parallel_loop3A_512 : vector<16xi1>, vector<16xf32>
      %parallel_loop3A_514 = arith.constant 0 : i32
      %parallel_loop3A_515 = arith.constant 255 : i32
      %parallel_loop3A_516 = vector.broadcast %parallel_loop3A_514 : i32 to vector<16xi32>
      %parallel_loop3A_517 = arith.maxsi %parallel_loop3A_516, %parallel_loop3A_493 : vector<16xi32>
      %parallel_loop3A_518 = vector.broadcast %parallel_loop3A_515 : i32 to vector<16xi32>
      %parallel_loop3A_519 = arith.minsi %parallel_loop3A_518, %parallel_loop3A_517 : vector<16xi32>
      %parallel_loop3A_520 = arith.constant 256 : i32
      %parallel_loop3A_521 = vector.broadcast %parallel_loop3A_520 : i32 to vector<16xi32>
      %parallel_loop3A_522 = arith.muli %parallel_loop3A_519, %parallel_loop3A_521 : vector<16xi32>
      %parallel_loop3A_523 = arith.addi %parallel_loop3A_522, %parallel_loop3A_170 : vector<16xi32>
      %parallel_loop3A_524 = arith.mulf %parallel_loop3A_513, %parallel_loop3A_164 : vector<16xf32>
      tpu.vector_store_idx %arg14[%parallel_loop3A_523], %parallel_loop3A_524 {add = true} : memref<65536xf32, #tpu.memory_space<vmem>>[vector<16xi32>], vector<16xf32>,
      %parallel_loop3A_525 = arith.addi %parallel_loop3A_522, %parallel_loop3A_198 : vector<16xi32>
      %parallel_loop3A_526 = arith.mulf %parallel_loop3A_513, %parallel_loop3A_192 : vector<16xf32>
      tpu.vector_store_idx %arg14[%parallel_loop3A_525], %parallel_loop3A_526 {add = true} : memref<65536xf32, #tpu.memory_space<vmem>>[vector<16xi32>], vector<16xf32>,
      %parallel_loop3A_527 = arith.addi %parallel_loop3A_522, %parallel_loop3A_226 : vector<16xi32>
      %parallel_loop3A_528 = arith.mulf %parallel_loop3A_513, %parallel_loop3A_220 : vector<16xf32>
      tpu.vector_store_idx %arg14[%parallel_loop3A_527], %parallel_loop3A_528 {add = true} : memref<65536xf32, #tpu.memory_space<vmem>>[vector<16xi32>], vector<16xf32>,
      %parallel_loop3A_529 = arith.addi %parallel_loop3A_522, %parallel_loop3A_254 : vector<16xi32>
      %parallel_loop3A_530 = arith.mulf %parallel_loop3A_513, %parallel_loop3A_248 : vector<16xf32>
      tpu.vector_store_idx %arg14[%parallel_loop3A_529], %parallel_loop3A_530 {add = true} : memref<65536xf32, #tpu.memory_space<vmem>>[vector<16xi32>], vector<16xf32>,
      %parallel_loop3A_531 = arith.addi %parallel_loop3A_522, %parallel_loop3A_282 : vector<16xi32>
      %parallel_loop3A_532 = arith.mulf %parallel_loop3A_513, %parallel_loop3A_276 : vector<16xf32>
      tpu.vector_store_idx %arg14[%parallel_loop3A_531], %parallel_loop3A_532 {add = true} : memref<65536xf32, #tpu.memory_space<vmem>>[vector<16xi32>], vector<16xf32>,
      %parallel_loop3A_533 = arith.addi %parallel_loop3A_522, %parallel_loop3A_310 : vector<16xi32>
      %parallel_loop3A_534 = arith.mulf %parallel_loop3A_513, %parallel_loop3A_304 : vector<16xf32>
      tpu.vector_store_idx %arg14[%parallel_loop3A_533], %parallel_loop3A_534 {add = true} : memref<65536xf32, #tpu.memory_space<vmem>>[vector<16xi32>], vector<16xf32>,
      %parallel_loop3A_535 = arith.constant 5 : i32
      %parallel_loop3A_536 = vector.broadcast %parallel_loop3A_535 : i32 to vector<16xi32>
      %parallel_loop3A_537 = arith.addi %parallel_loop3A_94, %parallel_loop3A_536 : vector<16xi32>
      %parallel_loop3A_538 = arith.constant 2.343750e-02 : f32
      %parallel_loop3A_539 = vector.broadcast %parallel_loop3A_538 : f32 to vector<16xf32>
      %parallel_loop3A_540 = arith.addf %parallel_loop3A_314, %parallel_loop3A_539 : vector<16xf32>
      %parallel_loop3A_541 = arith.minimumf %parallel_loop3A_77, %parallel_loop3A_540 : vector<16xf32>
      %parallel_loop3A_542 = arith.constant 0.01953125 : f32
      %parallel_loop3A_543 = vector.broadcast %parallel_loop3A_542 : f32 to vector<16xf32>
      %parallel_loop3A_544 = arith.addf %parallel_loop3A_314, %parallel_loop3A_543 : vector<16xf32>
      %parallel_loop3A_545 = arith.maximumf %parallel_loop3A_76, %parallel_loop3A_544 : vector<16xf32>
      %parallel_loop3A_546 = arith.subf %parallel_loop3A_541, %parallel_loop3A_545 : vector<16xf32>
      %parallel_loop3A_547 = arith.constant 0.000000e+00 : f32
      %parallel_loop3A_548 = vector.broadcast %parallel_loop3A_547 : f32 to vector<16xf32>
      %parallel_loop3A_549 = arith.maximumf %parallel_loop3A_546, %parallel_loop3A_548 : vector<16xf32>
      %parallel_loop3A_550 = tpu.bitcast %parallel_loop3A_537 : vector<16xi32> -> vector<16xi32>
      %parallel_loop3A_551 = arith.constant 256 : i32
      %parallel_loop3A_552 = vector.broadcast %parallel_loop3A_551 : i32 to vector<16xi32>
      %parallel_loop3A_553 = arith.cmpi ult, %parallel_loop3A_550, %parallel_loop3A_552 : vector<16xi32>
      %parallel_loop3A_554 = arith.mulf %parallel_loop3A_84, %parallel_loop3A_549 : vector<16xf32>
      %parallel_loop3A_555 = arith.constant 0.000000e+00 : f32
      %parallel_loop3A_556 = vector.broadcast %parallel_loop3A_555 : f32 to vector<16xf32>
      %parallel_loop3A_557 = arith.select %parallel_loop3A_553, %parallel_loop3A_554, %parallel_loop3A_556 : vector<16xi1>, vector<16xf32>
      %parallel_loop3A_558 = arith.constant 0 : i32
      %parallel_loop3A_559 = arith.constant 255 : i32
      %parallel_loop3A_560 = vector.broadcast %parallel_loop3A_558 : i32 to vector<16xi32>
      %parallel_loop3A_561 = arith.maxsi %parallel_loop3A_560, %parallel_loop3A_537 : vector<16xi32>
      %parallel_loop3A_562 = vector.broadcast %parallel_loop3A_559 : i32 to vector<16xi32>
      %parallel_loop3A_563 = arith.minsi %parallel_loop3A_562, %parallel_loop3A_561 : vector<16xi32>
      %parallel_loop3A_564 = arith.constant 256 : i32
      %parallel_loop3A_565 = vector.broadcast %parallel_loop3A_564 : i32 to vector<16xi32>
      %parallel_loop3A_566 = arith.muli %parallel_loop3A_563, %parallel_loop3A_565 : vector<16xi32>
      %parallel_loop3A_567 = arith.addi %parallel_loop3A_566, %parallel_loop3A_170 : vector<16xi32>
      %parallel_loop3A_568 = arith.mulf %parallel_loop3A_557, %parallel_loop3A_164 : vector<16xf32>
      tpu.vector_store_idx %arg14[%parallel_loop3A_567], %parallel_loop3A_568 {add = true} : memref<65536xf32, #tpu.memory_space<vmem>>[vector<16xi32>], vector<16xf32>,
      %parallel_loop3A_569 = arith.addi %parallel_loop3A_566, %parallel_loop3A_198 : vector<16xi32>
      %parallel_loop3A_570 = arith.mulf %parallel_loop3A_557, %parallel_loop3A_192 : vector<16xf32>
      tpu.vector_store_idx %arg14[%parallel_loop3A_569], %parallel_loop3A_570 {add = true} : memref<65536xf32, #tpu.memory_space<vmem>>[vector<16xi32>], vector<16xf32>,
      %parallel_loop3A_571 = arith.addi %parallel_loop3A_566, %parallel_loop3A_226 : vector<16xi32>
      %parallel_loop3A_572 = arith.mulf %parallel_loop3A_557, %parallel_loop3A_220 : vector<16xf32>
      tpu.vector_store_idx %arg14[%parallel_loop3A_571], %parallel_loop3A_572 {add = true} : memref<65536xf32, #tpu.memory_space<vmem>>[vector<16xi32>], vector<16xf32>,
      %parallel_loop3A_573 = arith.addi %parallel_loop3A_566, %parallel_loop3A_254 : vector<16xi32>
      %parallel_loop3A_574 = arith.mulf %parallel_loop3A_557, %parallel_loop3A_248 : vector<16xf32>
      tpu.vector_store_idx %arg14[%parallel_loop3A_573], %parallel_loop3A_574 {add = true} : memref<65536xf32, #tpu.memory_space<vmem>>[vector<16xi32>], vector<16xf32>,
      %parallel_loop3A_575 = arith.addi %parallel_loop3A_566, %parallel_loop3A_282 : vector<16xi32>
      %parallel_loop3A_576 = arith.mulf %parallel_loop3A_557, %parallel_loop3A_276 : vector<16xf32>
      tpu.vector_store_idx %arg14[%parallel_loop3A_575], %parallel_loop3A_576 {add = true} : memref<65536xf32, #tpu.memory_space<vmem>>[vector<16xi32>], vector<16xf32>,
      %parallel_loop3A_577 = arith.addi %parallel_loop3A_566, %parallel_loop3A_310 : vector<16xi32>
      %parallel_loop3A_578 = arith.mulf %parallel_loop3A_557, %parallel_loop3A_304 : vector<16xf32>
      tpu.vector_store_idx %arg14[%parallel_loop3A_577], %parallel_loop3A_578 {add = true} : memref<65536xf32, #tpu.memory_space<vmem>>[vector<16xi32>], vector<16xf32>,
      %parallel_loop3A_579 = vector.extract_strided_slice %parallel_loop3A_138 {offsets = [0], sizes = [1], strides = [1]} : vector<16xi32> to vector<1xi32>
      %parallel_loop3A_580 = vector.extract %parallel_loop3A_579[0] : i32 from vector<1xi32>
      %parallel_loop3A_581 = arith.addi %parallel_loop3A_51, %parallel_loop3A_580 : i32
      scf.yield %parallel_loop3A_581 : i32
    } {sc.loop_unroll_factor = 1 : i64, sc.parallel_access}
    %add3A_36 = arith.constant 15 : i32
    %add3A_37 = arith.addi %parallel_loop3A_35, %add3A_36 : i32
    %shift_right_arithmetic3A = arith.constant 4 : i32
    %shift_right_arithmetic3A_38 = arith.shrsi %add3A_37, %shift_right_arithmetic3A : i32
    %while3A = arith.constant 0 : i32
    %while3A_39 = arith.constant 0 : i32
    %while3A_40 = arith.subi %shift_right_arithmetic3A_38, %while3A_39 : i32
    %while3A_41 = arith.addi %while3A_39, %while3A_40 : i32
    %while3A_42 = arith.constant 1 : i32
    %while3A_43 = arith.divsi %while3A_40, %while3A_42 : i32
    %while3A_44 = arith.muli %while3A_43, %while3A_42 : i32
    %while3A_45 = arith.addi %while3A_39, %while3A_44 : i32
    %while3A_46 = arith.constant 1 : i32
    scf.for %while3A_50 = %while3A_39 to %while3A_45 step %while3A_46  : i32 {
      %mul3A_51 = arith.constant 16 : i32
      %mul3A_52 = arith.muli %while3A_50, %mul3A_51 : i32
      %get3A = arith.index_cast %mul3A_52 : i32 to index
      %get3A_53 = tpu.vector_load %arg13[%get3A] {strides = array<i32>} : memref<3152xi32, #tpu.memory_space<vmem>>, vector<16xi32>,
      %gather3A = tpu.vector_load_idx %arg8[%get3A_53] : memref<3136xf32, #tpu.memory_space<vmem>>[vector<16xi32>], vector<16xf32>,
      %gather3A_54 = tpu.vector_load_idx %arg9[%get3A_53] : memref<3136xf32, #tpu.memory_space<vmem>>[vector<16xi32>], vector<16xf32>,
      %gather3A_55 = tpu.vector_load_idx %arg10[%get3A_53] : memref<3136xf32, #tpu.memory_space<vmem>>[vector<16xi32>], vector<16xf32>,
      %gather3A_56 = tpu.vector_load_idx %arg11[%get3A_53] : memref<3136xf32, #tpu.memory_space<vmem>>[vector<16xi32>], vector<16xf32>,
      %gather3A_57 = tpu.vector_load_idx %arg12[%get3A_53] : memref<3136xf32, #tpu.memory_space<vmem>>[vector<16xi32>], vector<16xf32>,
      %max3A = arith.constant 0.00552427163 : f32
      %max3A_58 = vector.broadcast %max3A : f32 to vector<16xf32>
      %max3A_59 = arith.maximumf %gather3A_55, %max3A_58 : vector<16xf32>
      %max3A_60 = arith.constant 0.00552427163 : f32
      %max3A_61 = vector.broadcast %max3A_60 : f32 to vector<16xf32>
      %max3A_62 = arith.maximumf %gather3A_56, %max3A_61 : vector<16xf32>
      %mul3A_63 = arith.constant 5.000000e-01 : f32
      %mul3A_64 = vector.broadcast %mul3A_63 : f32 to vector<16xf32>
      %mul3A_65 = arith.mulf %mul3A_64, %max3A_59 : vector<16xf32>
      %mul3A_66 = arith.constant 5.000000e-01 : f32
      %mul3A_67 = vector.broadcast %mul3A_66 : f32 to vector<16xf32>
      %mul3A_68 = arith.mulf %mul3A_67, %max3A_62 : vector<16xf32>
      %sub3A = arith.subf %gather3A, %mul3A_65 : vector<16xf32>
      %add3A_69 = arith.addf %gather3A, %mul3A_65 : vector<16xf32>
      %sub3A_70 = arith.subf %gather3A_54, %mul3A_68 : vector<16xf32>
      %add3A_71 = arith.addf %gather3A_54, %mul3A_68 : vector<16xf32>
      %mul3A_72 = arith.constant 6.553600e+02 : f32
      %mul3A_73 = vector.broadcast %mul3A_72 : f32 to vector<16xf32>
      %mul3A_74 = arith.mulf %gather3A_57, %mul3A_73 : vector<16xf32>
      %mul3A_75 = arith.mulf %max3A_59, %max3A_62 : vector<16xf32>
      %div3A = arith.divf %mul3A_74, %mul3A_75 : vector<16xf32>
      %mul3A_76 = arith.constant 2.560000e+02 : f32
      %mul3A_77 = vector.broadcast %mul3A_76 : f32 to vector<16xf32>
      %mul3A_78 = arith.mulf %sub3A, %mul3A_77 : vector<16xf32>
      %add3A_79 = arith.constant 1.024000e+03 : f32
      %add3A_80 = vector.broadcast %add3A_79 : f32 to vector<16xf32>
      %add3A_81 = arith.addf %mul3A_78, %add3A_80 : vector<16xf32>
      %convert_element_type3A_82 = arith.fptosi %add3A_81 : vector<16xf32> to vector<16xi32>
      %sub3A_83 = arith.constant 1024 : i32
      %sub3A_84 = vector.broadcast %sub3A_83 : i32 to vector<16xi32>
      %sub3A_85 = arith.subi %convert_element_type3A_82, %sub3A_84 : vector<16xi32>
      %mul3A_86 = arith.constant 2.560000e+02 : f32
      %mul3A_87 = vector.broadcast %mul3A_86 : f32 to vector<16xf32>
      %mul3A_88 = arith.mulf %sub3A_70, %mul3A_87 : vector<16xf32>
      %add3A_89 = arith.constant 1.024000e+03 : f32
      %add3A_90 = vector.broadcast %add3A_89 : f32 to vector<16xf32>
      %add3A_91 = arith.addf %mul3A_88, %add3A_90 : vector<16xf32>
      %convert_element_type3A_92 = arith.fptosi %add3A_91 : vector<16xf32> to vector<16xi32>
      %sub3A_93 = arith.constant 1024 : i32
      %sub3A_94 = vector.broadcast %sub3A_93 : i32 to vector<16xi32>
      %sub3A_95 = arith.subi %convert_element_type3A_92, %sub3A_94 : vector<16xi32>
      %convert_element_type3A_96 = arith.sitofp %sub3A_95 : vector<16xi32> to vector<16xf32>
      %mul3A_97 = arith.constant 3.906250e-03 : f32
      %mul3A_98 = vector.broadcast %mul3A_97 : f32 to vector<16xf32>
      %mul3A_99 = arith.mulf %convert_element_type3A_96, %mul3A_98 : vector<16xf32>
      %add3A_100 = arith.constant 0 : i32
      %add3A_101 = vector.broadcast %add3A_100 : i32 to vector<16xi32>
      %add3A_102 = arith.addi %sub3A_95, %add3A_101 : vector<16xi32>
      %add3A_103 = arith.constant 3.906250e-03 : f32
      %add3A_104 = vector.broadcast %add3A_103 : f32 to vector<16xf32>
      %add3A_105 = arith.addf %mul3A_99, %add3A_104 : vector<16xf32>
      %min3A = arith.minimumf %add3A_71, %add3A_105 : vector<16xf32>
      %add3A_106 = arith.constant 0.000000e+00 : f32
      %add3A_107 = vector.broadcast %add3A_106 : f32 to vector<16xf32>
      %add3A_108 = arith.addf %mul3A_99, %add3A_107 : vector<16xf32>
      %max3A_109 = arith.maximumf %sub3A_70, %add3A_108 : vector<16xf32>
      %sub3A_110 = arith.subf %min3A, %max3A_109 : vector<16xf32>
      %max3A_111 = arith.constant 0.000000e+00 : f32
      %max3A_112 = vector.broadcast %max3A_111 : f32 to vector<16xf32>
      %max3A_113 = arith.maximumf %sub3A_110, %max3A_112 : vector<16xf32>
      %bitcast_convert_type3A = tpu.bitcast %add3A_102 : vector<16xi32> -> vector<16xi32>
      %lt3A = arith.constant 256 : i32
      %lt3A_114 = vector.broadcast %lt3A : i32 to vector<16xi32>
      %lt3A_115 = arith.cmpi ult, %bitcast_convert_type3A, %lt3A_114 : vector<16xi32>
      %jit3A = arith.constant 0.000000e+00 : f32
      %broadcast_in_dim3A_116 = vector.broadcast %jit3A : f32 to vector<16xf32>
      %select_n3A = arith.select %lt3A_115, %max3A_113, %broadcast_in_dim3A_116 : vector<16xi1>, vector<16xf32>
      %jit3A_117 = arith.constant 0 : i32
      %jit3A_118 = arith.constant 255 : i32
      %max3A_119 = vector.broadcast %jit3A_117 : i32 to vector<16xi32>
      %max3A_120 = arith.maxsi %max3A_119, %add3A_102 : vector<16xi32>
      %min3A_121 = vector.broadcast %jit3A_118 : i32 to vector<16xi32>
      %min3A_122 = arith.minsi %min3A_121, %max3A_120 : vector<16xi32>
      %add3A_123 = arith.constant 1 : i32
      %add3A_124 = vector.broadcast %add3A_123 : i32 to vector<16xi32>
      %add3A_125 = arith.addi %sub3A_95, %add3A_124 : vector<16xi32>
      %add3A_126 = arith.constant 7.812500e-03 : f32
      %add3A_127 = vector.broadcast %add3A_126 : f32 to vector<16xf32>
      %add3A_128 = arith.addf %mul3A_99, %add3A_127 : vector<16xf32>
      %min3A_129 = arith.minimumf %add3A_71, %add3A_128 : vector<16xf32>
      %add3A_130 = arith.constant 3.906250e-03 : f32
      %add3A_131 = vector.broadcast %add3A_130 : f32 to vector<16xf32>
      %add3A_132 = arith.addf %mul3A_99, %add3A_131 : vector<16xf32>
      %max3A_133 = arith.maximumf %sub3A_70, %add3A_132 : vector<16xf32>
      %sub3A_134 = arith.subf %min3A_129, %max3A_133 : vector<16xf32>
      %max3A_135 = arith.constant 0.000000e+00 : f32
      %max3A_136 = vector.broadcast %max3A_135 : f32 to vector<16xf32>
      %max3A_137 = arith.maximumf %sub3A_134, %max3A_136 : vector<16xf32>
      %bitcast_convert_type3A_138 = tpu.bitcast %add3A_125 : vector<16xi32> -> vector<16xi32>
      %lt3A_139 = arith.constant 256 : i32
      %lt3A_140 = vector.broadcast %lt3A_139 : i32 to vector<16xi32>
      %lt3A_141 = arith.cmpi ult, %bitcast_convert_type3A_138, %lt3A_140 : vector<16xi32>
      %jit3A_142 = arith.constant 0.000000e+00 : f32
      %broadcast_in_dim3A_143 = vector.broadcast %jit3A_142 : f32 to vector<16xf32>
      %select_n3A_144 = arith.select %lt3A_141, %max3A_137, %broadcast_in_dim3A_143 : vector<16xi1>, vector<16xf32>
      %jit3A_145 = arith.constant 0 : i32
      %jit3A_146 = arith.constant 255 : i32
      %max3A_147 = vector.broadcast %jit3A_145 : i32 to vector<16xi32>
      %max3A_148 = arith.maxsi %max3A_147, %add3A_125 : vector<16xi32>
      %min3A_149 = vector.broadcast %jit3A_146 : i32 to vector<16xi32>
      %min3A_150 = arith.minsi %min3A_149, %max3A_148 : vector<16xi32>
      %add3A_151 = arith.constant 2 : i32
      %add3A_152 = vector.broadcast %add3A_151 : i32 to vector<16xi32>
      %add3A_153 = arith.addi %sub3A_95, %add3A_152 : vector<16xi32>
      %add3A_154 = arith.constant 0.01171875 : f32
      %add3A_155 = vector.broadcast %add3A_154 : f32 to vector<16xf32>
      %add3A_156 = arith.addf %mul3A_99, %add3A_155 : vector<16xf32>
      %min3A_157 = arith.minimumf %add3A_71, %add3A_156 : vector<16xf32>
      %add3A_158 = arith.constant 7.812500e-03 : f32
      %add3A_159 = vector.broadcast %add3A_158 : f32 to vector<16xf32>
      %add3A_160 = arith.addf %mul3A_99, %add3A_159 : vector<16xf32>
      %max3A_161 = arith.maximumf %sub3A_70, %add3A_160 : vector<16xf32>
      %sub3A_162 = arith.subf %min3A_157, %max3A_161 : vector<16xf32>
      %max3A_163 = arith.constant 0.000000e+00 : f32
      %max3A_164 = vector.broadcast %max3A_163 : f32 to vector<16xf32>
      %max3A_165 = arith.maximumf %sub3A_162, %max3A_164 : vector<16xf32>
      %bitcast_convert_type3A_166 = tpu.bitcast %add3A_153 : vector<16xi32> -> vector<16xi32>
      %lt3A_167 = arith.constant 256 : i32
      %lt3A_168 = vector.broadcast %lt3A_167 : i32 to vector<16xi32>
      %lt3A_169 = arith.cmpi ult, %bitcast_convert_type3A_166, %lt3A_168 : vector<16xi32>
      %jit3A_170 = arith.constant 0.000000e+00 : f32
      %broadcast_in_dim3A_171 = vector.broadcast %jit3A_170 : f32 to vector<16xf32>
      %select_n3A_172 = arith.select %lt3A_169, %max3A_165, %broadcast_in_dim3A_171 : vector<16xi1>, vector<16xf32>
      %jit3A_173 = arith.constant 0 : i32
      %jit3A_174 = arith.constant 255 : i32
      %max3A_175 = vector.broadcast %jit3A_173 : i32 to vector<16xi32>
      %max3A_176 = arith.maxsi %max3A_175, %add3A_153 : vector<16xi32>
      %min3A_177 = vector.broadcast %jit3A_174 : i32 to vector<16xi32>
      %min3A_178 = arith.minsi %min3A_177, %max3A_176 : vector<16xi32>
      %add3A_179 = arith.constant 3 : i32
      %add3A_180 = vector.broadcast %add3A_179 : i32 to vector<16xi32>
      %add3A_181 = arith.addi %sub3A_95, %add3A_180 : vector<16xi32>
      %add3A_182 = arith.constant 1.562500e-02 : f32
      %add3A_183 = vector.broadcast %add3A_182 : f32 to vector<16xf32>
      %add3A_184 = arith.addf %mul3A_99, %add3A_183 : vector<16xf32>
      %min3A_185 = arith.minimumf %add3A_71, %add3A_184 : vector<16xf32>
      %add3A_186 = arith.constant 0.01171875 : f32
      %add3A_187 = vector.broadcast %add3A_186 : f32 to vector<16xf32>
      %add3A_188 = arith.addf %mul3A_99, %add3A_187 : vector<16xf32>
      %max3A_189 = arith.maximumf %sub3A_70, %add3A_188 : vector<16xf32>
      %sub3A_190 = arith.subf %min3A_185, %max3A_189 : vector<16xf32>
      %max3A_191 = arith.constant 0.000000e+00 : f32
      %max3A_192 = vector.broadcast %max3A_191 : f32 to vector<16xf32>
      %max3A_193 = arith.maximumf %sub3A_190, %max3A_192 : vector<16xf32>
      %bitcast_convert_type3A_194 = tpu.bitcast %add3A_181 : vector<16xi32> -> vector<16xi32>
      %lt3A_195 = arith.constant 256 : i32
      %lt3A_196 = vector.broadcast %lt3A_195 : i32 to vector<16xi32>
      %lt3A_197 = arith.cmpi ult, %bitcast_convert_type3A_194, %lt3A_196 : vector<16xi32>
      %jit3A_198 = arith.constant 0.000000e+00 : f32
      %broadcast_in_dim3A_199 = vector.broadcast %jit3A_198 : f32 to vector<16xf32>
      %select_n3A_200 = arith.select %lt3A_197, %max3A_193, %broadcast_in_dim3A_199 : vector<16xi1>, vector<16xf32>
      %jit3A_201 = arith.constant 0 : i32
      %jit3A_202 = arith.constant 255 : i32
      %max3A_203 = vector.broadcast %jit3A_201 : i32 to vector<16xi32>
      %max3A_204 = arith.maxsi %max3A_203, %add3A_181 : vector<16xi32>
      %min3A_205 = vector.broadcast %jit3A_202 : i32 to vector<16xi32>
      %min3A_206 = arith.minsi %min3A_205, %max3A_204 : vector<16xi32>
      %add3A_207 = arith.constant 4 : i32
      %add3A_208 = vector.broadcast %add3A_207 : i32 to vector<16xi32>
      %add3A_209 = arith.addi %sub3A_95, %add3A_208 : vector<16xi32>
      %add3A_210 = arith.constant 0.01953125 : f32
      %add3A_211 = vector.broadcast %add3A_210 : f32 to vector<16xf32>
      %add3A_212 = arith.addf %mul3A_99, %add3A_211 : vector<16xf32>
      %min3A_213 = arith.minimumf %add3A_71, %add3A_212 : vector<16xf32>
      %add3A_214 = arith.constant 1.562500e-02 : f32
      %add3A_215 = vector.broadcast %add3A_214 : f32 to vector<16xf32>
      %add3A_216 = arith.addf %mul3A_99, %add3A_215 : vector<16xf32>
      %max3A_217 = arith.maximumf %sub3A_70, %add3A_216 : vector<16xf32>
      %sub3A_218 = arith.subf %min3A_213, %max3A_217 : vector<16xf32>
      %max3A_219 = arith.constant 0.000000e+00 : f32
      %max3A_220 = vector.broadcast %max3A_219 : f32 to vector<16xf32>
      %max3A_221 = arith.maximumf %sub3A_218, %max3A_220 : vector<16xf32>
      %bitcast_convert_type3A_222 = tpu.bitcast %add3A_209 : vector<16xi32> -> vector<16xi32>
      %lt3A_223 = arith.constant 256 : i32
      %lt3A_224 = vector.broadcast %lt3A_223 : i32 to vector<16xi32>
      %lt3A_225 = arith.cmpi ult, %bitcast_convert_type3A_222, %lt3A_224 : vector<16xi32>
      %jit3A_226 = arith.constant 0.000000e+00 : f32
      %broadcast_in_dim3A_227 = vector.broadcast %jit3A_226 : f32 to vector<16xf32>
      %select_n3A_228 = arith.select %lt3A_225, %max3A_221, %broadcast_in_dim3A_227 : vector<16xi1>, vector<16xf32>
      %jit3A_229 = arith.constant 0 : i32
      %jit3A_230 = arith.constant 255 : i32
      %max3A_231 = vector.broadcast %jit3A_229 : i32 to vector<16xi32>
      %max3A_232 = arith.maxsi %max3A_231, %add3A_209 : vector<16xi32>
      %min3A_233 = vector.broadcast %jit3A_230 : i32 to vector<16xi32>
      %min3A_234 = arith.minsi %min3A_233, %max3A_232 : vector<16xi32>
      %add3A_235 = arith.constant 5 : i32
      %add3A_236 = vector.broadcast %add3A_235 : i32 to vector<16xi32>
      %add3A_237 = arith.addi %sub3A_95, %add3A_236 : vector<16xi32>
      %add3A_238 = arith.constant 2.343750e-02 : f32
      %add3A_239 = vector.broadcast %add3A_238 : f32 to vector<16xf32>
      %add3A_240 = arith.addf %mul3A_99, %add3A_239 : vector<16xf32>
      %min3A_241 = arith.minimumf %add3A_71, %add3A_240 : vector<16xf32>
      %add3A_242 = arith.constant 0.01953125 : f32
      %add3A_243 = vector.broadcast %add3A_242 : f32 to vector<16xf32>
      %add3A_244 = arith.addf %mul3A_99, %add3A_243 : vector<16xf32>
      %max3A_245 = arith.maximumf %sub3A_70, %add3A_244 : vector<16xf32>
      %sub3A_246 = arith.subf %min3A_241, %max3A_245 : vector<16xf32>
      %max3A_247 = arith.constant 0.000000e+00 : f32
      %max3A_248 = vector.broadcast %max3A_247 : f32 to vector<16xf32>
      %max3A_249 = arith.maximumf %sub3A_246, %max3A_248 : vector<16xf32>
      %bitcast_convert_type3A_250 = tpu.bitcast %add3A_237 : vector<16xi32> -> vector<16xi32>
      %lt3A_251 = arith.constant 256 : i32
      %lt3A_252 = vector.broadcast %lt3A_251 : i32 to vector<16xi32>
      %lt3A_253 = arith.cmpi ult, %bitcast_convert_type3A_250, %lt3A_252 : vector<16xi32>
      %jit3A_254 = arith.constant 0.000000e+00 : f32
      %broadcast_in_dim3A_255 = vector.broadcast %jit3A_254 : f32 to vector<16xf32>
      %select_n3A_256 = arith.select %lt3A_253, %max3A_249, %broadcast_in_dim3A_255 : vector<16xi1>, vector<16xf32>
      %jit3A_257 = arith.constant 0 : i32
      %jit3A_258 = arith.constant 255 : i32
      %max3A_259 = vector.broadcast %jit3A_257 : i32 to vector<16xi32>
      %max3A_260 = arith.maxsi %max3A_259, %add3A_237 : vector<16xi32>
      %min3A_261 = vector.broadcast %jit3A_258 : i32 to vector<16xi32>
      %min3A_262 = arith.minsi %min3A_261, %max3A_260 : vector<16xi32>
      %add3A_263 = arith.constant 6 : i32
      %add3A_264 = vector.broadcast %add3A_263 : i32 to vector<16xi32>
      %add3A_265 = arith.addi %sub3A_95, %add3A_264 : vector<16xi32>
      %add3A_266 = arith.constant 0.02734375 : f32
      %add3A_267 = vector.broadcast %add3A_266 : f32 to vector<16xf32>
      %add3A_268 = arith.addf %mul3A_99, %add3A_267 : vector<16xf32>
      %min3A_269 = arith.minimumf %add3A_71, %add3A_268 : vector<16xf32>
      %add3A_270 = arith.constant 2.343750e-02 : f32
      %add3A_271 = vector.broadcast %add3A_270 : f32 to vector<16xf32>
      %add3A_272 = arith.addf %mul3A_99, %add3A_271 : vector<16xf32>
      %max3A_273 = arith.maximumf %sub3A_70, %add3A_272 : vector<16xf32>
      %sub3A_274 = arith.subf %min3A_269, %max3A_273 : vector<16xf32>
      %max3A_275 = arith.constant 0.000000e+00 : f32
      %max3A_276 = vector.broadcast %max3A_275 : f32 to vector<16xf32>
      %max3A_277 = arith.maximumf %sub3A_274, %max3A_276 : vector<16xf32>
      %bitcast_convert_type3A_278 = tpu.bitcast %add3A_265 : vector<16xi32> -> vector<16xi32>
      %lt3A_279 = arith.constant 256 : i32
      %lt3A_280 = vector.broadcast %lt3A_279 : i32 to vector<16xi32>
      %lt3A_281 = arith.cmpi ult, %bitcast_convert_type3A_278, %lt3A_280 : vector<16xi32>
      %jit3A_282 = arith.constant 0.000000e+00 : f32
      %broadcast_in_dim3A_283 = vector.broadcast %jit3A_282 : f32 to vector<16xf32>
      %select_n3A_284 = arith.select %lt3A_281, %max3A_277, %broadcast_in_dim3A_283 : vector<16xi1>, vector<16xf32>
      %jit3A_285 = arith.constant 0 : i32
      %jit3A_286 = arith.constant 255 : i32
      %max3A_287 = vector.broadcast %jit3A_285 : i32 to vector<16xi32>
      %max3A_288 = arith.maxsi %max3A_287, %add3A_265 : vector<16xi32>
      %min3A_289 = vector.broadcast %jit3A_286 : i32 to vector<16xi32>
      %min3A_290 = arith.minsi %min3A_289, %max3A_288 : vector<16xi32>
      %convert_element_type3A_291 = arith.sitofp %sub3A_85 : vector<16xi32> to vector<16xf32>
      %mul3A_292 = arith.constant 3.906250e-03 : f32
      %mul3A_293 = vector.broadcast %mul3A_292 : f32 to vector<16xf32>
      %mul3A_294 = arith.mulf %convert_element_type3A_291, %mul3A_293 : vector<16xf32>
      %add3A_295 = arith.constant 0 : i32
      %add3A_296 = vector.broadcast %add3A_295 : i32 to vector<16xi32>
      %add3A_297 = arith.addi %sub3A_85, %add3A_296 : vector<16xi32>
      %add3A_298 = arith.constant 3.906250e-03 : f32
      %add3A_299 = vector.broadcast %add3A_298 : f32 to vector<16xf32>
      %add3A_300 = arith.addf %mul3A_294, %add3A_299 : vector<16xf32>
      %min3A_301 = arith.minimumf %add3A_69, %add3A_300 : vector<16xf32>
      %add3A_302 = arith.constant 0.000000e+00 : f32
      %add3A_303 = vector.broadcast %add3A_302 : f32 to vector<16xf32>
      %add3A_304 = arith.addf %mul3A_294, %add3A_303 : vector<16xf32>
      %max3A_305 = arith.maximumf %sub3A, %add3A_304 : vector<16xf32>
      %sub3A_306 = arith.subf %min3A_301, %max3A_305 : vector<16xf32>
      %max3A_307 = arith.constant 0.000000e+00 : f32
      %max3A_308 = vector.broadcast %max3A_307 : f32 to vector<16xf32>
      %max3A_309 = arith.maximumf %sub3A_306, %max3A_308 : vector<16xf32>
      %bitcast_convert_type3A_310 = tpu.bitcast %add3A_297 : vector<16xi32> -> vector<16xi32>
      %lt3A_311 = arith.constant 256 : i32
      %lt3A_312 = vector.broadcast %lt3A_311 : i32 to vector<16xi32>
      %lt3A_313 = arith.cmpi ult, %bitcast_convert_type3A_310, %lt3A_312 : vector<16xi32>
      %mul3A_314 = arith.mulf %div3A, %max3A_309 : vector<16xf32>
      %jit3A_315 = arith.constant 0.000000e+00 : f32
      %broadcast_in_dim3A_316 = vector.broadcast %jit3A_315 : f32 to vector<16xf32>
      %select_n3A_317 = arith.select %lt3A_313, %mul3A_314, %broadcast_in_dim3A_316 : vector<16xi1>, vector<16xf32>
      %jit3A_318 = arith.constant 0 : i32
      %jit3A_319 = arith.constant 255 : i32
      %max3A_320 = vector.broadcast %jit3A_318 : i32 to vector<16xi32>
      %max3A_321 = arith.maxsi %max3A_320, %add3A_297 : vector<16xi32>
      %min3A_322 = vector.broadcast %jit3A_319 : i32 to vector<16xi32>
      %min3A_323 = arith.minsi %min3A_322, %max3A_321 : vector<16xi32>
      %mul3A_324 = arith.constant 256 : i32
      %mul3A_325 = vector.broadcast %mul3A_324 : i32 to vector<16xi32>
      %mul3A_326 = arith.muli %min3A_323, %mul3A_325 : vector<16xi32>
      %add3A_327 = arith.addi %mul3A_326, %min3A_290 : vector<16xi32>
      %mul3A_328 = arith.mulf %select_n3A_317, %select_n3A_284 : vector<16xf32>
      tpu.vector_store_idx %arg14[%add3A_327], %mul3A_328 {add = true} : memref<65536xf32, #tpu.memory_space<vmem>>[vector<16xi32>], vector<16xf32>,
      %add3A_329 = arith.constant 1 : i32
      %add3A_330 = vector.broadcast %add3A_329 : i32 to vector<16xi32>
      %add3A_331 = arith.addi %sub3A_85, %add3A_330 : vector<16xi32>
      %add3A_332 = arith.constant 7.812500e-03 : f32
      %add3A_333 = vector.broadcast %add3A_332 : f32 to vector<16xf32>
      %add3A_334 = arith.addf %mul3A_294, %add3A_333 : vector<16xf32>
      %min3A_335 = arith.minimumf %add3A_69, %add3A_334 : vector<16xf32>
      %add3A_336 = arith.constant 3.906250e-03 : f32
      %add3A_337 = vector.broadcast %add3A_336 : f32 to vector<16xf32>
      %add3A_338 = arith.addf %mul3A_294, %add3A_337 : vector<16xf32>
      %max3A_339 = arith.maximumf %sub3A, %add3A_338 : vector<16xf32>
      %sub3A_340 = arith.subf %min3A_335, %max3A_339 : vector<16xf32>
      %max3A_341 = arith.constant 0.000000e+00 : f32
      %max3A_342 = vector.broadcast %max3A_341 : f32 to vector<16xf32>
      %max3A_343 = arith.maximumf %sub3A_340, %max3A_342 : vector<16xf32>
      %bitcast_convert_type3A_344 = tpu.bitcast %add3A_331 : vector<16xi32> -> vector<16xi32>
      %lt3A_345 = arith.constant 256 : i32
      %lt3A_346 = vector.broadcast %lt3A_345 : i32 to vector<16xi32>
      %lt3A_347 = arith.cmpi ult, %bitcast_convert_type3A_344, %lt3A_346 : vector<16xi32>
      %mul3A_348 = arith.mulf %div3A, %max3A_343 : vector<16xf32>
      %jit3A_349 = arith.constant 0.000000e+00 : f32
      %broadcast_in_dim3A_350 = vector.broadcast %jit3A_349 : f32 to vector<16xf32>
      %select_n3A_351 = arith.select %lt3A_347, %mul3A_348, %broadcast_in_dim3A_350 : vector<16xi1>, vector<16xf32>
      %jit3A_352 = arith.constant 0 : i32
      %jit3A_353 = arith.constant 255 : i32
      %max3A_354 = vector.broadcast %jit3A_352 : i32 to vector<16xi32>
      %max3A_355 = arith.maxsi %max3A_354, %add3A_331 : vector<16xi32>
      %min3A_356 = vector.broadcast %jit3A_353 : i32 to vector<16xi32>
      %min3A_357 = arith.minsi %min3A_356, %max3A_355 : vector<16xi32>
      %mul3A_358 = arith.constant 256 : i32
      %mul3A_359 = vector.broadcast %mul3A_358 : i32 to vector<16xi32>
      %mul3A_360 = arith.muli %min3A_357, %mul3A_359 : vector<16xi32>
      %add3A_361 = arith.addi %mul3A_360, %min3A_290 : vector<16xi32>
      %mul3A_362 = arith.mulf %select_n3A_351, %select_n3A_284 : vector<16xf32>
      tpu.vector_store_idx %arg14[%add3A_361], %mul3A_362 {add = true} : memref<65536xf32, #tpu.memory_space<vmem>>[vector<16xi32>], vector<16xf32>,
      %add3A_363 = arith.constant 2 : i32
      %add3A_364 = vector.broadcast %add3A_363 : i32 to vector<16xi32>
      %add3A_365 = arith.addi %sub3A_85, %add3A_364 : vector<16xi32>
      %add3A_366 = arith.constant 0.01171875 : f32
      %add3A_367 = vector.broadcast %add3A_366 : f32 to vector<16xf32>
      %add3A_368 = arith.addf %mul3A_294, %add3A_367 : vector<16xf32>
      %min3A_369 = arith.minimumf %add3A_69, %add3A_368 : vector<16xf32>
      %add3A_370 = arith.constant 7.812500e-03 : f32
      %add3A_371 = vector.broadcast %add3A_370 : f32 to vector<16xf32>
      %add3A_372 = arith.addf %mul3A_294, %add3A_371 : vector<16xf32>
      %max3A_373 = arith.maximumf %sub3A, %add3A_372 : vector<16xf32>
      %sub3A_374 = arith.subf %min3A_369, %max3A_373 : vector<16xf32>
      %max3A_375 = arith.constant 0.000000e+00 : f32
      %max3A_376 = vector.broadcast %max3A_375 : f32 to vector<16xf32>
      %max3A_377 = arith.maximumf %sub3A_374, %max3A_376 : vector<16xf32>
      %bitcast_convert_type3A_378 = tpu.bitcast %add3A_365 : vector<16xi32> -> vector<16xi32>
      %lt3A_379 = arith.constant 256 : i32
      %lt3A_380 = vector.broadcast %lt3A_379 : i32 to vector<16xi32>
      %lt3A_381 = arith.cmpi ult, %bitcast_convert_type3A_378, %lt3A_380 : vector<16xi32>
      %mul3A_382 = arith.mulf %div3A, %max3A_377 : vector<16xf32>
      %jit3A_383 = arith.constant 0.000000e+00 : f32
      %broadcast_in_dim3A_384 = vector.broadcast %jit3A_383 : f32 to vector<16xf32>
      %select_n3A_385 = arith.select %lt3A_381, %mul3A_382, %broadcast_in_dim3A_384 : vector<16xi1>, vector<16xf32>
      %jit3A_386 = arith.constant 0 : i32
      %jit3A_387 = arith.constant 255 : i32
      %max3A_388 = vector.broadcast %jit3A_386 : i32 to vector<16xi32>
      %max3A_389 = arith.maxsi %max3A_388, %add3A_365 : vector<16xi32>
      %min3A_390 = vector.broadcast %jit3A_387 : i32 to vector<16xi32>
      %min3A_391 = arith.minsi %min3A_390, %max3A_389 : vector<16xi32>
      %mul3A_392 = arith.constant 256 : i32
      %mul3A_393 = vector.broadcast %mul3A_392 : i32 to vector<16xi32>
      %mul3A_394 = arith.muli %min3A_391, %mul3A_393 : vector<16xi32>
      %add3A_395 = arith.addi %mul3A_394, %min3A_290 : vector<16xi32>
      %mul3A_396 = arith.mulf %select_n3A_385, %select_n3A_284 : vector<16xf32>
      tpu.vector_store_idx %arg14[%add3A_395], %mul3A_396 {add = true} : memref<65536xf32, #tpu.memory_space<vmem>>[vector<16xi32>], vector<16xf32>,
      %add3A_397 = arith.constant 3 : i32
      %add3A_398 = vector.broadcast %add3A_397 : i32 to vector<16xi32>
      %add3A_399 = arith.addi %sub3A_85, %add3A_398 : vector<16xi32>
      %add3A_400 = arith.constant 1.562500e-02 : f32
      %add3A_401 = vector.broadcast %add3A_400 : f32 to vector<16xf32>
      %add3A_402 = arith.addf %mul3A_294, %add3A_401 : vector<16xf32>
      %min3A_403 = arith.minimumf %add3A_69, %add3A_402 : vector<16xf32>
      %add3A_404 = arith.constant 0.01171875 : f32
      %add3A_405 = vector.broadcast %add3A_404 : f32 to vector<16xf32>
      %add3A_406 = arith.addf %mul3A_294, %add3A_405 : vector<16xf32>
      %max3A_407 = arith.maximumf %sub3A, %add3A_406 : vector<16xf32>
      %sub3A_408 = arith.subf %min3A_403, %max3A_407 : vector<16xf32>
      %max3A_409 = arith.constant 0.000000e+00 : f32
      %max3A_410 = vector.broadcast %max3A_409 : f32 to vector<16xf32>
      %max3A_411 = arith.maximumf %sub3A_408, %max3A_410 : vector<16xf32>
      %bitcast_convert_type3A_412 = tpu.bitcast %add3A_399 : vector<16xi32> -> vector<16xi32>
      %lt3A_413 = arith.constant 256 : i32
      %lt3A_414 = vector.broadcast %lt3A_413 : i32 to vector<16xi32>
      %lt3A_415 = arith.cmpi ult, %bitcast_convert_type3A_412, %lt3A_414 : vector<16xi32>
      %mul3A_416 = arith.mulf %div3A, %max3A_411 : vector<16xf32>
      %jit3A_417 = arith.constant 0.000000e+00 : f32
      %broadcast_in_dim3A_418 = vector.broadcast %jit3A_417 : f32 to vector<16xf32>
      %select_n3A_419 = arith.select %lt3A_415, %mul3A_416, %broadcast_in_dim3A_418 : vector<16xi1>, vector<16xf32>
      %jit3A_420 = arith.constant 0 : i32
      %jit3A_421 = arith.constant 255 : i32
      %max3A_422 = vector.broadcast %jit3A_420 : i32 to vector<16xi32>
      %max3A_423 = arith.maxsi %max3A_422, %add3A_399 : vector<16xi32>
      %min3A_424 = vector.broadcast %jit3A_421 : i32 to vector<16xi32>
      %min3A_425 = arith.minsi %min3A_424, %max3A_423 : vector<16xi32>
      %mul3A_426 = arith.constant 256 : i32
      %mul3A_427 = vector.broadcast %mul3A_426 : i32 to vector<16xi32>
      %mul3A_428 = arith.muli %min3A_425, %mul3A_427 : vector<16xi32>
      %add3A_429 = arith.addi %mul3A_428, %min3A_290 : vector<16xi32>
      %mul3A_430 = arith.mulf %select_n3A_419, %select_n3A_284 : vector<16xf32>
      tpu.vector_store_idx %arg14[%add3A_429], %mul3A_430 {add = true} : memref<65536xf32, #tpu.memory_space<vmem>>[vector<16xi32>], vector<16xf32>,
      %add3A_431 = arith.constant 4 : i32
      %add3A_432 = vector.broadcast %add3A_431 : i32 to vector<16xi32>
      %add3A_433 = arith.addi %sub3A_85, %add3A_432 : vector<16xi32>
      %add3A_434 = arith.constant 0.01953125 : f32
      %add3A_435 = vector.broadcast %add3A_434 : f32 to vector<16xf32>
      %add3A_436 = arith.addf %mul3A_294, %add3A_435 : vector<16xf32>
      %min3A_437 = arith.minimumf %add3A_69, %add3A_436 : vector<16xf32>
      %add3A_438 = arith.constant 1.562500e-02 : f32
      %add3A_439 = vector.broadcast %add3A_438 : f32 to vector<16xf32>
      %add3A_440 = arith.addf %mul3A_294, %add3A_439 : vector<16xf32>
      %max3A_441 = arith.maximumf %sub3A, %add3A_440 : vector<16xf32>
      %sub3A_442 = arith.subf %min3A_437, %max3A_441 : vector<16xf32>
      %max3A_443 = arith.constant 0.000000e+00 : f32
      %max3A_444 = vector.broadcast %max3A_443 : f32 to vector<16xf32>
      %max3A_445 = arith.maximumf %sub3A_442, %max3A_444 : vector<16xf32>
      %bitcast_convert_type3A_446 = tpu.bitcast %add3A_433 : vector<16xi32> -> vector<16xi32>
      %lt3A_447 = arith.constant 256 : i32
      %lt3A_448 = vector.broadcast %lt3A_447 : i32 to vector<16xi32>
      %lt3A_449 = arith.cmpi ult, %bitcast_convert_type3A_446, %lt3A_448 : vector<16xi32>
      %mul3A_450 = arith.mulf %div3A, %max3A_445 : vector<16xf32>
      %jit3A_451 = arith.constant 0.000000e+00 : f32
      %broadcast_in_dim3A_452 = vector.broadcast %jit3A_451 : f32 to vector<16xf32>
      %select_n3A_453 = arith.select %lt3A_449, %mul3A_450, %broadcast_in_dim3A_452 : vector<16xi1>, vector<16xf32>
      %jit3A_454 = arith.constant 0 : i32
      %jit3A_455 = arith.constant 255 : i32
      %max3A_456 = vector.broadcast %jit3A_454 : i32 to vector<16xi32>
      %max3A_457 = arith.maxsi %max3A_456, %add3A_433 : vector<16xi32>
      %min3A_458 = vector.broadcast %jit3A_455 : i32 to vector<16xi32>
      %min3A_459 = arith.minsi %min3A_458, %max3A_457 : vector<16xi32>
      %mul3A_460 = arith.constant 256 : i32
      %mul3A_461 = vector.broadcast %mul3A_460 : i32 to vector<16xi32>
      %mul3A_462 = arith.muli %min3A_459, %mul3A_461 : vector<16xi32>
      %add3A_463 = arith.addi %mul3A_462, %min3A_290 : vector<16xi32>
      %mul3A_464 = arith.mulf %select_n3A_453, %select_n3A_284 : vector<16xf32>
      tpu.vector_store_idx %arg14[%add3A_463], %mul3A_464 {add = true} : memref<65536xf32, #tpu.memory_space<vmem>>[vector<16xi32>], vector<16xf32>,
      %add3A_465 = arith.constant 5 : i32
      %add3A_466 = vector.broadcast %add3A_465 : i32 to vector<16xi32>
      %add3A_467 = arith.addi %sub3A_85, %add3A_466 : vector<16xi32>
      %add3A_468 = arith.constant 2.343750e-02 : f32
      %add3A_469 = vector.broadcast %add3A_468 : f32 to vector<16xf32>
      %add3A_470 = arith.addf %mul3A_294, %add3A_469 : vector<16xf32>
      %min3A_471 = arith.minimumf %add3A_69, %add3A_470 : vector<16xf32>
      %add3A_472 = arith.constant 0.01953125 : f32
      %add3A_473 = vector.broadcast %add3A_472 : f32 to vector<16xf32>
      %add3A_474 = arith.addf %mul3A_294, %add3A_473 : vector<16xf32>
      %max3A_475 = arith.maximumf %sub3A, %add3A_474 : vector<16xf32>
      %sub3A_476 = arith.subf %min3A_471, %max3A_475 : vector<16xf32>
      %max3A_477 = arith.constant 0.000000e+00 : f32
      %max3A_478 = vector.broadcast %max3A_477 : f32 to vector<16xf32>
      %max3A_479 = arith.maximumf %sub3A_476, %max3A_478 : vector<16xf32>
      %bitcast_convert_type3A_480 = tpu.bitcast %add3A_467 : vector<16xi32> -> vector<16xi32>
      %lt3A_481 = arith.constant 256 : i32
      %lt3A_482 = vector.broadcast %lt3A_481 : i32 to vector<16xi32>
      %lt3A_483 = arith.cmpi ult, %bitcast_convert_type3A_480, %lt3A_482 : vector<16xi32>
      %mul3A_484 = arith.mulf %div3A, %max3A_479 : vector<16xf32>
      %jit3A_485 = arith.constant 0.000000e+00 : f32
      %broadcast_in_dim3A_486 = vector.broadcast %jit3A_485 : f32 to vector<16xf32>
      %select_n3A_487 = arith.select %lt3A_483, %mul3A_484, %broadcast_in_dim3A_486 : vector<16xi1>, vector<16xf32>
      %jit3A_488 = arith.constant 0 : i32
      %jit3A_489 = arith.constant 255 : i32
      %max3A_490 = vector.broadcast %jit3A_488 : i32 to vector<16xi32>
      %max3A_491 = arith.maxsi %max3A_490, %add3A_467 : vector<16xi32>
      %min3A_492 = vector.broadcast %jit3A_489 : i32 to vector<16xi32>
      %min3A_493 = arith.minsi %min3A_492, %max3A_491 : vector<16xi32>
      %mul3A_494 = arith.constant 256 : i32
      %mul3A_495 = vector.broadcast %mul3A_494 : i32 to vector<16xi32>
      %mul3A_496 = arith.muli %min3A_493, %mul3A_495 : vector<16xi32>
      %add3A_497 = arith.addi %mul3A_496, %min3A_290 : vector<16xi32>
      %mul3A_498 = arith.mulf %select_n3A_487, %select_n3A_284 : vector<16xf32>
      tpu.vector_store_idx %arg14[%add3A_497], %mul3A_498 {add = true} : memref<65536xf32, #tpu.memory_space<vmem>>[vector<16xi32>], vector<16xf32>,
      %add3A_499 = arith.constant 6 : i32
      %add3A_500 = vector.broadcast %add3A_499 : i32 to vector<16xi32>
      %add3A_501 = arith.addi %sub3A_85, %add3A_500 : vector<16xi32>
      %add3A_502 = arith.constant 0.02734375 : f32
      %add3A_503 = vector.broadcast %add3A_502 : f32 to vector<16xf32>
      %add3A_504 = arith.addf %mul3A_294, %add3A_503 : vector<16xf32>
      %min3A_505 = arith.minimumf %add3A_69, %add3A_504 : vector<16xf32>
      %add3A_506 = arith.constant 2.343750e-02 : f32
      %add3A_507 = vector.broadcast %add3A_506 : f32 to vector<16xf32>
      %add3A_508 = arith.addf %mul3A_294, %add3A_507 : vector<16xf32>
      %max3A_509 = arith.maximumf %sub3A, %add3A_508 : vector<16xf32>
      %sub3A_510 = arith.subf %min3A_505, %max3A_509 : vector<16xf32>
      %max3A_511 = arith.constant 0.000000e+00 : f32
      %max3A_512 = vector.broadcast %max3A_511 : f32 to vector<16xf32>
      %max3A_513 = arith.maximumf %sub3A_510, %max3A_512 : vector<16xf32>
      %bitcast_convert_type3A_514 = tpu.bitcast %add3A_501 : vector<16xi32> -> vector<16xi32>
      %lt3A_515 = arith.constant 256 : i32
      %lt3A_516 = vector.broadcast %lt3A_515 : i32 to vector<16xi32>
      %lt3A_517 = arith.cmpi ult, %bitcast_convert_type3A_514, %lt3A_516 : vector<16xi32>
      %mul3A_518 = arith.mulf %div3A, %max3A_513 : vector<16xf32>
      %jit3A_519 = arith.constant 0.000000e+00 : f32
      %broadcast_in_dim3A_520 = vector.broadcast %jit3A_519 : f32 to vector<16xf32>
      %select_n3A_521 = arith.select %lt3A_517, %mul3A_518, %broadcast_in_dim3A_520 : vector<16xi1>, vector<16xf32>
      %jit3A_522 = arith.constant 0 : i32
      %jit3A_523 = arith.constant 255 : i32
      %max3A_524 = vector.broadcast %jit3A_522 : i32 to vector<16xi32>
      %max3A_525 = arith.maxsi %max3A_524, %add3A_501 : vector<16xi32>
      %min3A_526 = vector.broadcast %jit3A_523 : i32 to vector<16xi32>
      %min3A_527 = arith.minsi %min3A_526, %max3A_525 : vector<16xi32>
      %mul3A_528 = arith.constant 256 : i32
      %mul3A_529 = vector.broadcast %mul3A_528 : i32 to vector<16xi32>
      %mul3A_530 = arith.muli %min3A_527, %mul3A_529 : vector<16xi32>
      %add3A_531 = arith.addi %mul3A_530, %min3A_122 : vector<16xi32>
      %mul3A_532 = arith.mulf %select_n3A_521, %select_n3A : vector<16xf32>
      tpu.vector_store_idx %arg14[%add3A_531], %mul3A_532 {add = true} : memref<65536xf32, #tpu.memory_space<vmem>>[vector<16xi32>], vector<16xf32>,
      %add3A_533 = arith.addi %mul3A_530, %min3A_150 : vector<16xi32>
      %mul3A_534 = arith.mulf %select_n3A_521, %select_n3A_144 : vector<16xf32>
      tpu.vector_store_idx %arg14[%add3A_533], %mul3A_534 {add = true} : memref<65536xf32, #tpu.memory_space<vmem>>[vector<16xi32>], vector<16xf32>,
      %add3A_535 = arith.addi %mul3A_530, %min3A_178 : vector<16xi32>
      %mul3A_536 = arith.mulf %select_n3A_521, %select_n3A_172 : vector<16xf32>
      tpu.vector_store_idx %arg14[%add3A_535], %mul3A_536 {add = true} : memref<65536xf32, #tpu.memory_space<vmem>>[vector<16xi32>], vector<16xf32>,
      %add3A_537 = arith.addi %mul3A_530, %min3A_206 : vector<16xi32>
      %mul3A_538 = arith.mulf %select_n3A_521, %select_n3A_200 : vector<16xf32>
      tpu.vector_store_idx %arg14[%add3A_537], %mul3A_538 {add = true} : memref<65536xf32, #tpu.memory_space<vmem>>[vector<16xi32>], vector<16xf32>,
      %add3A_539 = arith.addi %mul3A_530, %min3A_234 : vector<16xi32>
      %mul3A_540 = arith.mulf %select_n3A_521, %select_n3A_228 : vector<16xf32>
      tpu.vector_store_idx %arg14[%add3A_539], %mul3A_540 {add = true} : memref<65536xf32, #tpu.memory_space<vmem>>[vector<16xi32>], vector<16xf32>,
      %add3A_541 = arith.addi %mul3A_530, %min3A_262 : vector<16xi32>
      %mul3A_542 = arith.mulf %select_n3A_521, %select_n3A_256 : vector<16xf32>
      tpu.vector_store_idx %arg14[%add3A_541], %mul3A_542 {add = true} : memref<65536xf32, #tpu.memory_space<vmem>>[vector<16xi32>], vector<16xf32>,
      %add3A_543 = arith.addi %mul3A_530, %min3A_290 : vector<16xi32>
      %mul3A_544 = arith.mulf %select_n3A_521, %select_n3A_284 : vector<16xf32>
      tpu.vector_store_idx %arg14[%add3A_543], %mul3A_544 {add = true} : memref<65536xf32, #tpu.memory_space<vmem>>[vector<16xi32>], vector<16xf32>,
    }
    %while3A_47 = arith.constant 1 : i32
    scf.for %while3A_50 = %while3A_45 to %while3A_41 step %while3A_47  : i32 {
      %mul3A_51 = arith.constant 16 : i32
      %mul3A_52 = arith.muli %while3A_50, %mul3A_51 : i32
      %get3A = arith.index_cast %mul3A_52 : i32 to index
      %get3A_53 = tpu.vector_load %arg13[%get3A] {strides = array<i32>} : memref<3152xi32, #tpu.memory_space<vmem>>, vector<16xi32>,
      %gather3A = tpu.vector_load_idx %arg8[%get3A_53] : memref<3136xf32, #tpu.memory_space<vmem>>[vector<16xi32>], vector<16xf32>,
      %gather3A_54 = tpu.vector_load_idx %arg9[%get3A_53] : memref<3136xf32, #tpu.memory_space<vmem>>[vector<16xi32>], vector<16xf32>,
      %gather3A_55 = tpu.vector_load_idx %arg10[%get3A_53] : memref<3136xf32, #tpu.memory_space<vmem>>[vector<16xi32>], vector<16xf32>,
      %gather3A_56 = tpu.vector_load_idx %arg11[%get3A_53] : memref<3136xf32, #tpu.memory_space<vmem>>[vector<16xi32>], vector<16xf32>,
      %gather3A_57 = tpu.vector_load_idx %arg12[%get3A_53] : memref<3136xf32, #tpu.memory_space<vmem>>[vector<16xi32>], vector<16xf32>,
      %max3A = arith.constant 0.00552427163 : f32
      %max3A_58 = vector.broadcast %max3A : f32 to vector<16xf32>
      %max3A_59 = arith.maximumf %gather3A_55, %max3A_58 : vector<16xf32>
      %max3A_60 = arith.constant 0.00552427163 : f32
      %max3A_61 = vector.broadcast %max3A_60 : f32 to vector<16xf32>
      %max3A_62 = arith.maximumf %gather3A_56, %max3A_61 : vector<16xf32>
      %mul3A_63 = arith.constant 5.000000e-01 : f32
      %mul3A_64 = vector.broadcast %mul3A_63 : f32 to vector<16xf32>
      %mul3A_65 = arith.mulf %mul3A_64, %max3A_59 : vector<16xf32>
      %mul3A_66 = arith.constant 5.000000e-01 : f32
      %mul3A_67 = vector.broadcast %mul3A_66 : f32 to vector<16xf32>
      %mul3A_68 = arith.mulf %mul3A_67, %max3A_62 : vector<16xf32>
      %sub3A = arith.subf %gather3A, %mul3A_65 : vector<16xf32>
      %add3A_69 = arith.addf %gather3A, %mul3A_65 : vector<16xf32>
      %sub3A_70 = arith.subf %gather3A_54, %mul3A_68 : vector<16xf32>
      %add3A_71 = arith.addf %gather3A_54, %mul3A_68 : vector<16xf32>
      %mul3A_72 = arith.constant 6.553600e+02 : f32
      %mul3A_73 = vector.broadcast %mul3A_72 : f32 to vector<16xf32>
      %mul3A_74 = arith.mulf %gather3A_57, %mul3A_73 : vector<16xf32>
      %mul3A_75 = arith.mulf %max3A_59, %max3A_62 : vector<16xf32>
      %div3A = arith.divf %mul3A_74, %mul3A_75 : vector<16xf32>
      %mul3A_76 = arith.constant 2.560000e+02 : f32
      %mul3A_77 = vector.broadcast %mul3A_76 : f32 to vector<16xf32>
      %mul3A_78 = arith.mulf %sub3A, %mul3A_77 : vector<16xf32>
      %add3A_79 = arith.constant 1.024000e+03 : f32
      %add3A_80 = vector.broadcast %add3A_79 : f32 to vector<16xf32>
      %add3A_81 = arith.addf %mul3A_78, %add3A_80 : vector<16xf32>
      %convert_element_type3A_82 = arith.fptosi %add3A_81 : vector<16xf32> to vector<16xi32>
      %sub3A_83 = arith.constant 1024 : i32
      %sub3A_84 = vector.broadcast %sub3A_83 : i32 to vector<16xi32>
      %sub3A_85 = arith.subi %convert_element_type3A_82, %sub3A_84 : vector<16xi32>
      %mul3A_86 = arith.constant 2.560000e+02 : f32
      %mul3A_87 = vector.broadcast %mul3A_86 : f32 to vector<16xf32>
      %mul3A_88 = arith.mulf %sub3A_70, %mul3A_87 : vector<16xf32>
      %add3A_89 = arith.constant 1.024000e+03 : f32
      %add3A_90 = vector.broadcast %add3A_89 : f32 to vector<16xf32>
      %add3A_91 = arith.addf %mul3A_88, %add3A_90 : vector<16xf32>
      %convert_element_type3A_92 = arith.fptosi %add3A_91 : vector<16xf32> to vector<16xi32>
      %sub3A_93 = arith.constant 1024 : i32
      %sub3A_94 = vector.broadcast %sub3A_93 : i32 to vector<16xi32>
      %sub3A_95 = arith.subi %convert_element_type3A_92, %sub3A_94 : vector<16xi32>
      %convert_element_type3A_96 = arith.sitofp %sub3A_95 : vector<16xi32> to vector<16xf32>
      %mul3A_97 = arith.constant 3.906250e-03 : f32
      %mul3A_98 = vector.broadcast %mul3A_97 : f32 to vector<16xf32>
      %mul3A_99 = arith.mulf %convert_element_type3A_96, %mul3A_98 : vector<16xf32>
      %add3A_100 = arith.constant 0 : i32
      %add3A_101 = vector.broadcast %add3A_100 : i32 to vector<16xi32>
      %add3A_102 = arith.addi %sub3A_95, %add3A_101 : vector<16xi32>
      %add3A_103 = arith.constant 3.906250e-03 : f32
      %add3A_104 = vector.broadcast %add3A_103 : f32 to vector<16xf32>
      %add3A_105 = arith.addf %mul3A_99, %add3A_104 : vector<16xf32>
      %min3A = arith.minimumf %add3A_71, %add3A_105 : vector<16xf32>
      %add3A_106 = arith.constant 0.000000e+00 : f32
      %add3A_107 = vector.broadcast %add3A_106 : f32 to vector<16xf32>
      %add3A_108 = arith.addf %mul3A_99, %add3A_107 : vector<16xf32>
      %max3A_109 = arith.maximumf %sub3A_70, %add3A_108 : vector<16xf32>
      %sub3A_110 = arith.subf %min3A, %max3A_109 : vector<16xf32>
      %max3A_111 = arith.constant 0.000000e+00 : f32
      %max3A_112 = vector.broadcast %max3A_111 : f32 to vector<16xf32>
      %max3A_113 = arith.maximumf %sub3A_110, %max3A_112 : vector<16xf32>
      %bitcast_convert_type3A = tpu.bitcast %add3A_102 : vector<16xi32> -> vector<16xi32>
      %lt3A = arith.constant 256 : i32
      %lt3A_114 = vector.broadcast %lt3A : i32 to vector<16xi32>
      %lt3A_115 = arith.cmpi ult, %bitcast_convert_type3A, %lt3A_114 : vector<16xi32>
      %jit3A = arith.constant 0.000000e+00 : f32
      %broadcast_in_dim3A_116 = vector.broadcast %jit3A : f32 to vector<16xf32>
      %select_n3A = arith.select %lt3A_115, %max3A_113, %broadcast_in_dim3A_116 : vector<16xi1>, vector<16xf32>
      %jit3A_117 = arith.constant 0 : i32
      %jit3A_118 = arith.constant 255 : i32
      %max3A_119 = vector.broadcast %jit3A_117 : i32 to vector<16xi32>
      %max3A_120 = arith.maxsi %max3A_119, %add3A_102 : vector<16xi32>
      %min3A_121 = vector.broadcast %jit3A_118 : i32 to vector<16xi32>
      %min3A_122 = arith.minsi %min3A_121, %max3A_120 : vector<16xi32>
      %add3A_123 = arith.constant 1 : i32
      %add3A_124 = vector.broadcast %add3A_123 : i32 to vector<16xi32>
      %add3A_125 = arith.addi %sub3A_95, %add3A_124 : vector<16xi32>
      %add3A_126 = arith.constant 7.812500e-03 : f32
      %add3A_127 = vector.broadcast %add3A_126 : f32 to vector<16xf32>
      %add3A_128 = arith.addf %mul3A_99, %add3A_127 : vector<16xf32>
      %min3A_129 = arith.minimumf %add3A_71, %add3A_128 : vector<16xf32>
      %add3A_130 = arith.constant 3.906250e-03 : f32
      %add3A_131 = vector.broadcast %add3A_130 : f32 to vector<16xf32>
      %add3A_132 = arith.addf %mul3A_99, %add3A_131 : vector<16xf32>
      %max3A_133 = arith.maximumf %sub3A_70, %add3A_132 : vector<16xf32>
      %sub3A_134 = arith.subf %min3A_129, %max3A_133 : vector<16xf32>
      %max3A_135 = arith.constant 0.000000e+00 : f32
      %max3A_136 = vector.broadcast %max3A_135 : f32 to vector<16xf32>
      %max3A_137 = arith.maximumf %sub3A_134, %max3A_136 : vector<16xf32>
      %bitcast_convert_type3A_138 = tpu.bitcast %add3A_125 : vector<16xi32> -> vector<16xi32>
      %lt3A_139 = arith.constant 256 : i32
      %lt3A_140 = vector.broadcast %lt3A_139 : i32 to vector<16xi32>
      %lt3A_141 = arith.cmpi ult, %bitcast_convert_type3A_138, %lt3A_140 : vector<16xi32>
      %jit3A_142 = arith.constant 0.000000e+00 : f32
      %broadcast_in_dim3A_143 = vector.broadcast %jit3A_142 : f32 to vector<16xf32>
      %select_n3A_144 = arith.select %lt3A_141, %max3A_137, %broadcast_in_dim3A_143 : vector<16xi1>, vector<16xf32>
      %jit3A_145 = arith.constant 0 : i32
      %jit3A_146 = arith.constant 255 : i32
      %max3A_147 = vector.broadcast %jit3A_145 : i32 to vector<16xi32>
      %max3A_148 = arith.maxsi %max3A_147, %add3A_125 : vector<16xi32>
      %min3A_149 = vector.broadcast %jit3A_146 : i32 to vector<16xi32>
      %min3A_150 = arith.minsi %min3A_149, %max3A_148 : vector<16xi32>
      %add3A_151 = arith.constant 2 : i32
      %add3A_152 = vector.broadcast %add3A_151 : i32 to vector<16xi32>
      %add3A_153 = arith.addi %sub3A_95, %add3A_152 : vector<16xi32>
      %add3A_154 = arith.constant 0.01171875 : f32
      %add3A_155 = vector.broadcast %add3A_154 : f32 to vector<16xf32>
      %add3A_156 = arith.addf %mul3A_99, %add3A_155 : vector<16xf32>
      %min3A_157 = arith.minimumf %add3A_71, %add3A_156 : vector<16xf32>
      %add3A_158 = arith.constant 7.812500e-03 : f32
      %add3A_159 = vector.broadcast %add3A_158 : f32 to vector<16xf32>
      %add3A_160 = arith.addf %mul3A_99, %add3A_159 : vector<16xf32>
      %max3A_161 = arith.maximumf %sub3A_70, %add3A_160 : vector<16xf32>
      %sub3A_162 = arith.subf %min3A_157, %max3A_161 : vector<16xf32>
      %max3A_163 = arith.constant 0.000000e+00 : f32
      %max3A_164 = vector.broadcast %max3A_163 : f32 to vector<16xf32>
      %max3A_165 = arith.maximumf %sub3A_162, %max3A_164 : vector<16xf32>
      %bitcast_convert_type3A_166 = tpu.bitcast %add3A_153 : vector<16xi32> -> vector<16xi32>
      %lt3A_167 = arith.constant 256 : i32
      %lt3A_168 = vector.broadcast %lt3A_167 : i32 to vector<16xi32>
      %lt3A_169 = arith.cmpi ult, %bitcast_convert_type3A_166, %lt3A_168 : vector<16xi32>
      %jit3A_170 = arith.constant 0.000000e+00 : f32
      %broadcast_in_dim3A_171 = vector.broadcast %jit3A_170 : f32 to vector<16xf32>
      %select_n3A_172 = arith.select %lt3A_169, %max3A_165, %broadcast_in_dim3A_171 : vector<16xi1>, vector<16xf32>
      %jit3A_173 = arith.constant 0 : i32
      %jit3A_174 = arith.constant 255 : i32
      %max3A_175 = vector.broadcast %jit3A_173 : i32 to vector<16xi32>
      %max3A_176 = arith.maxsi %max3A_175, %add3A_153 : vector<16xi32>
      %min3A_177 = vector.broadcast %jit3A_174 : i32 to vector<16xi32>
      %min3A_178 = arith.minsi %min3A_177, %max3A_176 : vector<16xi32>
      %add3A_179 = arith.constant 3 : i32
      %add3A_180 = vector.broadcast %add3A_179 : i32 to vector<16xi32>
      %add3A_181 = arith.addi %sub3A_95, %add3A_180 : vector<16xi32>
      %add3A_182 = arith.constant 1.562500e-02 : f32
      %add3A_183 = vector.broadcast %add3A_182 : f32 to vector<16xf32>
      %add3A_184 = arith.addf %mul3A_99, %add3A_183 : vector<16xf32>
      %min3A_185 = arith.minimumf %add3A_71, %add3A_184 : vector<16xf32>
      %add3A_186 = arith.constant 0.01171875 : f32
      %add3A_187 = vector.broadcast %add3A_186 : f32 to vector<16xf32>
      %add3A_188 = arith.addf %mul3A_99, %add3A_187 : vector<16xf32>
      %max3A_189 = arith.maximumf %sub3A_70, %add3A_188 : vector<16xf32>
      %sub3A_190 = arith.subf %min3A_185, %max3A_189 : vector<16xf32>
      %max3A_191 = arith.constant 0.000000e+00 : f32
      %max3A_192 = vector.broadcast %max3A_191 : f32 to vector<16xf32>
      %max3A_193 = arith.maximumf %sub3A_190, %max3A_192 : vector<16xf32>
      %bitcast_convert_type3A_194 = tpu.bitcast %add3A_181 : vector<16xi32> -> vector<16xi32>
      %lt3A_195 = arith.constant 256 : i32
      %lt3A_196 = vector.broadcast %lt3A_195 : i32 to vector<16xi32>
      %lt3A_197 = arith.cmpi ult, %bitcast_convert_type3A_194, %lt3A_196 : vector<16xi32>
      %jit3A_198 = arith.constant 0.000000e+00 : f32
      %broadcast_in_dim3A_199 = vector.broadcast %jit3A_198 : f32 to vector<16xf32>
      %select_n3A_200 = arith.select %lt3A_197, %max3A_193, %broadcast_in_dim3A_199 : vector<16xi1>, vector<16xf32>
      %jit3A_201 = arith.constant 0 : i32
      %jit3A_202 = arith.constant 255 : i32
      %max3A_203 = vector.broadcast %jit3A_201 : i32 to vector<16xi32>
      %max3A_204 = arith.maxsi %max3A_203, %add3A_181 : vector<16xi32>
      %min3A_205 = vector.broadcast %jit3A_202 : i32 to vector<16xi32>
      %min3A_206 = arith.minsi %min3A_205, %max3A_204 : vector<16xi32>
      %add3A_207 = arith.constant 4 : i32
      %add3A_208 = vector.broadcast %add3A_207 : i32 to vector<16xi32>
      %add3A_209 = arith.addi %sub3A_95, %add3A_208 : vector<16xi32>
      %add3A_210 = arith.constant 0.01953125 : f32
      %add3A_211 = vector.broadcast %add3A_210 : f32 to vector<16xf32>
      %add3A_212 = arith.addf %mul3A_99, %add3A_211 : vector<16xf32>
      %min3A_213 = arith.minimumf %add3A_71, %add3A_212 : vector<16xf32>
      %add3A_214 = arith.constant 1.562500e-02 : f32
      %add3A_215 = vector.broadcast %add3A_214 : f32 to vector<16xf32>
      %add3A_216 = arith.addf %mul3A_99, %add3A_215 : vector<16xf32>
      %max3A_217 = arith.maximumf %sub3A_70, %add3A_216 : vector<16xf32>
      %sub3A_218 = arith.subf %min3A_213, %max3A_217 : vector<16xf32>
      %max3A_219 = arith.constant 0.000000e+00 : f32
      %max3A_220 = vector.broadcast %max3A_219 : f32 to vector<16xf32>
      %max3A_221 = arith.maximumf %sub3A_218, %max3A_220 : vector<16xf32>
      %bitcast_convert_type3A_222 = tpu.bitcast %add3A_209 : vector<16xi32> -> vector<16xi32>
      %lt3A_223 = arith.constant 256 : i32
      %lt3A_224 = vector.broadcast %lt3A_223 : i32 to vector<16xi32>
      %lt3A_225 = arith.cmpi ult, %bitcast_convert_type3A_222, %lt3A_224 : vector<16xi32>
      %jit3A_226 = arith.constant 0.000000e+00 : f32
      %broadcast_in_dim3A_227 = vector.broadcast %jit3A_226 : f32 to vector<16xf32>
      %select_n3A_228 = arith.select %lt3A_225, %max3A_221, %broadcast_in_dim3A_227 : vector<16xi1>, vector<16xf32>
      %jit3A_229 = arith.constant 0 : i32
      %jit3A_230 = arith.constant 255 : i32
      %max3A_231 = vector.broadcast %jit3A_229 : i32 to vector<16xi32>
      %max3A_232 = arith.maxsi %max3A_231, %add3A_209 : vector<16xi32>
      %min3A_233 = vector.broadcast %jit3A_230 : i32 to vector<16xi32>
      %min3A_234 = arith.minsi %min3A_233, %max3A_232 : vector<16xi32>
      %add3A_235 = arith.constant 5 : i32
      %add3A_236 = vector.broadcast %add3A_235 : i32 to vector<16xi32>
      %add3A_237 = arith.addi %sub3A_95, %add3A_236 : vector<16xi32>
      %add3A_238 = arith.constant 2.343750e-02 : f32
      %add3A_239 = vector.broadcast %add3A_238 : f32 to vector<16xf32>
      %add3A_240 = arith.addf %mul3A_99, %add3A_239 : vector<16xf32>
      %min3A_241 = arith.minimumf %add3A_71, %add3A_240 : vector<16xf32>
      %add3A_242 = arith.constant 0.01953125 : f32
      %add3A_243 = vector.broadcast %add3A_242 : f32 to vector<16xf32>
      %add3A_244 = arith.addf %mul3A_99, %add3A_243 : vector<16xf32>
      %max3A_245 = arith.maximumf %sub3A_70, %add3A_244 : vector<16xf32>
      %sub3A_246 = arith.subf %min3A_241, %max3A_245 : vector<16xf32>
      %max3A_247 = arith.constant 0.000000e+00 : f32
      %max3A_248 = vector.broadcast %max3A_247 : f32 to vector<16xf32>
      %max3A_249 = arith.maximumf %sub3A_246, %max3A_248 : vector<16xf32>
      %bitcast_convert_type3A_250 = tpu.bitcast %add3A_237 : vector<16xi32> -> vector<16xi32>
      %lt3A_251 = arith.constant 256 : i32
      %lt3A_252 = vector.broadcast %lt3A_251 : i32 to vector<16xi32>
      %lt3A_253 = arith.cmpi ult, %bitcast_convert_type3A_250, %lt3A_252 : vector<16xi32>
      %jit3A_254 = arith.constant 0.000000e+00 : f32
      %broadcast_in_dim3A_255 = vector.broadcast %jit3A_254 : f32 to vector<16xf32>
      %select_n3A_256 = arith.select %lt3A_253, %max3A_249, %broadcast_in_dim3A_255 : vector<16xi1>, vector<16xf32>
      %jit3A_257 = arith.constant 0 : i32
      %jit3A_258 = arith.constant 255 : i32
      %max3A_259 = vector.broadcast %jit3A_257 : i32 to vector<16xi32>
      %max3A_260 = arith.maxsi %max3A_259, %add3A_237 : vector<16xi32>
      %min3A_261 = vector.broadcast %jit3A_258 : i32 to vector<16xi32>
      %min3A_262 = arith.minsi %min3A_261, %max3A_260 : vector<16xi32>
      %add3A_263 = arith.constant 6 : i32
      %add3A_264 = vector.broadcast %add3A_263 : i32 to vector<16xi32>
      %add3A_265 = arith.addi %sub3A_95, %add3A_264 : vector<16xi32>
      %add3A_266 = arith.constant 0.02734375 : f32
      %add3A_267 = vector.broadcast %add3A_266 : f32 to vector<16xf32>
      %add3A_268 = arith.addf %mul3A_99, %add3A_267 : vector<16xf32>
      %min3A_269 = arith.minimumf %add3A_71, %add3A_268 : vector<16xf32>
      %add3A_270 = arith.constant 2.343750e-02 : f32
      %add3A_271 = vector.broadcast %add3A_270 : f32 to vector<16xf32>
      %add3A_272 = arith.addf %mul3A_99, %add3A_271 : vector<16xf32>
      %max3A_273 = arith.maximumf %sub3A_70, %add3A_272 : vector<16xf32>
      %sub3A_274 = arith.subf %min3A_269, %max3A_273 : vector<16xf32>
      %max3A_275 = arith.constant 0.000000e+00 : f32
      %max3A_276 = vector.broadcast %max3A_275 : f32 to vector<16xf32>
      %max3A_277 = arith.maximumf %sub3A_274, %max3A_276 : vector<16xf32>
      %bitcast_convert_type3A_278 = tpu.bitcast %add3A_265 : vector<16xi32> -> vector<16xi32>
      %lt3A_279 = arith.constant 256 : i32
      %lt3A_280 = vector.broadcast %lt3A_279 : i32 to vector<16xi32>
      %lt3A_281 = arith.cmpi ult, %bitcast_convert_type3A_278, %lt3A_280 : vector<16xi32>
      %jit3A_282 = arith.constant 0.000000e+00 : f32
      %broadcast_in_dim3A_283 = vector.broadcast %jit3A_282 : f32 to vector<16xf32>
      %select_n3A_284 = arith.select %lt3A_281, %max3A_277, %broadcast_in_dim3A_283 : vector<16xi1>, vector<16xf32>
      %jit3A_285 = arith.constant 0 : i32
      %jit3A_286 = arith.constant 255 : i32
      %max3A_287 = vector.broadcast %jit3A_285 : i32 to vector<16xi32>
      %max3A_288 = arith.maxsi %max3A_287, %add3A_265 : vector<16xi32>
      %min3A_289 = vector.broadcast %jit3A_286 : i32 to vector<16xi32>
      %min3A_290 = arith.minsi %min3A_289, %max3A_288 : vector<16xi32>
      %convert_element_type3A_291 = arith.sitofp %sub3A_85 : vector<16xi32> to vector<16xf32>
      %mul3A_292 = arith.constant 3.906250e-03 : f32
      %mul3A_293 = vector.broadcast %mul3A_292 : f32 to vector<16xf32>
      %mul3A_294 = arith.mulf %convert_element_type3A_291, %mul3A_293 : vector<16xf32>
      %add3A_295 = arith.constant 0 : i32
      %add3A_296 = vector.broadcast %add3A_295 : i32 to vector<16xi32>
      %add3A_297 = arith.addi %sub3A_85, %add3A_296 : vector<16xi32>
      %add3A_298 = arith.constant 3.906250e-03 : f32
      %add3A_299 = vector.broadcast %add3A_298 : f32 to vector<16xf32>
      %add3A_300 = arith.addf %mul3A_294, %add3A_299 : vector<16xf32>
      %min3A_301 = arith.minimumf %add3A_69, %add3A_300 : vector<16xf32>
      %add3A_302 = arith.constant 0.000000e+00 : f32
      %add3A_303 = vector.broadcast %add3A_302 : f32 to vector<16xf32>
      %add3A_304 = arith.addf %mul3A_294, %add3A_303 : vector<16xf32>
      %max3A_305 = arith.maximumf %sub3A, %add3A_304 : vector<16xf32>
      %sub3A_306 = arith.subf %min3A_301, %max3A_305 : vector<16xf32>
      %max3A_307 = arith.constant 0.000000e+00 : f32
      %max3A_308 = vector.broadcast %max3A_307 : f32 to vector<16xf32>
      %max3A_309 = arith.maximumf %sub3A_306, %max3A_308 : vector<16xf32>
      %bitcast_convert_type3A_310 = tpu.bitcast %add3A_297 : vector<16xi32> -> vector<16xi32>
      %lt3A_311 = arith.constant 256 : i32
      %lt3A_312 = vector.broadcast %lt3A_311 : i32 to vector<16xi32>
      %lt3A_313 = arith.cmpi ult, %bitcast_convert_type3A_310, %lt3A_312 : vector<16xi32>
      %mul3A_314 = arith.mulf %div3A, %max3A_309 : vector<16xf32>
      %jit3A_315 = arith.constant 0.000000e+00 : f32
      %broadcast_in_dim3A_316 = vector.broadcast %jit3A_315 : f32 to vector<16xf32>
      %select_n3A_317 = arith.select %lt3A_313, %mul3A_314, %broadcast_in_dim3A_316 : vector<16xi1>, vector<16xf32>
      %jit3A_318 = arith.constant 0 : i32
      %jit3A_319 = arith.constant 255 : i32
      %max3A_320 = vector.broadcast %jit3A_318 : i32 to vector<16xi32>
      %max3A_321 = arith.maxsi %max3A_320, %add3A_297 : vector<16xi32>
      %min3A_322 = vector.broadcast %jit3A_319 : i32 to vector<16xi32>
      %min3A_323 = arith.minsi %min3A_322, %max3A_321 : vector<16xi32>
      %mul3A_324 = arith.constant 256 : i32
      %mul3A_325 = vector.broadcast %mul3A_324 : i32 to vector<16xi32>
      %mul3A_326 = arith.muli %min3A_323, %mul3A_325 : vector<16xi32>
      %add3A_327 = arith.addi %mul3A_326, %min3A_290 : vector<16xi32>
      %mul3A_328 = arith.mulf %select_n3A_317, %select_n3A_284 : vector<16xf32>
      tpu.vector_store_idx %arg14[%add3A_327], %mul3A_328 {add = true} : memref<65536xf32, #tpu.memory_space<vmem>>[vector<16xi32>], vector<16xf32>,
      %add3A_329 = arith.constant 1 : i32
      %add3A_330 = vector.broadcast %add3A_329 : i32 to vector<16xi32>
      %add3A_331 = arith.addi %sub3A_85, %add3A_330 : vector<16xi32>
      %add3A_332 = arith.constant 7.812500e-03 : f32
      %add3A_333 = vector.broadcast %add3A_332 : f32 to vector<16xf32>
      %add3A_334 = arith.addf %mul3A_294, %add3A_333 : vector<16xf32>
      %min3A_335 = arith.minimumf %add3A_69, %add3A_334 : vector<16xf32>
      %add3A_336 = arith.constant 3.906250e-03 : f32
      %add3A_337 = vector.broadcast %add3A_336 : f32 to vector<16xf32>
      %add3A_338 = arith.addf %mul3A_294, %add3A_337 : vector<16xf32>
      %max3A_339 = arith.maximumf %sub3A, %add3A_338 : vector<16xf32>
      %sub3A_340 = arith.subf %min3A_335, %max3A_339 : vector<16xf32>
      %max3A_341 = arith.constant 0.000000e+00 : f32
      %max3A_342 = vector.broadcast %max3A_341 : f32 to vector<16xf32>
      %max3A_343 = arith.maximumf %sub3A_340, %max3A_342 : vector<16xf32>
      %bitcast_convert_type3A_344 = tpu.bitcast %add3A_331 : vector<16xi32> -> vector<16xi32>
      %lt3A_345 = arith.constant 256 : i32
      %lt3A_346 = vector.broadcast %lt3A_345 : i32 to vector<16xi32>
      %lt3A_347 = arith.cmpi ult, %bitcast_convert_type3A_344, %lt3A_346 : vector<16xi32>
      %mul3A_348 = arith.mulf %div3A, %max3A_343 : vector<16xf32>
      %jit3A_349 = arith.constant 0.000000e+00 : f32
      %broadcast_in_dim3A_350 = vector.broadcast %jit3A_349 : f32 to vector<16xf32>
      %select_n3A_351 = arith.select %lt3A_347, %mul3A_348, %broadcast_in_dim3A_350 : vector<16xi1>, vector<16xf32>
      %jit3A_352 = arith.constant 0 : i32
      %jit3A_353 = arith.constant 255 : i32
      %max3A_354 = vector.broadcast %jit3A_352 : i32 to vector<16xi32>
      %max3A_355 = arith.maxsi %max3A_354, %add3A_331 : vector<16xi32>
      %min3A_356 = vector.broadcast %jit3A_353 : i32 to vector<16xi32>
      %min3A_357 = arith.minsi %min3A_356, %max3A_355 : vector<16xi32>
      %mul3A_358 = arith.constant 256 : i32
      %mul3A_359 = vector.broadcast %mul3A_358 : i32 to vector<16xi32>
      %mul3A_360 = arith.muli %min3A_357, %mul3A_359 : vector<16xi32>
      %add3A_361 = arith.addi %mul3A_360, %min3A_290 : vector<16xi32>
      %mul3A_362 = arith.mulf %select_n3A_351, %select_n3A_284 : vector<16xf32>
      tpu.vector_store_idx %arg14[%add3A_361], %mul3A_362 {add = true} : memref<65536xf32, #tpu.memory_space<vmem>>[vector<16xi32>], vector<16xf32>,
      %add3A_363 = arith.constant 2 : i32
      %add3A_364 = vector.broadcast %add3A_363 : i32 to vector<16xi32>
      %add3A_365 = arith.addi %sub3A_85, %add3A_364 : vector<16xi32>
      %add3A_366 = arith.constant 0.01171875 : f32
      %add3A_367 = vector.broadcast %add3A_366 : f32 to vector<16xf32>
      %add3A_368 = arith.addf %mul3A_294, %add3A_367 : vector<16xf32>
      %min3A_369 = arith.minimumf %add3A_69, %add3A_368 : vector<16xf32>
      %add3A_370 = arith.constant 7.812500e-03 : f32
      %add3A_371 = vector.broadcast %add3A_370 : f32 to vector<16xf32>
      %add3A_372 = arith.addf %mul3A_294, %add3A_371 : vector<16xf32>
      %max3A_373 = arith.maximumf %sub3A, %add3A_372 : vector<16xf32>
      %sub3A_374 = arith.subf %min3A_369, %max3A_373 : vector<16xf32>
      %max3A_375 = arith.constant 0.000000e+00 : f32
      %max3A_376 = vector.broadcast %max3A_375 : f32 to vector<16xf32>
      %max3A_377 = arith.maximumf %sub3A_374, %max3A_376 : vector<16xf32>
      %bitcast_convert_type3A_378 = tpu.bitcast %add3A_365 : vector<16xi32> -> vector<16xi32>
      %lt3A_379 = arith.constant 256 : i32
      %lt3A_380 = vector.broadcast %lt3A_379 : i32 to vector<16xi32>
      %lt3A_381 = arith.cmpi ult, %bitcast_convert_type3A_378, %lt3A_380 : vector<16xi32>
      %mul3A_382 = arith.mulf %div3A, %max3A_377 : vector<16xf32>
      %jit3A_383 = arith.constant 0.000000e+00 : f32
      %broadcast_in_dim3A_384 = vector.broadcast %jit3A_383 : f32 to vector<16xf32>
      %select_n3A_385 = arith.select %lt3A_381, %mul3A_382, %broadcast_in_dim3A_384 : vector<16xi1>, vector<16xf32>
      %jit3A_386 = arith.constant 0 : i32
      %jit3A_387 = arith.constant 255 : i32
      %max3A_388 = vector.broadcast %jit3A_386 : i32 to vector<16xi32>
      %max3A_389 = arith.maxsi %max3A_388, %add3A_365 : vector<16xi32>
      %min3A_390 = vector.broadcast %jit3A_387 : i32 to vector<16xi32>
      %min3A_391 = arith.minsi %min3A_390, %max3A_389 : vector<16xi32>
      %mul3A_392 = arith.constant 256 : i32
      %mul3A_393 = vector.broadcast %mul3A_392 : i32 to vector<16xi32>
      %mul3A_394 = arith.muli %min3A_391, %mul3A_393 : vector<16xi32>
      %add3A_395 = arith.addi %mul3A_394, %min3A_290 : vector<16xi32>
      %mul3A_396 = arith.mulf %select_n3A_385, %select_n3A_284 : vector<16xf32>
      tpu.vector_store_idx %arg14[%add3A_395], %mul3A_396 {add = true} : memref<65536xf32, #tpu.memory_space<vmem>>[vector<16xi32>], vector<16xf32>,
      %add3A_397 = arith.constant 3 : i32
      %add3A_398 = vector.broadcast %add3A_397 : i32 to vector<16xi32>
      %add3A_399 = arith.addi %sub3A_85, %add3A_398 : vector<16xi32>
      %add3A_400 = arith.constant 1.562500e-02 : f32
      %add3A_401 = vector.broadcast %add3A_400 : f32 to vector<16xf32>
      %add3A_402 = arith.addf %mul3A_294, %add3A_401 : vector<16xf32>
      %min3A_403 = arith.minimumf %add3A_69, %add3A_402 : vector<16xf32>
      %add3A_404 = arith.constant 0.01171875 : f32
      %add3A_405 = vector.broadcast %add3A_404 : f32 to vector<16xf32>
      %add3A_406 = arith.addf %mul3A_294, %add3A_405 : vector<16xf32>
      %max3A_407 = arith.maximumf %sub3A, %add3A_406 : vector<16xf32>
      %sub3A_408 = arith.subf %min3A_403, %max3A_407 : vector<16xf32>
      %max3A_409 = arith.constant 0.000000e+00 : f32
      %max3A_410 = vector.broadcast %max3A_409 : f32 to vector<16xf32>
      %max3A_411 = arith.maximumf %sub3A_408, %max3A_410 : vector<16xf32>
      %bitcast_convert_type3A_412 = tpu.bitcast %add3A_399 : vector<16xi32> -> vector<16xi32>
      %lt3A_413 = arith.constant 256 : i32
      %lt3A_414 = vector.broadcast %lt3A_413 : i32 to vector<16xi32>
      %lt3A_415 = arith.cmpi ult, %bitcast_convert_type3A_412, %lt3A_414 : vector<16xi32>
      %mul3A_416 = arith.mulf %div3A, %max3A_411 : vector<16xf32>
      %jit3A_417 = arith.constant 0.000000e+00 : f32
      %broadcast_in_dim3A_418 = vector.broadcast %jit3A_417 : f32 to vector<16xf32>
      %select_n3A_419 = arith.select %lt3A_415, %mul3A_416, %broadcast_in_dim3A_418 : vector<16xi1>, vector<16xf32>
      %jit3A_420 = arith.constant 0 : i32
      %jit3A_421 = arith.constant 255 : i32
      %max3A_422 = vector.broadcast %jit3A_420 : i32 to vector<16xi32>
      %max3A_423 = arith.maxsi %max3A_422, %add3A_399 : vector<16xi32>
      %min3A_424 = vector.broadcast %jit3A_421 : i32 to vector<16xi32>
      %min3A_425 = arith.minsi %min3A_424, %max3A_423 : vector<16xi32>
      %mul3A_426 = arith.constant 256 : i32
      %mul3A_427 = vector.broadcast %mul3A_426 : i32 to vector<16xi32>
      %mul3A_428 = arith.muli %min3A_425, %mul3A_427 : vector<16xi32>
      %add3A_429 = arith.addi %mul3A_428, %min3A_290 : vector<16xi32>
      %mul3A_430 = arith.mulf %select_n3A_419, %select_n3A_284 : vector<16xf32>
      tpu.vector_store_idx %arg14[%add3A_429], %mul3A_430 {add = true} : memref<65536xf32, #tpu.memory_space<vmem>>[vector<16xi32>], vector<16xf32>,
      %add3A_431 = arith.constant 4 : i32
      %add3A_432 = vector.broadcast %add3A_431 : i32 to vector<16xi32>
      %add3A_433 = arith.addi %sub3A_85, %add3A_432 : vector<16xi32>
      %add3A_434 = arith.constant 0.01953125 : f32
      %add3A_435 = vector.broadcast %add3A_434 : f32 to vector<16xf32>
      %add3A_436 = arith.addf %mul3A_294, %add3A_435 : vector<16xf32>
      %min3A_437 = arith.minimumf %add3A_69, %add3A_436 : vector<16xf32>
      %add3A_438 = arith.constant 1.562500e-02 : f32
      %add3A_439 = vector.broadcast %add3A_438 : f32 to vector<16xf32>
      %add3A_440 = arith.addf %mul3A_294, %add3A_439 : vector<16xf32>
      %max3A_441 = arith.maximumf %sub3A, %add3A_440 : vector<16xf32>
      %sub3A_442 = arith.subf %min3A_437, %max3A_441 : vector<16xf32>
      %max3A_443 = arith.constant 0.000000e+00 : f32
      %max3A_444 = vector.broadcast %max3A_443 : f32 to vector<16xf32>
      %max3A_445 = arith.maximumf %sub3A_442, %max3A_444 : vector<16xf32>
      %bitcast_convert_type3A_446 = tpu.bitcast %add3A_433 : vector<16xi32> -> vector<16xi32>
      %lt3A_447 = arith.constant 256 : i32
      %lt3A_448 = vector.broadcast %lt3A_447 : i32 to vector<16xi32>
      %lt3A_449 = arith.cmpi ult, %bitcast_convert_type3A_446, %lt3A_448 : vector<16xi32>
      %mul3A_450 = arith.mulf %div3A, %max3A_445 : vector<16xf32>
      %jit3A_451 = arith.constant 0.000000e+00 : f32
      %broadcast_in_dim3A_452 = vector.broadcast %jit3A_451 : f32 to vector<16xf32>
      %select_n3A_453 = arith.select %lt3A_449, %mul3A_450, %broadcast_in_dim3A_452 : vector<16xi1>, vector<16xf32>
      %jit3A_454 = arith.constant 0 : i32
      %jit3A_455 = arith.constant 255 : i32
      %max3A_456 = vector.broadcast %jit3A_454 : i32 to vector<16xi32>
      %max3A_457 = arith.maxsi %max3A_456, %add3A_433 : vector<16xi32>
      %min3A_458 = vector.broadcast %jit3A_455 : i32 to vector<16xi32>
      %min3A_459 = arith.minsi %min3A_458, %max3A_457 : vector<16xi32>
      %mul3A_460 = arith.constant 256 : i32
      %mul3A_461 = vector.broadcast %mul3A_460 : i32 to vector<16xi32>
      %mul3A_462 = arith.muli %min3A_459, %mul3A_461 : vector<16xi32>
      %add3A_463 = arith.addi %mul3A_462, %min3A_290 : vector<16xi32>
      %mul3A_464 = arith.mulf %select_n3A_453, %select_n3A_284 : vector<16xf32>
      tpu.vector_store_idx %arg14[%add3A_463], %mul3A_464 {add = true} : memref<65536xf32, #tpu.memory_space<vmem>>[vector<16xi32>], vector<16xf32>,
      %add3A_465 = arith.constant 5 : i32
      %add3A_466 = vector.broadcast %add3A_465 : i32 to vector<16xi32>
      %add3A_467 = arith.addi %sub3A_85, %add3A_466 : vector<16xi32>
      %add3A_468 = arith.constant 2.343750e-02 : f32
      %add3A_469 = vector.broadcast %add3A_468 : f32 to vector<16xf32>
      %add3A_470 = arith.addf %mul3A_294, %add3A_469 : vector<16xf32>
      %min3A_471 = arith.minimumf %add3A_69, %add3A_470 : vector<16xf32>
      %add3A_472 = arith.constant 0.01953125 : f32
      %add3A_473 = vector.broadcast %add3A_472 : f32 to vector<16xf32>
      %add3A_474 = arith.addf %mul3A_294, %add3A_473 : vector<16xf32>
      %max3A_475 = arith.maximumf %sub3A, %add3A_474 : vector<16xf32>
      %sub3A_476 = arith.subf %min3A_471, %max3A_475 : vector<16xf32>
      %max3A_477 = arith.constant 0.000000e+00 : f32
      %max3A_478 = vector.broadcast %max3A_477 : f32 to vector<16xf32>
      %max3A_479 = arith.maximumf %sub3A_476, %max3A_478 : vector<16xf32>
      %bitcast_convert_type3A_480 = tpu.bitcast %add3A_467 : vector<16xi32> -> vector<16xi32>
      %lt3A_481 = arith.constant 256 : i32
      %lt3A_482 = vector.broadcast %lt3A_481 : i32 to vector<16xi32>
      %lt3A_483 = arith.cmpi ult, %bitcast_convert_type3A_480, %lt3A_482 : vector<16xi32>
      %mul3A_484 = arith.mulf %div3A, %max3A_479 : vector<16xf32>
      %jit3A_485 = arith.constant 0.000000e+00 : f32
      %broadcast_in_dim3A_486 = vector.broadcast %jit3A_485 : f32 to vector<16xf32>
      %select_n3A_487 = arith.select %lt3A_483, %mul3A_484, %broadcast_in_dim3A_486 : vector<16xi1>, vector<16xf32>
      %jit3A_488 = arith.constant 0 : i32
      %jit3A_489 = arith.constant 255 : i32
      %max3A_490 = vector.broadcast %jit3A_488 : i32 to vector<16xi32>
      %max3A_491 = arith.maxsi %max3A_490, %add3A_467 : vector<16xi32>
      %min3A_492 = vector.broadcast %jit3A_489 : i32 to vector<16xi32>
      %min3A_493 = arith.minsi %min3A_492, %max3A_491 : vector<16xi32>
      %mul3A_494 = arith.constant 256 : i32
      %mul3A_495 = vector.broadcast %mul3A_494 : i32 to vector<16xi32>
      %mul3A_496 = arith.muli %min3A_493, %mul3A_495 : vector<16xi32>
      %add3A_497 = arith.addi %mul3A_496, %min3A_290 : vector<16xi32>
      %mul3A_498 = arith.mulf %select_n3A_487, %select_n3A_284 : vector<16xf32>
      tpu.vector_store_idx %arg14[%add3A_497], %mul3A_498 {add = true} : memref<65536xf32, #tpu.memory_space<vmem>>[vector<16xi32>], vector<16xf32>,
      %add3A_499 = arith.constant 6 : i32
      %add3A_500 = vector.broadcast %add3A_499 : i32 to vector<16xi32>
      %add3A_501 = arith.addi %sub3A_85, %add3A_500 : vector<16xi32>
      %add3A_502 = arith.constant 0.02734375 : f32
      %add3A_503 = vector.broadcast %add3A_502 : f32 to vector<16xf32>
      %add3A_504 = arith.addf %mul3A_294, %add3A_503 : vector<16xf32>
      %min3A_505 = arith.minimumf %add3A_69, %add3A_504 : vector<16xf32>
      %add3A_506 = arith.constant 2.343750e-02 : f32
      %add3A_507 = vector.broadcast %add3A_506 : f32 to vector<16xf32>
      %add3A_508 = arith.addf %mul3A_294, %add3A_507 : vector<16xf32>
      %max3A_509 = arith.maximumf %sub3A, %add3A_508 : vector<16xf32>
      %sub3A_510 = arith.subf %min3A_505, %max3A_509 : vector<16xf32>
      %max3A_511 = arith.constant 0.000000e+00 : f32
      %max3A_512 = vector.broadcast %max3A_511 : f32 to vector<16xf32>
      %max3A_513 = arith.maximumf %sub3A_510, %max3A_512 : vector<16xf32>
      %bitcast_convert_type3A_514 = tpu.bitcast %add3A_501 : vector<16xi32> -> vector<16xi32>
      %lt3A_515 = arith.constant 256 : i32
      %lt3A_516 = vector.broadcast %lt3A_515 : i32 to vector<16xi32>
      %lt3A_517 = arith.cmpi ult, %bitcast_convert_type3A_514, %lt3A_516 : vector<16xi32>
      %mul3A_518 = arith.mulf %div3A, %max3A_513 : vector<16xf32>
      %jit3A_519 = arith.constant 0.000000e+00 : f32
      %broadcast_in_dim3A_520 = vector.broadcast %jit3A_519 : f32 to vector<16xf32>
      %select_n3A_521 = arith.select %lt3A_517, %mul3A_518, %broadcast_in_dim3A_520 : vector<16xi1>, vector<16xf32>
      %jit3A_522 = arith.constant 0 : i32
      %jit3A_523 = arith.constant 255 : i32
      %max3A_524 = vector.broadcast %jit3A_522 : i32 to vector<16xi32>
      %max3A_525 = arith.maxsi %max3A_524, %add3A_501 : vector<16xi32>
      %min3A_526 = vector.broadcast %jit3A_523 : i32 to vector<16xi32>
      %min3A_527 = arith.minsi %min3A_526, %max3A_525 : vector<16xi32>
      %mul3A_528 = arith.constant 256 : i32
      %mul3A_529 = vector.broadcast %mul3A_528 : i32 to vector<16xi32>
      %mul3A_530 = arith.muli %min3A_527, %mul3A_529 : vector<16xi32>
      %add3A_531 = arith.addi %mul3A_530, %min3A_122 : vector<16xi32>
      %mul3A_532 = arith.mulf %select_n3A_521, %select_n3A : vector<16xf32>
      tpu.vector_store_idx %arg14[%add3A_531], %mul3A_532 {add = true} : memref<65536xf32, #tpu.memory_space<vmem>>[vector<16xi32>], vector<16xf32>,
      %add3A_533 = arith.addi %mul3A_530, %min3A_150 : vector<16xi32>
      %mul3A_534 = arith.mulf %select_n3A_521, %select_n3A_144 : vector<16xf32>
      tpu.vector_store_idx %arg14[%add3A_533], %mul3A_534 {add = true} : memref<65536xf32, #tpu.memory_space<vmem>>[vector<16xi32>], vector<16xf32>,
      %add3A_535 = arith.addi %mul3A_530, %min3A_178 : vector<16xi32>
      %mul3A_536 = arith.mulf %select_n3A_521, %select_n3A_172 : vector<16xf32>
      tpu.vector_store_idx %arg14[%add3A_535], %mul3A_536 {add = true} : memref<65536xf32, #tpu.memory_space<vmem>>[vector<16xi32>], vector<16xf32>,
      %add3A_537 = arith.addi %mul3A_530, %min3A_206 : vector<16xi32>
      %mul3A_538 = arith.mulf %select_n3A_521, %select_n3A_200 : vector<16xf32>
      tpu.vector_store_idx %arg14[%add3A_537], %mul3A_538 {add = true} : memref<65536xf32, #tpu.memory_space<vmem>>[vector<16xi32>], vector<16xf32>,
      %add3A_539 = arith.addi %mul3A_530, %min3A_234 : vector<16xi32>
      %mul3A_540 = arith.mulf %select_n3A_521, %select_n3A_228 : vector<16xf32>
      tpu.vector_store_idx %arg14[%add3A_539], %mul3A_540 {add = true} : memref<65536xf32, #tpu.memory_space<vmem>>[vector<16xi32>], vector<16xf32>,
      %add3A_541 = arith.addi %mul3A_530, %min3A_262 : vector<16xi32>
      %mul3A_542 = arith.mulf %select_n3A_521, %select_n3A_256 : vector<16xf32>
      tpu.vector_store_idx %arg14[%add3A_541], %mul3A_542 {add = true} : memref<65536xf32, #tpu.memory_space<vmem>>[vector<16xi32>], vector<16xf32>,
      %add3A_543 = arith.addi %mul3A_530, %min3A_290 : vector<16xi32>
      %mul3A_544 = arith.mulf %select_n3A_521, %select_n3A_284 : vector<16xf32>
      tpu.vector_store_idx %arg14[%add3A_543], %mul3A_544 {add = true} : memref<65536xf32, #tpu.memory_space<vmem>>[vector<16xi32>], vector<16xf32>,
    }
    %mul3A_48 = arith.constant 65536 : i32
    %mul3A_49 = arith.muli %add3A, %mul3A_48 : i32
    "tpu.region"() ({
      %run_scoped3A = tpu.sem_alloc : memref<!tpu.dma_semaphore, #tpu.memory_space<semaphore_mem>>
      %dma_start3A = tpu.memref_slice %arg7[%mul3A_49] : memref<2097152xf32, #tpu.memory_space<hbm>> -> memref<65536xf32, #tpu.memory_space<hbm>>
      %dma_start3A_50 = tpu.memref_slice %arg7[%mul3A_49] : memref<2097152xf32, #tpu.memory_space<hbm>> -> memref<65536xf32, #tpu.memory_space<hbm>>
      tpu.enqueue_dma source(%arg14 : memref<65536xf32, #tpu.memory_space<vmem>>) target(%dma_start3A_50 : memref<65536xf32, #tpu.memory_space<hbm>>) target_semaphore(%run_scoped3A : memref<!tpu.dma_semaphore, #tpu.memory_space<semaphore_mem>>)
      %dma_wait3A = tpu.memref_slice %arg7[%mul3A_49] : memref<2097152xf32, #tpu.memory_space<hbm>> -> memref<65536xf32, #tpu.memory_space<hbm>>
      %dma_wait3A_51 = tpu.memref_slice %arg7[%mul3A_49] : memref<2097152xf32, #tpu.memory_space<hbm>> -> memref<65536xf32, #tpu.memory_space<hbm>>
      tpu.wait_dma2 semaphore(%run_scoped3A : memref<!tpu.dma_semaphore, #tpu.memory_space<semaphore_mem>>) src(%arg14 : memref<65536xf32, #tpu.memory_space<vmem>>) dst(%dma_wait3A_51 : memref<65536xf32, #tpu.memory_space<hbm>>)
      tpu.yield
    }) : () -> ()
    return
  }
}

</mosaic_0001>

<sc_bundles>
// kernel: _sc_maps.3.cloned.1.call-start
scs
__scs_entry_jumppad:
0x0: {  	(pc) =	sbr.rel $0x88, $3  }
0x1: {  	(tag) =	ssettag $0x0;
	lr =	simm.s32 $0x1  }
0x2: {  	[smem:$0x3F9C] =	sst lr;
	_ =	strace $0xD0000000  }
0x3: {  	_ = 	snop  }
0x4: {  	_ = 	snop  }
0x5: {  	_ = 	snop  }
0x6: {  	_ = 	snop  }
0x7: {  	_ = 	snop  }
__scs_overlays_trampoline_lowered:
0x8: {  	[smem:$0x3FAB] =	sst s0  }
0x9: {  	[smem:$0x3FAC] =	sst s1  }
0xa: {  	[smem:$0x3FAD] =	sst s2  }
0xb: {  	[smem:$0x3FAE] =	sst s3  }
0xc: {  	[smem:$0x3FAF] =	sst s4  }
0xd: {  	[smem:$0x3FB0] =	sst s5  }
0xe: {  	[smem:$0x3FB1] =	sst s6  }
0xf: {  	[smem:$0x3FB2] =	sst s7  }
0x10: {  	[smem:$0x3FB3] =	sst s8  }
0x11: {  	[smem:$0x3FB4] =	sst s9;
	s0 =	simm.s32 @!p0 $0x0  }
0x12: {  	s1 =	sld [smem:$0x3F9A];
	s0 =	simm.s32 @p0 $0x1  }
0x13: {  	[smem:$0x3FB5] =	sst s0;
	s0 =	simm.s32 @!p1 $0x0  }
0x14: {  	s2 =	sld [smem:$0x3F99];
	s0 =	simm.s32 @p1 $0x1  }
0x15: {  	[smem:$0x3FB6] =	sst s0;
	s0 =	simm.s32 @!p2 $0x0  }
0x16: {  	s3 =	sld [smem:$0x3FDB];
	s0 =	simm.s32 @p2 $0x1  }
0x17: {  	s4 =	simm.s32 $0x1BF5;
	[smem:$0x3FB8] =	sst s0  }
0x18: {  	s0 =	sld [smem:$0x3F9B];
	_ =	swait.ge [sflag:s4], $0x0  }
0x19: {  	s7 =	sld [smem:$0x3F9C]  }
0x1a: {  	s8 =	sadd.s32 $0xFFFFE003, lr  }
0x1b: {  	s9 =	sadd.s32 $0xFFFFFEF7, lr;
	s5 =	simm.s32 $0xFFFFFFFF;
	p2 =	slt.u32 s8, $0xFFFFF086  }
0x1c: {  	p1 =	slt.u32 s9, $0xF7A;
	s5 =	simm.s32 @!p2 $0x0  }
0x1d: {  	s5 =	simm.s32 @p1 $0x1;
	p0 =	seq.s32 s7, s2  }
0x1e: {  	s7 =	smul.u32 @!p0 $0xF7A, s2;
	p2 =	seq.s32 @!p0 s5, $0x0  }
0x1f: {  	s9 =	smul.u32 $0xF7A, s1;
	s8 =	simm.s32 @!p0 $0x1BF5;
	p2 =	por !p2, p0  }
0x20: {  	[sflag:s8] =	ssyncset.s32 @!p0 $0xFFFFF086;
	s6 =	sadd.s32 @!p0 s3, s7;
	s7 =	simm.s32 @!p0 $0x108  }
0x21: {  	s3 =	sadd.s32 s3, s9;
	s6 =	sadd.s32 @!p0 $0x88, s6;
	s7 =	simm.s32 @p2 $0x1082  }
0x22: {  	[simem:s7], [sflag:s8] =	dma.local @!p0 [hbm:s6], $0xF7A  }
0x23: {  	s9 =	sor.u32 $0xD0000000, s2;
	s6 =	simm.s32 $0x108;
	_ =	swait.ge @!p0 [sflag:s8], $0x0  }
0x24: {  	s3 =	sadd.s32 $0x88, s3;
	s6 =	simm.s32 @!p1 $0x1082;
	[sflag:s4] =	ssyncset.s32 $0xFFFFF086  }
0x25: {  	[simem:s6], [sflag:s4] =	dma.local [hbm:s3], $0xF7A  }
0x26: {  	[smem:$0x3F9C] =	sst s1;
	(tag) =	ssettag s2;
	_ =	strace s9  }
0x27: {  	s1 =	sld [smem:$0x3FAC]  }
0x28: {  	s2 =	sld [smem:$0x3FAD]  }
0x29: {  	s4 =	sld [smem:$0x3FAF]  }
0x2a: {  	p0 =	seq.s32 s5, $0x0;
	s5 =	sld [smem:$0x3FB0]  }
0x2b: {  	s6 =	sld [smem:$0x3FB1]  }
0x2c: {  	s7 =	sld [smem:$0x3FB2]  }
0x2d: {  	s3 =	simm.s32 $0x108;
	s8 =	sld [smem:$0x3FB3]  }
0x2e: {  	s3 =	simm.s32 @!p0 $0x1082;
	s9 =	sld [smem:$0x3FB4]  }
0x2f: {  	lr =	sadd.s32 s0, s3;
	s0 =	sld [smem:$0x3FAB]  }
0x30: {  	s3 =	sld [smem:$0x3FAE]  }
0x31: {  	[smem:$0x3FB7] =	sst s10  }
0x32: {  	s10 =	sld [smem:$0x3FB5];
	_ =	sdelay $0x3  }
0x33: {  	p0 =	seq.s32 s10, $0x1;
	s10 =	sld [smem:$0x3FB7];
	_ =	sdelay $0x3  }
0x34: {  	[smem:$0x3FB7] =	sst s10  }
0x35: {  	s10 =	sld [smem:$0x3FB6];
	_ =	sdelay $0x3  }
0x36: {  	p1 =	seq.s32 s10, $0x1;
	s10 =	sld [smem:$0x3FB7];
	_ =	sdelay $0x3  }
0x37: {  	[smem:$0x3FB7] =	sst s10  }
0x38: {  	s10 =	sld [smem:$0x3FB8]  }
0x39: {  	_ = 	snop;
	(pc) =	sbr.ind lr, $3  }
0x3a: {  	_ = 	snop  }
0x3b: {  	_ = 	snop  }
0x3c: {  	p2 =	seq.s32 s10, $0x1;
	s10 =	sld [smem:$0x3FB7]  }
0x3d: {  	_ =	shalt  }
0x3e: {  	_ =	shalt  }
0x3f: {  	_ =	shalt  }
0x40: {  	_ =	shalt  }
0x41: {  	_ =	shalt  }
0x42: {  	_ =	shalt  }
0x43: {  	_ =	shalt  }
0x44: {  	_ =	shalt  }
0x45: {  	_ =	shalt  }
0x46: {  	_ =	shalt  }
0x47: {  	_ =	shalt  }
0x48: {  	_ =	shalt  }
0x49: {  	_ =	shalt  }
0x4a: {  	_ =	shalt  }
0x4b: {  	_ =	shalt  }
0x4c: {  	_ =	shalt  }
0x4d: {  	_ =	shalt  }
0x4e: {  	_ =	shalt  }
0x4f: {  	_ =	shalt  }
0x50: {  	_ =	shalt  }
0x51: {  	_ =	shalt  }
0x52: {  	_ =	shalt  }
0x53: {  	_ =	shalt  }
0x54: {  	_ =	shalt  }
0x55: {  	_ =	shalt  }
0x56: {  	_ =	shalt  }
0x57: {  	_ =	shalt  }
0x58: {  	_ =	shalt  }
0x59: {  	_ =	shalt  }
0x5a: {  	_ =	shalt  }
0x5b: {  	_ =	shalt  }
0x5c: {  	_ =	shalt  }
0x5d: {  	_ =	shalt  }
0x5e: {  	_ =	shalt  }
0x5f: {  	_ =	shalt  }
0x60: {  	_ =	shalt  }
0x61: {  	_ =	shalt  }
0x62: {  	_ =	shalt  }
0x63: {  	_ =	shalt  }
0x64: {  	_ =	shalt  }
0x65: {  	_ =	shalt  }
0x66: {  	_ =	shalt  }
0x67: {  	_ =	shalt  }
0x68: {  	_ =	shalt  }
0x69: {  	_ =	shalt  }
0x6a: {  	_ =	shalt  }
0x6b: {  	_ =	shalt  }
0x6c: {  	_ =	shalt  }
0x6d: {  	_ =	shalt  }
0x6e: {  	_ =	shalt  }
0x6f: {  	_ =	shalt  }
0x70: {  	_ =	shalt  }
0x71: {  	_ =	shalt  }
0x72: {  	_ =	shalt  }
0x73: {  	_ =	shalt  }
0x74: {  	_ =	shalt  }
0x75: {  	_ =	shalt  }
0x76: {  	_ =	shalt  }
0x77: {  	_ =	shalt  }
0x78: {  	_ =	shalt  }
0x79: {  	_ =	shalt  }
0x7a: {  	_ =	shalt  }
0x7b: {  	_ =	shalt  }
0x7c: {  	_ =	shalt  }
0x7d: {  	_ =	shalt  }
0x7e: {  	_ =	shalt  }
0x7f: {  	_ =	shalt  }
0x80: {  	_ =	shalt  }
0x81: {  	_ =	shalt  }
0x82: {  	_ =	shalt  }
0x83: {  	_ =	shalt  }
0x84: {  	_ =	shalt  }
0x85: {  	_ =	shalt  }
0x86: {  	_ =	shalt  }
0x87: {  	_ =	shalt  }
.Lfunc_end0:
.L_simem_size_0:
called_computation_lowered:
.L_overlay_start_0:
0x88: {  	s2 =	sld [smem:$0x3FD9]  }
0x89: {  	s3 =	sld [smem:$0x3FFE];
	_ =	sdelay $0x1  }
0x8a: {  	s1 =	srdreg.scid  }
0x8b: {  	s0 =	sand.u32 $0x1, s1  }
0x8c: {  	s18 =	sshll.u32 s0, $0xA;
	s2 =	sadd.s32 s3, s2  }
0x8d: {  	s2 =	sadd.s32 s2, s18  }
0x8e: {  	[smem:$0x3FC3] =	sst s2  }
0x8f: {  	_ = 	snop  }
0x90: {  	s2 =	sld [smem:$0x3FC9]  }
0x91: {  	s19 =	sld [smem:$0x3FC8]  }
0x92: {  	s4 =	sld [smem:$0x3FC7]  }
0x93: {  	s5 =	sld [smem:$0x3FC6]  }
0x94: {  	s6 =	sld [smem:$0x3FC5]  }
0x95: {  	s7 =	sld [smem:$0x3FD0];
	(tm) =	ssettm $0x1  }
0x96: {  	s8 =	sld [smem:$0x3FFB];
	_ =	sdelay $0x3  }
0x97: {  	_ =	strace s8  }
0x98: {  	s8 =	sld [smem:$0x3FFC];
	_ =	sdelay $0x3  }
0x99: {  	_ =	strace s8  }
0x9a: {  	s8 =	sld [smem:$0x3FFD];
	_ =	sdelay $0x3  }
0x9b: {  	_ =	strace s8  }
0x9c: {  	_ =	strace $0x8FFFFFFF  }
0x9d: {  	s20 =	sld [smem:$0x3FDB];
	_ =	sdelay $0x1  }
0x9e: {  	s9 =	simm.s32 $_scs_section_size  }
0x9f: {  	s10 =	simm.s32 $_size__tile_overlayer_lowered;
	s11 =	simm.s32 $_tile_overlayer_lowered  }
0xa0: {  	s23 =	simm.s32 $0x1BFF;
	s22 =	sshll.u32 s11, $0x1;
	s8 =	sadd.s32 s9, s20  }
0xa1: {  	s12 =	simm.s32 $0x0;
	s21 =	sshll.u32 s10, $0x1;
	s10 =	sadd.s32 s22, s8  }
0xa2: {  	[timem:s12], [sflag:s23] =	dma.local [hbm:s10], s21  }
0xa3: {  	_ =	swait.ge [sflag:s23], s21  }
0xa4: {  	s9 =	ssub.s32 $0x0, s21;
	[sflag:s23] =	ssyncset.done $0x0  }
0xa5: {  	[sflag:s23] =	ssyncadd.s32 s9;
	_ =	sdelay $0x1  }
0xa6: {  	s24 =	simm.s32 $0x1B8B  }
0xa7: {  	_ =	swait.ge [sflag:s24], $0x1  }
0xa8: {  	[sflag:s24] =	ssyncset.done $0x0  }
0xa9: {  	s25 =	simm.s32 $0x1B8E;
	[sflag:s24] =	ssyncadd.s32 $0xFFFFFFFF  }
0xaa: {  	s26 =	simm.s32 $execute0_lowered;
	[smem:$0x3FD2] =	sst s25  }
0xab: {  	s9 =	sshll.u32 s26, $0x1;
	_ =	strace $0x80000046;
	[dreg:$0x1] =	wrdreg $0xFFFFFFFF  }
0xac: {  	s28 =	simm.s32 $_size_execute0_lowered;
	s8 =	sadd.s32 s8, s9;
	[dreg:$0x0] =	wrdreg $0x0  }
0xad: {  	s9 =	sshll.u32 s28, $0x1;
	[dreg:$0x2] =	wrdreg s8  }
0xae: {  	[dreg:$0x3] =	wrdreg s9  }
0xaf: {  	[dreg:$0x4] =	wrdreg $0xC0  }
0xb0: {  	_ =	task [dreg:s12], $0x5FFFF  }
0xb1: {  	[dreg:$0x1] =	wrdreg $0xFFFFFFFF  }
0xb2: {  	[dreg:$0x0] =	wrdreg $0x60  }
0xb3: {  	[dreg:$0x2] =	wrdreg s2  }
0xb4: {  	[dreg:$0x3] =	wrdreg s19  }
0xb5: {  	[dreg:$0x4] =	wrdreg s4  }
0xb6: {  	[dreg:$0x5] =	wrdreg s5  }
0xb7: {  	[dreg:$0x6] =	wrdreg s6  }
0xb8: {  	[dreg:$0x7] =	wrdreg s7  }
0xb9: {  	[dreg:$0x8] =	wrdreg $0x9  }
0xba: {  	_ =	task.clear_ibuf [dreg:s12], $0x9FFFF;
	_ =	strace $0x90000046  }
0xbb: {  	s29 =	simm.s32 $0x9;
	_ =	strace $0x80000048  }
0xbc: {  	_ =	swait.ge [sflag:s29], $0x1  }
0xbd: {  	[sflag:s29] =	ssyncadd.s32 $0xFFFFFFFF  }
0xbe: {  	_ =	strace $0x90000048  }
0xbf: {  	_ =	sfence  }
0xc0: {  	s30 =	sld [smem:$0x0];
	_ =	sdelay $0x2  }
0xc1: {  	s31 =	sshll.u32 s1, $0xD;
	s1 =	sshrl.u32 s1, $0x2  }
0xc2: {  	s3 =	sand.u32 $0x4000, s31;
	s1 =	sadd.s32 s1, s30  }
0xc3: {  	s0 =	sor.u32 s3, s0;
	s1 =	sshll.u32 s1, $0x11  }
0xc4: {  	s0 =	sor.u32 s1, s0  }
0xc5: {  	s0 =	sadd.s32 $0x8F2B, s0  }
0xc6: {  	[sflag:s0] =	ssyncadd.remote.s32 $0x1  }
0xc7: {  	_ =	sfence.sel $0xFFFF  }
0xc8: {  	[dreg:$0x0] =	wrdreg $0xFFFFFFFF;
	(pc) =	sbr.abs _section_cstart, $3  }
0xc9: {  	[dreg:$0x1] =	wrdreg $0xFFFFFFFF  }
0xca: {  	_ =	task.clear_ibuf [dreg:s12], $0x2FFFF;
	_ =	strace $0x9FFFFFFF  }
0xcb: {  	(tm) =	ssettm $0x7FFFFFFF  }
tec
execute0_lowered:
.L_overlay_start_1:
0x0: {  	(tag) =	ssettag $0x1  }
0x1: {  	s8 =	rddreg [dreg:$0x0]  }
0x2: {  	s9 =	rddreg [dreg:$0x1]  }
0x3: {  	s10 =	rddreg [dreg:$0x2]  }
0x4: {  	s11 =	rddreg [dreg:$0x3]  }
0x5: {  	s12 =	rddreg [dreg:$0x4]  }
0x6: {  	s13 =	rddreg [dreg:$0x5]  }
0x7: {  	s2 =	srdreg.scid;
	s1 =	stileid.u32  }
0x8: {  	s0 =	rddreg [dreg:$0x6];
	s17 =	simm.s32 $0x1900;
	s18 =	simm.s32 $0x2580  }
0x9: {  	s19 =	simm.s32 $0x3200;
	s20 =	simm.s32 $0x1;
	s21 =	simm.s32 $0x0  }
0xa: {  	s3 =	sand.u32 $0x1, s2;
	s4 =	sshll.u32 s1, $0x1;
	s2 =	simm.s32 $0x0  }
0xb: {  	s5 =	ssub.s32 $0x2, s3;
	s15 =	sor.u32 s3, s4;
	[smem:$0x7FF] =	sst s2  }
0xc: {  	s31 =	sshrl.u32 s5, $0x1;
	s7 =	smul.u32 $0x187, s15;
	_ =	strace $0x80000047  }
0xd: {  	s16 =	sshll.u32 s15, $0xD;
	p0 =	seq.s32 s15, $0x1F;
	s15 =	simm.s32 $0x4B00  }
.Ltmp0:
0xe: {  	s14 =	ssub.s32 s5, s31;
	s13 =	sadd.s32 s13, s16;
	(pc) =	sbr.rel .LBB2_1-.Ltmp0, $4  }
0xf: {  	s16 =	simm.s32 $0xC80;
	s3 =	sadd.s32 s8, s7;
	s4 =	sadd.s32 s9, s7  }
0x10: {  	s5 =	sadd.s32 s10, s7;
	s6 =	sadd.s32 s11, s7;
	s7 =	sadd.s32 s12, s7  }
0x11: {  	s8 =	sadd.s32 $0x2F59, s8;
	s9 =	sadd.s32 $0x2F59, s9;
	s10 =	sadd.s32 $0x2F59, s10  }
0x12: {  	v1 =	vimm.f32 $0.0e+00;
	v2 =	vimm.s32 $0xC30;
	s11 =	sadd.s32 $0x2F59, s11;
	s12 =	sadd.s32 $0x2F59, s12;
	s14 =	smax.u32 s14, $0x1  }
.LBB2_9:
0x13: {  	s21 =	sadd.s32 $0x1, s21  }
0x14: {  	p1 =	sne.s32 s21, s14  }
.Ltmp1:
0x15: {  	_ = 	snop;
	(pc) =	sbr.rel @!p1 .LBB2_10-.Ltmp1, $4  }
0x16: {  	[hbm4b:s13+s2] =	stream.linear.scatter [tilespmem:s15], [sflag:$0x1], $0x10000, $0x38;
	[tilespmem:$0x14B00] =	vst v63  }
0x17: {  	_ =	swait.ge [sflag:s20], $0x10000  }
0x18: {  	[sflag:s20] =	ssyncset.done $0x0  }
0x19: {  	v1 =	vimm.f32 $0.0e+00;
	v2 =	vimm.s32 $0xC30;
	[sflag:s20] =	ssyncadd.s32 $0xFFFF0000  }
.LBB2_1:
0x1a: {  	[tilespmem:$0xC30] =	vst v1  }
0x1b: {  	[tilespmem:$0x18B0] =	vst v1  }
0x1c: {  	[tilespmem:$0x2530] =	vst v1  }
0x1d: {  	[tilespmem:$0x31B0] =	vst v1  }
0x1e: {  	[tilespmem:$0x3E30] =	vst v1;
	v0 =	vimm.f32 @p0 $0.0e+00  }
0x1f: {  	[tilespmem:$0xBD0] =	vst @p0 v0  }
0x20: {  	[tilespmem:$0xBE0] =	vst @p0 v0  }
0x21: {  	[tilespmem:$0xBF0] =	vst @p0 v0  }
0x22: {  	[tilespmem:$0xC00] =	vst @p0 v0  }
0x23: {  	[tilespmem:$0xC10] =	vst @p0 v0  }
0x24: {  	[tilespmem:$0xC20] =	vst @p0 v0  }
0x25: {  	[tilespmem:$0xC30] =	vst @p0 v0  }
0x26: {  	[tilespmem:$0x1850] =	vst @p0 v0  }
0x27: {  	[tilespmem:$0x1860] =	vst @p0 v0  }
0x28: {  	[tilespmem:$0x1870] =	vst @p0 v0  }
0x29: {  	[tilespmem:$0x1880] =	vst @p0 v0  }
0x2a: {  	[tilespmem:$0x1890] =	vst @p0 v0  }
0x2b: {  	[tilespmem:$0x18A0] =	vst @p0 v0  }
0x2c: {  	[tilespmem:$0x18B0] =	vst @p0 v0  }
0x2d: {  	[tilespmem:$0x24D0] =	vst @p0 v0  }
0x2e: {  	[tilespmem:$0x24E0] =	vst @p0 v0  }
0x2f: {  	[tilespmem:$0x24F0] =	vst @p0 v0  }
0x30: {  	[tilespmem:$0x2500] =	vst @p0 v0  }
0x31: {  	[tilespmem:$0x2510] =	vst @p0 v0  }
0x32: {  	[tilespmem:$0x2520] =	vst @p0 v0  }
0x33: {  	[tilespmem:$0x2530] =	vst @p0 v0  }
0x34: {  	[tilespmem:$0x3150] =	vst @p0 v0  }
0x35: {  	[tilespmem:$0x3160] =	vst @p0 v0  }
0x36: {  	[tilespmem:$0x3170] =	vst @p0 v0  }
0x37: {  	[tilespmem:$0x3180] =	vst @p0 v0  }
0x38: {  	[tilespmem:$0x3190] =	vst @p0 v0  }
0x39: {  	[tilespmem:$0x31A0] =	vst @p0 v0  }
0x3a: {  	[tilespmem:$0x31B0] =	vst @p0 v0  }
0x3b: {  	[tilespmem:$0x3DD0] =	vst @p0 v0  }
0x3c: {  	[tilespmem:$0x3DE0] =	vst @p0 v0  }
0x3d: {  	[tilespmem:$0x3DF0] =	vst @p0 v0  }
0x3e: {  	[tilespmem:$0x3E00] =	vst @p0 v0  }
0x3f: {  	[tilespmem:$0x3E10] =	vst @p0 v0  }
0x40: {  	[tilespmem:$0x3E20] =	vst @p0 v0  }
0x41: {  	s22 =	simm.s32 @p0 $0x0;
	s23 =	simm.s32 @p0 $0x1;
	[tilespmem:$0x3E30] =	vst @p0 v0  }
0x42: {  	[tilespmem:s22], [sflag:$0x1] =	stream.linear.gather @p0 [hbm4b:s8+s22], $0xBD8, $0x38;
	[tilespmem:$0x14B00] =	vst v63  }
0x43: {  	_ =	swait.ge @p0 [sflag:s23], $0xBD8  }
0x44: {  	[sflag:s23] =	ssyncset.done @p0 $0x0  }
0x45: {  	s24 =	simm.s32 @p0 $0xC80;
	[sflag:s23] =	ssyncadd.s32 @p0 $0xFFFFF428  }
0x46: {  	[tilespmem:s24], [sflag:$0x1] =	stream.linear.gather @p0 [hbm4b:s9+s22], $0xBD8, $0x38;
	[tilespmem:$0x14B00] =	vst v63  }
0x47: {  	_ =	swait.ge @p0 [sflag:s23], $0xBD8  }
0x48: {  	[sflag:s23] =	ssyncset.done @p0 $0x0  }
0x49: {  	s24 =	simm.s32 @p0 $0x1900;
	[sflag:s23] =	ssyncadd.s32 @p0 $0xFFFFF428  }
0x4a: {  	[tilespmem:s24], [sflag:$0x1] =	stream.linear.gather @p0 [hbm4b:s10+s22], $0xBD8, $0x38;
	[tilespmem:$0x14B00] =	vst v63  }
0x4b: {  	_ =	swait.ge @p0 [sflag:s23], $0xBD8  }
0x4c: {  	[sflag:s23] =	ssyncset.done @p0 $0x0  }
0x4d: {  	s24 =	simm.s32 @p0 $0x2580;
	[sflag:s23] =	ssyncadd.s32 @p0 $0xFFFFF428  }
0x4e: {  	[tilespmem:s24], [sflag:$0x1] =	stream.linear.gather @p0 [hbm4b:s11+s22], $0xBD8, $0x38;
	[tilespmem:$0x14B00] =	vst v63  }
0x4f: {  	_ =	swait.ge @p0 [sflag:s23], $0xBD8  }
0x50: {  	[sflag:s23] =	ssyncset.done @p0 $0x0  }
0x51: {  	s24 =	simm.s32 @p0 $0x3200;
	[sflag:s23] =	ssyncadd.s32 @p0 $0xFFFFF428  }
0x52: {  	[tilespmem:s24], [sflag:$0x1] =	stream.linear.gather @p0 [hbm4b:s12+s22], $0xBD8, $0x38;
	[tilespmem:$0x14B00] =	vst v63  }
0x53: {  	_ =	swait.ge @p0 [sflag:s23], $0xBD8  }
0x54: {  	[sflag:s23] =	ssyncset.done @p0 $0x0  }
0x55: {  	s22 =	simm.s32 @!p0 $0x0;
	[sflag:s23] =	ssyncadd.s32 @p0 $0xFFFFF428;
	s23 =	simm.s32 @!p0 $0x1  }
0x56: {  	[tilespmem:s22], [sflag:$0x1] =	stream.linear.gather @!p0 [hbm4b:s3+s22], $0xC38, $0x38;
	[tilespmem:$0x14B00] =	vst v63  }
0x57: {  	_ =	swait.ge @!p0 [sflag:s23], $0xC38  }
0x58: {  	[sflag:s23] =	ssyncset.done @!p0 $0x0  }
0x59: {  	s24 =	simm.s32 @!p0 $0xC80;
	[sflag:s23] =	ssyncadd.s32 @!p0 $0xFFFFF3C8  }
0x5a: {  	[tilespmem:s24], [sflag:$0x1] =	stream.linear.gather @!p0 [hbm4b:s4+s22], $0xC38, $0x38;
	[tilespmem:$0x14B00] =	vst v63  }
0x5b: {  	_ =	swait.ge @!p0 [sflag:s23], $0xC38  }
0x5c: {  	[sflag:s23] =	ssyncset.done @!p0 $0x0  }
0x5d: {  	s24 =	simm.s32 @!p0 $0x1900;
	[sflag:s23] =	ssyncadd.s32 @!p0 $0xFFFFF3C8  }
0x5e: {  	[tilespmem:s24], [sflag:$0x1] =	stream.linear.gather @!p0 [hbm4b:s5+s22], $0xC38, $0x38;
	[tilespmem:$0x14B00] =	vst v63  }
0x5f: {  	_ =	swait.ge @!p0 [sflag:s23], $0xC38  }
0x60: {  	[sflag:s23] =	ssyncset.done @!p0 $0x0  }
0x61: {  	s24 =	simm.s32 @!p0 $0x2580;
	[sflag:s23] =	ssyncadd.s32 @!p0 $0xFFFFF3C8  }
0x62: {  	[tilespmem:s24], [sflag:$0x1] =	stream.linear.gather @!p0 [hbm4b:s6+s22], $0xC38, $0x38;
	[tilespmem:$0x14B00] =	vst v63  }
0x63: {  	_ =	swait.ge @!p0 [sflag:s23], $0xC38  }
0x64: {  	[sflag:s23] =	ssyncset.done @!p0 $0x0  }
0x65: {  	s24 =	simm.s32 @!p0 $0x3200;
	[sflag:s23] =	ssyncadd.s32 @!p0 $0xFFFFF3C8  }
0x66: {  	[tilespmem:s24], [sflag:$0x1] =	stream.linear.gather @!p0 [hbm4b:s7+s22], $0xC38, $0x38;
	[tilespmem:$0x14B00] =	vst v63  }
0x67: {  	_ =	swait.ge @!p0 [sflag:s23], $0xC38  }
0x68: {  	[sflag:s23] =	ssyncset.done @!p0 $0x0  }
0x69: {  	s22 =	simm.s32 $0x4B20;
	[sflag:s23] =	ssyncadd.s32 @!p0 $0xFFFFF3C8  }
0x6a: {  	[tilespmem:s22+$0xFFFFFFE0] =	vst v1  }
0x6b: {  	[tilespmem:s22+$0x10] =	vst v1  }
0x6c: {  	s23 =	simm.s32 $0x0;
	[tilespmem:s22+$0x0] =	vst v1  }
.LBB2_2:
0x6d: {  	s23 =	sadd.s32 $0x4, s23  }
0x6e: {  	[tilespmem:s22+$0xFFFFFFF0] =	vst v1;
	s22 =	sadd.s32 $0x40, s22;
	p1 =	slt.u32 s23, $0xFFC  }
.Ltmp2:
0x6f: {  	[tilespmem:s22+$0xFFFFFFE0] =	vst v1;
	(pc) =	sbr.rel @p1 .LBB2_2-.Ltmp2, $3  }
0x70: {  	_ =	sdelay $0x1  }
0x71: {  	[tilespmem:s22+$0x10] =	vst v1  }
0x72: {  	[tilespmem:s22+$0x0] =	vst v1  }
0x73: {  	[tilespmem:s22+$0xFFFFFFF0] =	vst v1;
	s28 =	simm.s32 $0x0;
	s22 =	simm.s32 $0x0  }
.LBB2_4:
0x74: {  	p1 =	sne.s32 s22, $0x3100  }
.Ltmp3:
0x75: {  	_ = 	snop;
	(pc) =	sbr.rel @p1 .LBB2_4-.Ltmp3, $3  }
0x76: {  	_ =	sdelay $0x1  }
0x77: {  	s23 =	sshra.s32 s22, $0x2  }
0x78: {  	s22 =	sadd.s32 $0x40, s22;
	[tilespmem:s23+$0x3E80] =	vst v2  }
0x79: {  	s22 =	simm.s32 $0x1900  }
0x7a: {  	s23 =	simm.s32 $0x2580;
	v0 =	vld [tilespmem:s22+$0x0]  }
0x7b: {  	v1 =	vld [tilespmem:s23+$0x0];
	_ =	sdelay $0x1  }
0x7c: {  	s26 =	simm.s32 $0xC80;
	v2 =	vld [tilespmem:s28+$0x0]  }
0x7d: {  	v3 =	vld [tilespmem:s26+$0x0];
	_ =	sdelay $0x1  }
0x7e: {  	v0 =	vmax.f32 v0, $5.524271630e-03;
	v1 =	vmax.f32 v1, $5.524271630e-03  }
0x7f: {  	v4 =	vmul.f32 $5.000000000e-01, v0;
	v5 =	vmul.f32 $5.000000000e-01, v1;
	_ =	sdelay $0x1  }
0x80: {  	v6 =	vsub.f32 v2, v4;
	v7 =	vsub.f32 v3, v5  }
0x81: {  	v0 =	vmul.f32 v1, v0;
	v1 =	vadd.f32 v4, v2;
	v2 =	vadd.f32 v5, v3  }
0x82: {  	v3 =	vmul.f32 $2.560000000e+02, v6;
	v4 =	vmul.f32 $2.560000000e+02, v7  }
0x83: {  	v5 =	vmul.f32 $2.560000000e+02, v1;
	v8 =	vmul.f32 $2.560000000e+02, v2  }
0x84: {  	s23 =	simm.s32 $0x3200;
	(erf) = vrcp.f32 v0;
	v0 =	vadd.f32 $1.024000000e+03, v3;
	v3 =	vadd.f32 $1.024000000e+03, v4  }
0x85: {  	v4 =	vld [tilespmem:s23+$0x0];
	v5 =	vadd.f32 $1.024000000e+03, v5;
	v8 =	vadd.f32 $1.024000000e+03, v8  }
0x86: {  	v0 =	vtrunc.f32 v0;
	v3 =	vtrunc.f32 v3  }
0x87: {  	v5 =	vtrunc.f32 v5;
	v8 =	vtrunc.f32 v8  }
0x88: {  	v0 =	vcvt.f32.s32 v0;
	v5 =	vcvt.f32.s32 v5  }
0x89: {  	v3 =	vcvt.f32.s32 v3;
	v8 =	vcvt.f32.s32 v8  }
0x8a: {  	v4 =	vmul.f32 $6.553599850e+02, v4;
	v9 =	vadd.s32 $0xFFFFFC00, v0;
	v5 =	vsub.s32 v5, v0  }
0x8b: {  	v8 =	vsub.s32 v8, v3;
	v11 =	vadd.s32 $0xFFFFFC00, v3;
	v12 =	vadd.s32 $0xFFFFFC01, v0  }
0x8c: {  	v13 =	vadd.s32 $0xFFFFFC02, v0;
	v16 =	vadd.s32 $0xFFFFFC03, v0;
	v18 =	vadd.s32 $0xFFFFFC04, v0  }
0x8d: {  	v0 =	vadd.s32 $0xFFFFFC05, v0;
	v10 =	vcvt.s32.f32 v9;
	vm0 =	vgt.s32 v5, $0x5  }
0x8e: {  	vm1 =	vgt.s32 v8, $0x5;
	v8 =	vcvt.s32.f32 v11;
	vm15 =	vgt.s32 v9, $0x0  }
0x8f: {  	vm2 =	vgt.s32 v12, $0x0;
	vm3 =	vgt.s32 v13, $0x0;
	vm6 =	vgt.s32 v16, $0x0  }
0x90: {  	vm7 =	vgt.s32 v18, $0x0;
	vm8 =	vgt.s32 v0, $0x0;
	v10 =	vmul.f32 $3.906250000e-03, v10  }
0x91: {  	vm9 =	vlt.u32 v9, $0x100;
	vm10 =	vlt.u32 v12, $0x100;
	vm11 =	vlt.u32 v13, $0x100  }
0x92: {  	vm12 =	vlt.u32 v11, $0x100;
	vm13 =	vlt.u32 v16, $0x100;
	v14 =	vadd.f32 $3.906250000e-03, v10  }
0x93: {  	vm0 =	vmor vm0, vm1;
	v15 =	vadd.f32 $0.0e+00, v10;
	v17 =	vadd.f32 $7.812500000e-03, v10  }
0x94: {  	v5 =	vpop (erf);
	v8 =	vmul.f32 $3.906250000e-03, v8;
	v20 =	vadd.f32 $1.171875000e-02, v10;
	v21 =	vadd.f32 $1.562500000e-02, v10  }
0x95: {  	v4 =	vmul.f32 v5, v4;
	v22 =	vadd.f32 $1.953125000e-02, v10;
	v10 =	vadd.f32 $2.343750000e-02, v10  }
0x96: {  	v5 =	vmpcnt.ones.xlane vm0;
	v27 =	vadd.f32 $0.0e+00, v8;
	v28 =	vadd.f32 $1.171875000e-02, v8  }
0x97: {  	vm14 =	vlt.u32 v18, $0x100;
	v30 =	vadd.f32 $1.562500000e-02, v8;
	v31 =	vadd.f32 $1.953125000e-02, v8  }
0x98: {  	(v2sf) =	vpush v5, $0x0;
	v19 =	vmin.f32 v1, v14;
	v15 =	vmax.f32 v6, v15  }
0x99: {  	v23 =	vmin.f32 v1, v17;
	v14 =	vmax.f32 v6, v14;
	v24 =	vmin.f32 v1, v20  }
0x9a: {  	v17 =	vmax.f32 v6, v17;
	v25 =	vmin.f32 v1, v21;
	v20 =	vmax.f32 v6, v20  }
0x9b: {  	v26 =	vmin.f32 v1, v22;
	v21 =	vmax.f32 v6, v21;
	v1 =	vmin.f32 v1, v10  }
0x9c: {  	v10 =	vadd.f32 $3.906250000e-03, v8;
	v6 =	vmax.f32 v6, v22;
	v22 =	vadd.f32 $7.812500000e-03, v8  }
0x9d: {  	vm1 =	vgt.s32 v11, $0x0;
	v8 =	vadd.f32 $2.343750000e-02, v8;
	v15 =	vsub.f32 v19, v15  }
0x9e: {  	v27 =	vmax.f32 v7, v27;
	v14 =	vsub.f32 v23, v14;
	v17 =	vsub.f32 v24, v17  }
0x9f: {  	v20 =	vsub.f32 v25, v20;
	v21 =	vsub.f32 v26, v21;
	v23 =	vmin.f32 v2, v28  }
0xa0: {  	v1 =	vsub.f32 v1, v6;
	v6 =	vmin.f32 v2, v30;
	v24 =	vmax.f32 v7, v28  }
0xa1: {  	v25 =	vmin.f32 v2, v31;
	v26 =	vmax.f32 v7, v30;
	v28 =	vnsel vm6, $0x0, v16  }
0xa2: {  	v30 =	vnsel vm8, $0x0, v0;
	vm6 =	vlt.u32 v0, $0x100;
	v29 =	vmin.f32 v2, v10  }
0xa3: {  	v19 =	vmin.f32 v2, v22;
	v10 =	vmax.f32 v7, v10;
	v22 =	vmax.f32 v7, v22  }
0xa4: {  	v2 =	vmin.f32 v2, v8;
	v7 =	vmax.f32 v7, v31;
	v6 =	vsub.f32 v6, v24  }
0xa5: {  	v24 =	vadd.s32 $0xFFFFFC01, v3;
	v8 =	vmax.f32 v15, $0.0e+00;
	v15 =	vmax.f32 v17, $0.0e+00  }
0xa6: {  	v17 =	vmax.f32 v20, $0.0e+00;
	v20 =	vmax.f32 v21, $0.0e+00;
	v21 =	vsub.f32 v29, v27  }
0xa7: {  	v14 =	vmax.f32 v14, $0.0e+00;
	v10 =	vsub.f32 v19, v10;
	v19 =	vsub.f32 v23, v22  }
0xa8: {  	v1 =	vmax.f32 v1, $0.0e+00;
	v22 =	vsub.f32 v25, v26;
	v2 =	vsub.f32 v2, v7  }
0xa9: {  	v23 =	vnsel vm3, $0x0, v13;
	v25 =	vadd.s32 $0xFFFFFC02, v3;
	v26 =	vadd.s32 $0xFFFFFC03, v3  }
0xaa: {  	v27 =	vadd.s32 $0xFFFFFC04, v3;
	v8 =	vmul.f32 v8, v4;
	v14 =	vmul.f32 v14, v4  }
0xab: {  	v3 =	vadd.s32 $0xFFFFFC05, v3;
	v7 =	vmul.f32 v15, v4;
	v15 =	vmul.f32 v17, v4  }
0xac: {  	v29 =	vnsel vm7, $0x0, v18;
	v17 =	vmul.f32 v20, v4;
	v1 =	vmul.f32 v1, v4  }
0xad: {  	v4 =	vnsel vm15, $0x0, v9;
	v20 =	vnsel vm2, $0x0, v12;
	v6 =	vmax.f32 v6, $0.0e+00  }
0xae: {  	vm15 =	vlt.u32 v24, $0x100;
	vm7 =	vlt.u32 v25, $0x100;
	vm8 =	vlt.u32 v26, $0x100  }
0xaf: {  	v16 =	vmin.u32 v23, $0xFF;
	v18 =	vmin.u32 v29, $0xFF;
	v21 =	vmax.f32 v21, $0.0e+00  }
0xb0: {  	v10 =	vmax.f32 v10, $0.0e+00;
	v19 =	vmax.f32 v19, $0.0e+00;
	v22 =	vmax.f32 v22, $0.0e+00  }
0xb1: {  	v2 =	vmax.f32 v2, $0.0e+00;
	v6 =	vnsel vm8, $0x0, v6;
	v4 =	vmin.u32 v4, $0xFF  }
0xb2: {  	v5 =	vmin.u32 v20, $0xFF;
	v0 =	vshll.u32 v16, $0x8;
	v29 =	vshll.u32 v18, $0x8  }
0xb3: {  	v8 =	vnsel vm9, $0x0, v8;
	v9 =	vnsel vm10, $0x0, v14;
	v7 =	vnsel vm11, $0x0, v7  }
0xb4: {  	v12 =	vnsel vm13, $0x0, v15;
	v13 =	vnsel vm12, $0x0, v21;
	v41 =	vnsel vm14, $0x0, v17  }
0xb5: {  	v51 =	vnsel vm6, $0x0, v1;
	v1 =	vnsel vm15, $0x0, v10;
	v45 =	vnsel vm7, $0x0, v19  }
0xb6: {  	vm9 =	vlt.u32 v27, $0x100;
	vm10 =	vlt.u32 v3, $0x100;
	vm11 =	vgt.s32 v24, $0x0  }
0xb7: {  	vm12 =	vgt.s32 v25, $0x0;
	vm13 =	vgt.s32 v26, $0x0;
	vm14 =	vgt.s32 v27, $0x0  }
0xb8: {  	vm15 =	vgt.s32 v3, $0x0;
	v17 =	vmin.u32 v28, $0xFF;
	v19 =	vmin.u32 v30, $0xFF  }
0xb9: {  	v49 =	vshll.u32 v4, $0x8;
	v47 =	vnsel vm10, $0x0, v2;
	v57 =	vmul.f32 v13, v8  }
0xba: {  	v2 =	vnsel vm1, $0x0, v11;
	v54 =	vmul.f32 v1, v8;
	v50 =	vmul.f32 v45, v8  }
0xbb: {  	v10 =	vnsel vm11, $0x0, v24;
	v48 =	vmul.f32 v6, v8;
	v40 =	vmul.f32 v13, v9  }
0xbc: {  	v11 =	vnsel vm12, $0x0, v25;
	v39 =	vmul.f32 v1, v9;
	v38 =	vmul.f32 v45, v9  }
0xbd: {  	v15 =	vnsel vm14, $0x0, v27;
	v35 =	vmul.f32 v6, v9;
	v27 =	vmul.f32 v13, v7  }
0xbe: {  	v14 =	vnsel vm13, $0x0, v26;
	v26 =	vmul.f32 v1, v7;
	v25 =	vmul.f32 v45, v7  }
0xbf: {  	v24 =	vmul.f32 v6, v7;
	v34 =	vmin.u32 v2, $0xFF;
	v2 =	vmul.f32 v47, v12  }
0xc0: {  	v23 =	vshll.u32 v19, $0x8;
	v20 =	vmul.f32 v13, v12;
	v19 =	vmul.f32 v1, v12  }
0xc1: {  	v46 =	vnsel vm9, $0x0, v22;
	v18 =	vmul.f32 v45, v12;
	[tilespmem:$0x1FF30] =	vst v2;
	v2 =	vmul.f32 v13, v41  }
0xc2: {  	v53 =	vshll.u32 v17, $0x8;
	v17 =	vmul.f32 v6, v12;
	v43 =	vmul.f32 v46, v8  }
0xc3: {  	v5 =	vshll.u32 v5, $0x8;
	v42 =	vmul.f32 v47, v8;
	[tilespmem:$0x1FF40] =	vst v2;
	v2 =	vmul.f32 v1, v41  }
0xc4: {  	v3 =	vnsel vm15, $0x0, v3;
	v30 =	vmul.f32 v46, v9;
	v1 =	vmul.f32 v1, v51  }
0xc5: {  	v28 =	vmul.f32 v47, v9;
	v37 =	vmin.u32 v10, $0xFF;
	[tilespmem:$0x1FF50] =	vst v2;
	v2 =	vmul.f32 v45, v41  }
0xc6: {  	v22 =	vmul.f32 v46, v7;
	v36 =	vmin.u32 v11, $0xFF;
	[tilespmem:$0x1FFB0] =	vst v1;
	v1 =	vmul.f32 v45, v51  }
0xc7: {  	v21 =	vmul.f32 v47, v7;
	v33 =	vmin.u32 v14, $0xFF;
	[tilespmem:$0x1FF60] =	vst v2;
	v2 =	vmul.f32 v6, v41  }
0xc8: {  	v32 =	vmin.u32 v15, $0xFF;
	v16 =	vmul.f32 v46, v12;
	[tilespmem:$0x1FFC0] =	vst v1;
	v1 =	vmul.f32 v6, v51  }
0xc9: {  	v31 =	vmin.u32 v3, $0xFF;
	v10 =	vor.u32 v34, v49;
	[tilespmem:$0x1FF70] =	vst v2;
	v2 =	vmul.f32 v46, v41  }
0xca: {  	v44 =	vor.u32 v37, v49;
	v8 =	vor.u32 v36, v49;
	[tilespmem:$0x1FFD0] =	vst v1;
	v1 =	vmul.f32 v46, v51  }
0xcb: {  	v7 =	vor.u32 v33, v49;
	v4 =	vor.u32 v32, v49;
	[tilespmem:$0x1FF80] =	vst v2;
	v2 =	vmul.f32 v47, v41  }
0xcc: {  	v3 =	vor.u32 v31, v49;
	v63 =	vor.u32 v37, v5;
	[tilespmem:$0x1FFE0] =	vst v1;
	v1 =	vmul.f32 v47, v51  }
0xcd: {  	v62 =	vor.u32 v36, v5;
	v61 =	vor.u32 v33, v5;
	[tilespmem:$0x1FF90] =	vst v2;
	v2 =	vmul.f32 v13, v51  }
0xce: {  	v60 =	vor.u32 v32, v5;
	v59 =	vor.u32 v31, v5;
	v58 =	vor.u32 v34, v0;
	[tilespmem:$0x1FFF0] =	vst v1  }
0xcf: {  	s25 =	simm.s32 $0x1910;
	v56 =	vor.u32 v37, v0;
	v55 =	vor.u32 v36, v0;
	v52 =	vor.u32 v33, v0;
	[tilespmem:$0x1FFA0] =	vst v2  }
0xd0: {  	s26 =	simm.s32 $0x2590;
	v49 =	vor.u32 v31, v0;
	v51 =	vor.u32 v32, v0;
	v0 =	vlaneseq.u32;
	v11 =	vld [tilespmem:s25+$0x0]  }
0xd1: {  	s24 =	simm.s32 $0x10;
	s29 =	simm.s32 $0x20;
	s31 =	spop (v2sf);
	v45 =	vor.u32 v36, v53;
	v46 =	vor.u32 v37, v53;
	v0 =	vor.u32 s28, v0;
	v13 =	vld [tilespmem:s26+$0x0]  }
0xd2: {  	s30 =	simm.s32 $0x10;
	s22 =	sadd.s32 $0x0, s31;
	v47 =	vor.u32 v34, v53;
	v41 =	vor.u32 v33, v53;
	v2 =	vor.u32 v34, v5;
	[tilespmem:s28+$0x3E80] =	vst.msk vm0, v0;
	s28 =	simm.s32 $0xC90;
	v12 =	vld [tilespmem:s24+$0x0]  }
.LBB2_6:
0xd3: {  	_ = 	snop  }
0xd4: {  	v14 =	vld [tilespmem:s28+$0x0];
	v9 =	vor.u32 v32, v53;
	v0 =	vor.u32 v36, v29  }
0xd5: {  	v6 =	vor.u32 v31, v53;
	v5 =	vor.u32 v34, v29;
	v53 =	vor.u32 v37, v29;
	[tilespmem:$0x1FF00] =	vst v0  }
0xd6: {  	v0 =	vor.u32 v33, v29;
	[tilespmem:v10+s15+$0x0] =	vst.idx.add.f32.msk $0xffff, v57;
	v11 =	vmax.f32 v11, $5.524271630e-03;
	v13 =	vmax.f32 v13, $5.524271630e-03  }
0xd7: {  	v57 =	vor.u32 v32, v29;
	[tilespmem:$0x1FF10] =	vst v0;
	v15 =	vmul.f32 $5.000000000e-01, v11;
	v0 =	vmul.f32 $5.000000000e-01, v13  }
0xd8: {  	s23 =	sadd.s32 $0x10, s23;
	[tilespmem:v44+s15+$0x0] =	vst.idx.add.f32.msk $0xffff, v54;
	v54 =	vor.u32 v31, v29;
	v11 =	vmul.f32 v13, v11  }
0xd9: {  	v29 =	vor.u32 v37, v23;
	v13 =	vld [tilespmem:s23+$0x0];
	v1 =	vsub.f32 v12, v15;
	v10 =	vsub.f32 v14, v0  }
0xda: {  	[tilespmem:v8+s15+$0x0] =	vst.idx.add.f32.msk $0xffff, v50;
	v12 =	vadd.f32 v15, v12;
	v37 =	vadd.f32 v0, v14;
	(erf) = vrcp.f32 v11  }
0xdb: {  	[tilespmem:v7+s15+$0x0] =	vst.idx.add.f32.msk $0xffff, v48;
	v0 =	vmul.f32 $2.560000000e+02, v1;
	v8 =	vmul.f32 $2.560000000e+02, v10  }
0xdc: {  	[tilespmem:v4+s15+$0x0] =	vst.idx.add.f32.msk $0xffff, v43;
	v7 =	vmul.f32 $2.560000000e+02, v12;
	v11 =	vmul.f32 $2.560000000e+02, v37  }
0xdd: {  	[tilespmem:v3+s15+$0x0] =	vst.idx.add.f32.msk $0xffff, v42;
	v0 =	vadd.f32 $1.024000000e+03, v0;
	v4 =	vadd.f32 $1.024000000e+03, v8  }
0xde: {  	[tilespmem:v2+s15+$0x0] =	vst.idx.add.f32.msk $0xffff, v40;
	v3 =	vadd.f32 $1.024000000e+03, v7;
	v7 =	vadd.f32 $1.024000000e+03, v11  }
0xdf: {  	[tilespmem:v63+s15+$0x0] =	vst.idx.add.f32.msk $0xffff, v39;
	v0 =	vtrunc.f32 v0;
	v2 =	vtrunc.f32 v4  }
0xe0: {  	[tilespmem:v62+s15+$0x0] =	vst.idx.add.f32.msk $0xffff, v38;
	v3 =	vtrunc.f32 v3;
	v4 =	vtrunc.f32 v7  }
0xe1: {  	[tilespmem:v61+s15+$0x0] =	vst.idx.add.f32.msk $0xffff, v35;
	v0 =	vcvt.f32.s32 v0;
	v50 =	vcvt.f32.s32 v2  }
0xe2: {  	[tilespmem:v60+s15+$0x0] =	vst.idx.add.f32.msk $0xffff, v30;
	v7 =	vcvt.f32.s32 v3;
	v4 =	vcvt.f32.s32 v4  }
0xe3: {  	v2 =	vlaneseq.u32;
	[tilespmem:v59+s15+$0x0] =	vst.idx.add.f32.msk $0xffff, v28  }
0xe4: {  	v11 =	vor.u32 s24, v2;
	[tilespmem:v58+s15+$0x0] =	vst.idx.add.f32.msk $0xffff, v27;
	v7 =	vsub.s32 v7, v0;
	v4 =	vsub.s32 v4, v50  }
0xe5: {  	v2 =	vadd.s32 $0xFFFFFC00, v0;
	[tilespmem:v56+s15+$0x0] =	vst.idx.add.f32.msk $0xffff, v26;
	vm0 =	vgt.s32 v7, $0x5;
	vm1 =	vgt.s32 v4, $0x5  }
0xe6: {  	v33 =	vor.u32 v33, v23;
	v14 =	vcvt.s32.f32 v2;
	[tilespmem:v55+s15+$0x0] =	vst.idx.add.f32.msk $0xffff, v25;
	vm0 =	vmor vm0, vm1  }
0xe7: {  	v44 =	vor.u32 v34, v23;
	v34 =	vor.u32 v36, v23;
	v31 =	vor.u32 v31, v23;
	[tilespmem:s22+$0x3E80] =	vst.msk vm0, v11  }
0xe8: {  	v48 =	vor.u32 v32, v23;
	v23 =	vadd.s32 $0xFFFFFC00, v50;
	v14 =	vmul.f32 $3.906250000e-03, v14;
	[tilespmem:v52+s15+$0x0] =	vst.idx.add.f32.msk $0xffff, v24  }
0xe9: {  	v4 =	vcvt.s32.f32 v23;
	[tilespmem:v51+s15+$0x0] =	vst.idx.add.f32.msk $0xffff, v22  }
0xea: {  	v11 =	vmpcnt.ones.xlane vm0;
	v25 =	vadd.f32 $3.906250000e-03, v14;
	[tilespmem:v49+s15+$0x0] =	vst.idx.add.f32.msk $0xffff, v21  }
0xeb: {  	v15 =	vmul.f32 $3.906250000e-03, v4;
	v26 =	vadd.f32 $0.0e+00, v14;
	v24 =	vadd.f32 $7.812500000e-03, v14;
	[tilespmem:v47+s15+$0x0] =	vst.idx.add.f32.msk $0xffff, v20  }
0xec: {  	(v2sf) =	vpush v11, $0x0;
	v22 =	vadd.f32 $1.171875000e-02, v14;
	v11 =	vmin.f32 v12, v25;
	[tilespmem:v46+s15+$0x0] =	vst.idx.add.f32.msk $0xffff, v19  }
0xed: {  	v27 =	vadd.f32 $1.562500000e-02, v14;
	v21 =	vmax.f32 v1, v26;
	v20 =	vmin.f32 v12, v24;
	[tilespmem:v45+s15+$0x0] =	vst.idx.add.f32.msk $0xffff, v18  }
0xee: {  	v26 =	vadd.f32 $1.953125000e-02, v14;
	v25 =	vmax.f32 v1, v25;
	v28 =	vmin.f32 v12, v22;
	[tilespmem:v41+s15+$0x0] =	vst.idx.add.f32.msk $0xffff, v17  }
0xef: {  	v14 =	vadd.f32 $2.343750000e-02, v14;
	v24 =	vmax.f32 v1, v24;
	v30 =	vmin.f32 v12, v27;
	[tilespmem:v9+s15+$0x0] =	vst.idx.add.f32.msk $0xffff, v16  }
0xf0: {  	v22 =	vmax.f32 v1, v22;
	v16 =	vsub.f32 v20, v25;
	v20 =	vsub.f32 v28, v24;
	v28 =	vld [tilespmem:$0x1FF30]  }
0xf1: {  	v27 =	vmax.f32 v1, v27;
	v19 =	vadd.f32 $7.812500000e-03, v15;
	v11 =	vsub.f32 v11, v21  }
0xf2: {  	v58 =	vmin.f32 v12, v26;
	v12 =	vmin.f32 v12, v14;
	v14 =	vadd.f32 $3.906250000e-03, v15  }
0xf3: {  	v21 =	vsub.f32 v30, v22;
	v1 =	vmax.f32 v1, v26;
	v26 =	vadd.f32 $1.171875000e-02, v15  }
0xf4: {  	v22 =	vsub.f32 v58, v27;
	v18 =	vmin.f32 v37, v14;
	v9 =	vmin.f32 v37, v19  }
0xf5: {  	v14 =	vmax.f32 v10, v14;
	v24 =	vmin.f32 v37, v26;
	[tilespmem:v6+s15+$0x0] =	vst.idx.add.f32.msk $0xffff, v28  }
0xf6: {  	v19 =	vmax.f32 v10, v19;
	v6 =	vmax.f32 v21, $0.0e+00;
	v21 =	vmax.f32 v22, $0.0e+00;
	v22 =	vld [tilespmem:$0x1FF40]  }
0xf7: {  	v8 =	vmul.f32 $6.553599850e+02, v13;
	v9 =	vsub.f32 v9, v14;
	v14 =	vsub.f32 v24, v19;
	v19 =	vld [tilespmem:$0x1FF50]  }
0xf8: {  	v13 =	vpop (erf);
	v59 =	vadd.f32 $0.0e+00, v15  }
0xf9: {  	v13 =	vmul.f32 v13, v8;
	v60 =	vadd.f32 $1.562500000e-02, v15  }
0xfa: {  	v61 =	vadd.f32 $1.953125000e-02, v15;
	v15 =	vadd.f32 $2.343750000e-02, v15;
	v17 =	vmax.f32 v10, v59  }
0xfb: {  	v1 =	vsub.f32 v12, v1;
	v27 =	vmax.f32 v10, v60;
	[tilespmem:v5+s15+$0x0] =	vst.idx.add.f32.msk $0xffff, v22  }
0xfc: {  	v11 =	vmax.f32 v11, $0.0e+00;
	v25 =	vmax.f32 v10, v26;
	v15 =	vmin.f32 v37, v15;
	[tilespmem:v53+s15+$0x0] =	vst.idx.add.f32.msk $0xffff, v19  }
0xfd: {  	v10 =	vmax.f32 v10, v61;
	v11 =	vmul.f32 v11, v13;
	v1 =	vmax.f32 v1, $0.0e+00;
	v19 =	vld [tilespmem:$0x1FF00]  }
0xfe: {  	v16 =	vmax.f32 v16, $0.0e+00;
	v20 =	vmax.f32 v20, $0.0e+00;
	v1 =	vmul.f32 v1, v13  }
0xff: {  	v10 =	vsub.f32 v15, v10;
	v16 =	vmul.f32 v16, v13;
	v15 =	vmul.f32 v20, v13  }
0x100: {  	v6 =	vmul.f32 v6, v13;
	v5 =	vsub.f32 v18, v17;
	v18 =	vmul.f32 v21, v13;
	v13 =	vld [tilespmem:$0x1FF60];
	_ =	sdelay $0x4  }
0x101: {  	[tilespmem:v19+s15+$0x0] =	vst.idx.add.f32.msk $0xffff, v13  }
0x102: {  	v19 =	vld [tilespmem:$0x1FF10];
	_ =	sdelay $0x2  }
0x103: {  	v13 =	vld [tilespmem:$0x1FF70]  }
0x104: {  	v21 =	vld [tilespmem:$0x1FF80]  }
0x105: {  	v24 =	vld [tilespmem:$0x1FF90];
	_ =	sdelay $0x2  }
0x106: {  	[tilespmem:v19+s15+$0x0] =	vst.idx.add.f32.msk $0xffff, v13  }
0x107: {  	v3 =	vadd.s32 $0xFFFFFC01, v0;
	v7 =	vadd.s32 $0xFFFFFC03, v0;
	v8 =	vadd.s32 $0xFFFFFC04, v0;
	[tilespmem:v57+s15+$0x0] =	vst.idx.add.f32.msk $0xffff, v21  }
0x108: {  	vm12 =	vgt.s32 v2, $0x0;
	vm13 =	vgt.s32 v3, $0x0;
	vm14 =	vgt.s32 v23, $0x0;
	[tilespmem:v54+s15+$0x0] =	vst.idx.add.f32.msk $0xffff, v24  }
0x109: {  	vm6 =	vlt.u32 v23, $0x100;
	vm3 =	vgt.s32 v7, $0x0;
	v12 =	vmin.f32 v37, v60;
	v24 =	vld [tilespmem:$0x1FFA0]  }
0x10a: {  	vm4 =	vgt.s32 v8, $0x0;
	v4 =	vadd.s32 $0xFFFFFC02, v0;
	v12 =	vsub.f32 v12, v25;
	v25 =	vld [tilespmem:$0x1FFB0]  }
0x10b: {  	vm15 =	vlt.u32 v7, $0x100;
	v0 =	vadd.s32 $0xFFFFFC05, v0;
	vm2 =	vgt.s32 v4, $0x0;
	v28 =	vld [tilespmem:$0x1FFC0]  }
0x10c: {  	vm5 =	vgt.s32 v0, $0x0;
	vm0 =	vlt.u32 v0, $0x100;
	v30 =	vld [tilespmem:$0x1FFD0];
	v26 =	vmin.f32 v37, v61  }
0x10d: {  	v20 =	vadd.s32 $0xFFFFFC03, v50;
	v9 =	vmax.f32 v9, $0.0e+00;
	v14 =	vmax.f32 v14, $0.0e+00  }
0x10e: {  	v12 =	vmax.f32 v12, $0.0e+00;
	v10 =	vmax.f32 v10, $0.0e+00;
	vm9 =	vlt.u32 v20, $0x100;
	[tilespmem:v44+s15+$0x0] =	vst.idx.add.f32.msk $0xffff, v24  }
0x10f: {  	v1 =	vnsel vm0, $0x0, v1;
	v12 =	vnsel vm9, $0x0, v12;
	v17 =	vsub.f32 v26, v27;
	[tilespmem:v29+s15+$0x0] =	vst.idx.add.f32.msk $0xffff, v25  }
0x110: {  	v22 =	vadd.s32 $0xFFFFFC05, v50;
	v26 =	vnsel vm2, $0x0, v4;
	v27 =	vnsel vm3, $0x0, v7;
	[tilespmem:v34+s15+$0x0] =	vst.idx.add.f32.msk $0xffff, v28  }
0x111: {  	vm11 =	vlt.u32 v22, $0x100;
	v5 =	vmax.f32 v5, $0.0e+00;
	v17 =	vmax.f32 v17, $0.0e+00;
	[tilespmem:v33+s15+$0x0] =	vst.idx.add.f32.msk $0xffff, v30  }
0x112: {  	v5 =	vnsel vm6, $0x0, v5;
	v13 =	vadd.s32 $0xFFFFFC01, v50;
	v19 =	vadd.s32 $0xFFFFFC02, v50;
	v30 =	vld [tilespmem:$0x1FFE0]  }
0x113: {  	v21 =	vadd.s32 $0xFFFFFC04, v50;
	vm1 =	vgt.s32 v13, $0x0;
	vm7 =	vlt.u32 v13, $0x100  }
0x114: {  	vm8 =	vlt.u32 v19, $0x100;
	vm10 =	vlt.u32 v21, $0x100;
	v9 =	vnsel vm7, $0x0, v9  }
0x115: {  	v24 =	vnsel vm12, $0x0, v2;
	vm12 =	vlt.u32 v2, $0x100;
	v25 =	vnsel vm13, $0x0, v3  }
0x116: {  	v29 =	vnsel vm5, $0x0, v0;
	vm13 =	vlt.u32 v3, $0x100;
	v2 =	vnsel vm12, $0x0, v11  }
0x117: {  	vm12 =	vlt.u32 v8, $0x100;
	v11 =	vnsel vm8, $0x0, v14;
	v28 =	vimm.s32 $0x0;
	[tilespmem:v48+s15+$0x0] =	vst.idx.add.f32.msk $0xffff, v30  }
0x118: {  	v14 =	vnsel vm10, $0x0, v17;
	v0 =	vnsel vm13, $0x0, v16;
	v28 =	vsel vm14, $0xFFFFFFFF, v28;
	v30 =	vld [tilespmem:$0x1FFF0]  }
0x119: {  	vm14 =	vlt.u32 v4, $0x100;
	v4 =	vnsel vm15, $0x0, v6;
	v40 =	vmul.f32 v5, v0  }
0x11a: {  	v6 =	vnsel vm12, $0x0, v18;
	v39 =	vmul.f32 v9, v0;
	v38 =	vmul.f32 v11, v0  }
0x11b: {  	[tilespmem:$0x1FF20] =	vst v28;
	v28 =	vnsel vm4, $0x0, v8;
	v3 =	vnsel vm14, $0x0, v15;
	v15 =	vnsel vm11, $0x0, v10  }
0x11c: {  	v35 =	vmul.f32 v12, v0;
	v18 =	vmin.u32 v28, $0xFF;
	v28 =	vmul.f32 v15, v0  }
0x11d: {  	vm2 =	vgt.s32 v19, $0x0;
	[tilespmem:v31+s15+$0x0] =	vst.idx.add.f32.msk $0xffff, v30;
	v30 =	vmul.f32 v14, v0;
	v0 =	vmul.f32 v15, v4  }
0x11e: {  	vm3 =	vgt.s32 v20, $0x0;
	v13 =	vnsel vm1, $0x0, v13;
	v19 =	vnsel vm2, $0x0, v19  }
0x11f: {  	v37 =	vmin.u32 v13, $0xFF;
	v36 =	vmin.u32 v19, $0xFF;
	[tilespmem:$0x1FF30] =	vst v0;
	v0 =	vmul.f32 v5, v6  }
0x120: {  	vm5 =	vgt.s32 v22, $0x0;
	v7 =	vmin.u32 v24, $0xFF;
	v16 =	vmin.u32 v27, $0xFF  }
0x121: {  	v63 =	vnsel vm5, $0x0, v22;
	v57 =	vmul.f32 v5, v2;
	[tilespmem:$0x1FF40] =	vst v0;
	v0 =	vmul.f32 v9, v6  }
0x122: {  	v58 =	vshll.u32 v7, $0x8;
	v54 =	vmul.f32 v9, v2;
	v50 =	vmul.f32 v11, v2  }
0x123: {  	v43 =	vmul.f32 v14, v2;
	v53 =	vshll.u32 v16, $0x8;
	[tilespmem:$0x1FF50] =	vst v0;
	v0 =	vmul.f32 v11, v6  }
0x124: {  	v44 =	vor.u32 v37, v58;
	vm4 =	vgt.s32 v21, $0x0;
	v8 =	vmin.u32 v25, $0xFF  }
0x125: {  	v10 =	vmin.u32 v26, $0xFF;
	v19 =	vmul.f32 v9, v4;
	[tilespmem:$0x1FF60] =	vst v0;
	v0 =	vmul.f32 v12, v6  }
0x126: {  	v16 =	vmul.f32 v14, v4;
	v46 =	vor.u32 v37, v53;
	v42 =	vmul.f32 v15, v2  }
0x127: {  	v45 =	vor.u32 v36, v53;
	v27 =	vmul.f32 v5, v3;
	[tilespmem:$0x1FF70] =	vst v0;
	v0 =	vmul.f32 v14, v6  }
0x128: {  	v17 =	vld [tilespmem:$0x1FF20];
	v62 =	vnsel vm4, $0x0, v21;
	v26 =	vmul.f32 v9, v3;
	v25 =	vmul.f32 v11, v3  }
0x129: {  	v59 =	vshll.u32 v8, $0x8;
	v24 =	vmul.f32 v12, v3;
	[tilespmem:$0x1FF80] =	vst v0;
	v0 =	vmul.f32 v15, v6  }
0x12a: {  	v47 =	vshll.u32 v10, $0x8;
	v22 =	vmul.f32 v14, v3;
	v21 =	vmul.f32 v15, v3  }
0x12b: {  	v8 =	vor.u32 v36, v58;
	v32 =	vmin.u32 v62, $0xFF;
	[tilespmem:$0x1FF90] =	vst v0;
	v0 =	vmul.f32 v5, v1  }
0x12c: {  	v62 =	vor.u32 v36, v59;
	v56 =	vor.u32 v37, v47;
	v55 =	vor.u32 v36, v47  }
0x12d: {  	v60 =	vor.u32 v32, v59;
	vm15 =	vnez.u8 v17;
	[tilespmem:$0x1FFA0] =	vst v0;
	v0 =	vmul.f32 v9, v1  }
0x12e: {  	v51 =	vor.u32 v32, v47;
	v48 =	vmul.f32 v12, v2;
	v17 =	vnsel vm15, $0x0, v23  }
0x12f: {  	v23 =	vmin.u32 v29, $0xFF;
	v29 =	vshll.u32 v18, $0x8;
	[tilespmem:$0x1FFB0] =	vst v0;
	v0 =	vmul.f32 v11, v1  }
0x130: {  	v18 =	vmul.f32 v11, v4;
	v23 =	vshll.u32 v23, $0x8;
	v34 =	vmin.u32 v17, $0xFF  }
0x131: {  	v17 =	vmul.f32 v12, v4;
	v31 =	vnsel vm3, $0x0, v20;
	[tilespmem:$0x1FFC0] =	vst v0;
	v0 =	vmul.f32 v12, v1  }
0x132: {  	p1 =	sne.s32 s29, $0xC30;
	v20 =	vmul.f32 v5, v4;
	v10 =	vor.u32 v34, v58;
	v4 =	vor.u32 v32, v58  }
.Ltmp4:
0x133: {  	v2 =	vor.u32 v34, v59;
	v33 =	vmin.u32 v31, $0xFF;
	[tilespmem:$0x1FFD0] =	vst v0;
	v0 =	vmul.f32 v14, v1;
	(pc) =	sbr.rel @p1 .LBB2_6-.Ltmp4, $4  }
0x134: {  	s26 =	sadd.s32 $0x10, s26;
	v31 =	vmin.u32 v63, $0xFF;
	v63 =	vor.u32 v37, v59;
	v7 =	vor.u32 v33, v58  }
0x135: {  	s25 =	sadd.s32 $0x10, s25;
	v13 =	vld [tilespmem:s26+$0x0];
	v3 =	vor.u32 v31, v58;
	v61 =	vor.u32 v33, v59;
	[tilespmem:$0x1FFE0] =	vst v0;
	v0 =	vmul.f32 v15, v1  }
0x136: {  	s30 =	sadd.s32 $0x10, s30;
	s28 =	sadd.s32 $0x10, s28;
	s31 =	spop (v2sf);
	v59 =	vor.u32 v31, v59;
	v58 =	vor.u32 v34, v47;
	v52 =	vor.u32 v33, v47;
	v11 =	vld [tilespmem:s25+$0x0]  }
0x137: {  	s24 =	smov.u32 s29;
	s29 =	sadd.s32 $0x10, s29;
	s22 =	sadd.s32 s22, s31;
	v49 =	vor.u32 v31, v47;
	v47 =	vor.u32 v34, v53;
	v41 =	vor.u32 v33, v53;
	v12 =	vld [tilespmem:s30+$0x0];
	[tilespmem:$0x1FFF0] =	vst v0  }
0x138: {  	_ =	sdelay $0x2  }
0x139: {  	v6 =	vmax.f32 v11, $5.524271630e-03  }
0x13a: {  	v1 =	vmul.f32 $5.000000000e-01, v6  }
0x13b: {  	v9 =	vld [tilespmem:s28+$0x0]  }
0x13c: {  	v0 =	vsub.f32 v12, v1  }
0x13d: {  	v11 =	vmax.f32 v13, $5.524271630e-03  }
0x13e: {  	v13 =	vmul.f32 $5.000000000e-01, v11;
	v5 =	vmul.f32 $2.560000000e+02, v0;
	_ =	sdelay $0x1  }
0x13f: {  	v14 =	vsub.f32 v9, v13;
	v5 =	vadd.f32 $1.024000000e+03, v5;
	_ =	sdelay $0x1  }
0x140: {  	[tilespmem:$0x1FE80] =	vst v9;
	v15 =	vmul.f32 $2.560000000e+02, v14;
	v5 =	vtrunc.f32 v5  }
0x141: {  	v11 =	vmul.f32 v11, v6;
	v6 =	vld [tilespmem:$0x1FE80];
	[tilespmem:$0x1FEE0] =	vst v0;
	v0 =	vadd.f32 v1, v12;
	v9 =	vcvt.f32.s32 v5  }
0x142: {  	v1 =	vadd.f32 $1.024000000e+03, v15  }
0x143: {  	v15 =	vmul.f32 $2.560000000e+02, v0;
	v5 =	vadd.s32 $0xFFFFFC00, v9  }
0x144: {  	[tilespmem:$0x1FED0] =	vst v0;
	v12 =	vtrunc.f32 v1;
	v0 =	vcvt.s32.f32 v5  }
0x145: {  	v12 =	vcvt.f32.s32 v12  }
0x146: {  	v13 =	vadd.f32 v13, v6;
	[tilespmem:$0x1FE90] =	vst v9;
	v6 =	vmul.f32 $3.906250000e-03, v0  }
0x147: {  	[tilespmem:$0x1FEA0] =	vst v5;
	v5 =	vadd.s32 $0xFFFFFC00, v12  }
0x148: {  	v15 =	vadd.f32 $1.024000000e+03, v15;
	[tilespmem:$0x1FEB0] =	vst v5;
	v0 =	vadd.f32 $3.906250000e-03, v6  }
0x149: {  	[tilespmem:$0x1FEC0] =	vst v6  }
0x14a: {  	v1 =	vtrunc.f32 v15;
	v15 =	vmul.f32 $2.560000000e+02, v13;
	[tilespmem:$0x1FEF0] =	vst v0  }
0x14b: {  	[tilespmem:v10+s15+$0x0] =	vst.idx.add.f32.msk $0xffff, v57  }
0x14c: {  	v10 =	vadd.f32 $1.024000000e+03, v15;
	v15 =	vld [tilespmem:$0x1FEE0]  }
0x14d: {  	v57 =	vld [tilespmem:$0x1FED0]  }
0x14e: {  	[tilespmem:v44+s15+$0x0] =	vst.idx.add.f32.msk $0xffff, v54  }
0x14f: {  	v5 =	vcvt.s32.f32 v5;
	[tilespmem:v8+s15+$0x0] =	vst.idx.add.f32.msk $0xffff, v50  }
0x150: {  	s23 =	sadd.s32 $0x10, s23;
	[tilespmem:v7+s15+$0x0] =	vst.idx.add.f32.msk $0xffff, v48  }
0x151: {  	v5 =	vmul.f32 $3.906250000e-03, v5;
	v48 =	vld [tilespmem:s23+$0x0]  }
0x152: {  	v6 =	vadd.f32 $0.0e+00, v6;
	v50 =	vtrunc.f32 v10;
	[tilespmem:v4+s15+$0x0] =	vst.idx.add.f32.msk $0xffff, v43  }
0x153: {  	v1 =	vcvt.f32.s32 v1;
	v54 =	vadd.f32 $0.0e+00, v5;
	v7 =	vcvt.f32.s32 v50;
	[tilespmem:v3+s15+$0x0] =	vst.idx.add.f32.msk $0xffff, v42  }
0x154: {  	v6 =	vmax.f32 v15, v6;
	v15 =	vmin.f32 v57, v0;
	v57 =	vadd.f32 $7.812500000e-03, v5;
	[tilespmem:v2+s15+$0x0] =	vst.idx.add.f32.msk $0xffff, v40  }
0x155: {  	(erf) = vrcp.f32 v11;
	v1 =	vsub.s32 v1, v9;
	v8 =	vadd.f32 $1.171875000e-02, v5;
	[tilespmem:v63+s15+$0x0] =	vst.idx.add.f32.msk $0xffff, v39  }
0x156: {  	v10 =	vmax.f32 v14, v54;
	v7 =	vsub.s32 v7, v12;
	v54 =	vmin.f32 v13, v57;
	v39 =	vld [tilespmem:$0x1FE90]  }
0x157: {  	vm0 =	vgt.s32 v1, $0x5;
	v11 =	vmax.f32 v14, v57;
	v57 =	vmin.f32 v13, v8;
	[tilespmem:v62+s15+$0x0] =	vst.idx.add.f32.msk $0xffff, v38  }
0x158: {  	v1 =	vadd.f32 $3.906250000e-03, v5;
	vm1 =	vgt.s32 v7, $0x5;
	v7 =	vsub.f32 v57, v11;
	v57 =	vld [tilespmem:$0x1FEA0]  }
0x159: {  	v44 =	vadd.f32 $1.953125000e-02, v5;
	v9 =	vsub.f32 v15, v6;
	[tilespmem:v61+s15+$0x0] =	vst.idx.add.f32.msk $0xffff, v35  }
0x15a: {  	v15 =	vadd.f32 $1.562500000e-02, v5;
	v5 =	vadd.f32 $2.343750000e-02, v5;
	[tilespmem:v60+s15+$0x0] =	vst.idx.add.f32.msk $0xffff, v30  }
0x15b: {  	v50 =	vmin.f32 v13, v1;
	[tilespmem:v59+s15+$0x0] =	vst.idx.add.f32.msk $0xffff, v28  }
0x15c: {  	v5 =	vmin.f32 v13, v5;
	v0 =	vmin.f32 v13, v15;
	[tilespmem:v58+s15+$0x0] =	vst.idx.add.f32.msk $0xffff, v27  }
0x15d: {  	v13 =	vmin.f32 v13, v44;
	v15 =	vmax.f32 v14, v15;
	[tilespmem:v56+s15+$0x0] =	vst.idx.add.f32.msk $0xffff, v26  }
0x15e: {  	v43 =	vmul.f32 $6.553599850e+02, v48;
	v48 =	vsub.f32 v13, v15;
	[tilespmem:v55+s15+$0x0] =	vst.idx.add.f32.msk $0xffff, v25  }
0x15f: {  	[tilespmem:v52+s15+$0x0] =	vst.idx.add.f32.msk $0xffff, v24  }
0x160: {  	v4 =	vmax.f32 v48, $0.0e+00;
	v48 =	vld [tilespmem:$0x1FEB0]  }
0x161: {  	[tilespmem:v51+s15+$0x0] =	vst.idx.add.f32.msk $0xffff, v22  }
0x162: {  	v10 =	vsub.f32 v50, v10;
	v50 =	vor.u32 v32, v53;
	[tilespmem:v49+s15+$0x0] =	vst.idx.add.f32.msk $0xffff, v21  }
0x163: {  	[tilespmem:v47+s15+$0x0] =	vst.idx.add.f32.msk $0xffff, v20  }
0x164: {  	[tilespmem:v46+s15+$0x0] =	vst.idx.add.f32.msk $0xffff, v19  }
0x165: {  	[tilespmem:v45+s15+$0x0] =	vst.idx.add.f32.msk $0xffff, v18  }
0x166: {  	[tilespmem:v41+s15+$0x0] =	vst.idx.add.f32.msk $0xffff, v17  }
0x167: {  	[tilespmem:v50+s15+$0x0] =	vst.idx.add.f32.msk $0xffff, v16  }
0x168: {  	v11 =	vor.u32 v31, v53;
	v53 =	vld [tilespmem:$0x1FF30];
	_ =	sdelay $0x3  }
0x169: {  	v1 =	vmax.f32 v14, v1  }
0x16a: {  	v8 =	vmax.f32 v14, v8;
	v14 =	vmax.f32 v14, v44;
	v44 =	vpop (erf);
	[tilespmem:v11+s15+$0x0] =	vst.idx.add.f32.msk $0xffff, v53  }
0x16b: {  	v42 =	vmul.f32 v44, v43;
	v43 =	vor.u32 v34, v29;
	v17 =	vld [tilespmem:$0x1FF40];
	_ =	sdelay $0x4  }
0x16c: {  	[tilespmem:v43+s15+$0x0] =	vst.idx.add.f32.msk $0xffff, v17  }
0x16d: {  	v44 =	vor.u32 v37, v29;
	v60 =	vld [tilespmem:$0x1FF50];
	_ =	sdelay $0x3  }
0x16e: {  	v58 =	vld [tilespmem:$0x1FEC0]  }
0x16f: {  	v52 =	vor.u32 v31, v29;
	[tilespmem:v44+s15+$0x0] =	vst.idx.add.f32.msk $0xffff, v60  }
0x170: {  	v51 =	vor.u32 v32, v29;
	v49 =	vor.u32 v36, v29;
	v50 =	vor.u32 v33, v29;
	v29 =	vld [tilespmem:$0x1FF60];
	_ =	sdelay $0x2  }
0x171: {  	v62 =	vadd.s32 $0xFFFFFC02, v12  }
0x172: {  	v40 =	vadd.s32 $0xFFFFFC04, v12;
	vm10 =	vlt.u32 v62, $0x100;
	vm6 =	vgt.s32 v57, $0x0  }
0x173: {  	v7 =	vmax.f32 v7, $0.0e+00;
	v27 =	vnsel vm6, $0x0, v57;
	vm6 =	vgt.s32 v40, $0x0;
	[tilespmem:v49+s15+$0x0] =	vst.idx.add.f32.msk $0xffff, v29  }
0x174: {  	vm12 =	vlt.u32 v40, $0x100;
	v21 =	vnsel vm10, $0x0, v7;
	v7 =	vnsel vm6, $0x0, v40;
	v40 =	vld [tilespmem:$0x1FF70];
	_ =	sdelay $0x4  }
0x175: {  	[tilespmem:v50+s15+$0x0] =	vst.idx.add.f32.msk $0xffff, v40  }
0x176: {  	v41 =	vld [tilespmem:$0x1FED0]  }
0x177: {  	v44 =	vld [tilespmem:$0x1FEE0]  }
0x178: {  	v30 =	vld [tilespmem:$0x1FEF0]  }
0x179: {  	v47 =	vld [tilespmem:$0x1FF80];
	_ =	sdelay $0x2  }
0x17a: {  	v59 =	vadd.f32 $7.812500000e-03, v58;
	_ =	sdelay $0x1  }
0x17b: {  	v43 =	vmin.f32 v41, v59;
	v30 =	vmax.f32 v44, v30;
	[tilespmem:v51+s15+$0x0] =	vst.idx.add.f32.msk $0xffff, v47  }
0x17c: {  	v0 =	vsub.f32 v0, v8;
	v8 =	vsub.f32 v43, v30;
	v30 =	vld [tilespmem:$0x1FF90];
	_ =	sdelay $0x4  }
0x17d: {  	v1 =	vsub.f32 v54, v1;
	v54 =	vmax.f32 v9, $0.0e+00;
	[tilespmem:v52+s15+$0x0] =	vst.idx.add.f32.msk $0xffff, v30  }
0x17e: {  	v9 =	vmul.f32 v54, v42;
	v54 =	vor.u32 v34, v23;
	v50 =	vld [tilespmem:$0x1FFA0];
	_ =	sdelay $0x4  }
0x17f: {  	v63 =	vadd.s32 $0xFFFFFC03, v12;
	[tilespmem:v54+s15+$0x0] =	vst.idx.add.f32.msk $0xffff, v50  }
0x180: {  	vm11 =	vlt.u32 v63, $0x100;
	v0 =	vmax.f32 v0, $0.0e+00;
	v55 =	vor.u32 v37, v23;
	v52 =	vld [tilespmem:$0x1FFB0]  }
0x181: {  	v20 =	vnsel vm11, $0x0, v0;
	vm14 =	vgt.s32 v48, $0x0  }
0x182: {  	vm8 =	vlt.u32 v48, $0x100;
	v0 =	vnsel vm14, $0x0, v48;
	v48 =	vlaneseq.u32  }
0x183: {  	v10 =	vmax.f32 v10, $0.0e+00;
	vm0 =	vmor vm0, vm1;
	v13 =	vor.u32 s24, v48  }
0x184: {  	vm5 =	vgt.s32 v63, $0x0;
	v61 =	vadd.s32 $0xFFFFFC01, v12;
	v12 =	vadd.s32 $0xFFFFFC05, v12;
	[tilespmem:s22+$0x3E80] =	vst.msk vm0, v13  }
0x185: {  	vm4 =	vgt.s32 v62, $0x0;
	v5 =	vsub.f32 v5, v14;
	vm9 =	vlt.u32 v61, $0x100;
	[tilespmem:v55+s15+$0x0] =	vst.idx.add.f32.msk $0xffff, v52  }
0x186: {  	vm13 =	vlt.u32 v12, $0x100;
	vm7 =	vlt.u32 v57, $0x100;
	v57 =	vor.u32 v36, v23;
	v55 =	vld [tilespmem:$0x1FFC0]  }
0x187: {  	vm15 =	vgt.s32 v61, $0x0;
	v1 =	vmax.f32 v1, $0.0e+00;
	v3 =	vadd.s32 $0xFFFFFC01, v39  }
0x188: {  	v5 =	vmax.f32 v5, $0.0e+00;
	v2 =	vadd.s32 $0xFFFFFC02, v39;
	vm2 =	vgt.s32 v3, $0x0  }
0x189: {  	v56 =	vmpcnt.ones.xlane vm0;
	vm3 =	vgt.s32 v2, $0x0;
	v35 =	vnsel vm2, $0x0, v3  }
0x18a: {  	v38 =	vnsel vm3, $0x0, v2;
	v9 =	vnsel vm7, $0x0, v9;
	v24 =	vnsel vm9, $0x0, v1  }
0x18b: {  	v1 =	vnsel vm15, $0x0, v61;
	v61 =	vor.u32 v32, v23;
	(v2sf) =	vpush v56, $0x0;
	[tilespmem:v57+s15+$0x0] =	vst.idx.add.f32.msk $0xffff, v55  }
0x18c: {  	vm7 =	vgt.s32 v12, $0x0;
	v18 =	vor.u32 v33, v23;
	v51 =	vmin.u32 v27, $0xFF;
	v27 =	vld [tilespmem:$0x1FFD0]  }
0x18d: {  	v22 =	vnsel vm12, $0x0, v4;
	v4 =	vnsel vm4, $0x0, v62;
	v1 =	vmin.u32 v1, $0xFF  }
0x18e: {  	v56 =	vmin.u32 v35, $0xFF;
	v12 =	vnsel vm7, $0x0, v12;
	v32 =	vadd.s32 $0xFFFFFC03, v39  }
0x18f: {  	v4 =	vmin.u32 v4, $0xFF;
	v12 =	vmin.u32 v12, $0xFF;
	vm9 =	vgt.s32 v32, $0x0  }
0x190: {  	vm10 =	vlt.u32 v2, $0x100;
	v7 =	vmin.u32 v7, $0xFF;
	v26 =	vmul.f32 v21, v9  }
0x191: {  	v19 =	vnsel vm13, $0x0, v5;
	v5 =	vnsel vm5, $0x0, v63;
	v63 =	vor.u32 v31, v23;
	[tilespmem:v18+s15+$0x0] =	vst.idx.add.f32.msk $0xffff, v27  }
0x192: {  	v5 =	vmin.u32 v5, $0xFF;
	v25 =	vnsel vm8, $0x0, v10;
	v62 =	vadd.f32 $1.171875000e-02, v58;
	v27 =	vld [tilespmem:$0x1FFE0]  }
0x193: {  	v33 =	vmul.f32 v22, v9;
	v36 =	vadd.f32 $1.562500000e-02, v58;
	v6 =	vadd.f32 $2.343750000e-02, v58  }
0x194: {  	v37 =	vadd.f32 $1.953125000e-02, v58;
	v45 =	vmin.f32 v41, v62;
	v28 =	vmax.f32 v44, v59  }
0x195: {  	v46 =	vmin.f32 v41, v36;
	v16 =	vmax.f32 v44, v62;
	v6 =	vmin.f32 v41, v6  }
0x196: {  	v31 =	vmin.f32 v41, v37;
	v10 =	vmax.f32 v44, v36;
	v29 =	vmax.f32 v44, v37  }
0x197: {  	v0 =	vmin.u32 v0, $0xFF;
	v59 =	vmul.f32 v25, v9;
	v62 =	vmul.f32 v24, v9;
	[tilespmem:v61+s15+$0x0] =	vst.idx.add.f32.msk $0xffff, v27  }
0x198: {  	v36 =	vmul.f32 v19, v9;
	v28 =	vsub.f32 v45, v28;
	v53 =	vshll.u32 v51, $0x8;
	v61 =	vld [tilespmem:$0x1FFF0]  }
0x199: {  	v16 =	vsub.f32 v46, v16;
	v10 =	vsub.f32 v31, v10;
	v54 =	vor.u32 v0, v53  }
0x19a: {  	v6 =	vsub.f32 v6, v29;
	v58 =	vor.u32 v4, v53;
	v57 =	vor.u32 v1, v53  }
0x19b: {  	v60 =	vor.u32 v5, v53;
	v15 =	vor.u32 v12, v53;
	v8 =	vmax.f32 v8, $0.0e+00  }
0x19c: {  	v28 =	vmax.f32 v28, $0.0e+00;
	v49 =	vmax.f32 v16, $0.0e+00;
	v8 =	vmul.f32 v8, v42  }
0x19d: {  	v10 =	vmax.f32 v10, $0.0e+00;
	v11 =	vmul.f32 v28, v42;
	[tilespmem:v63+s15+$0x0] =	vst.idx.add.f32.msk $0xffff, v61;
	v63 =	vor.u32 v7, v53  }
0x19e: {  	v16 =	vshll.u32 v56, $0x8;
	v14 =	vmul.f32 v49, v42;
	v10 =	vmul.f32 v10, v42;
	[tilespmem:v54+s15+$0x0] =	vst.idx.add.f32.msk $0xffff, v59  }
0x19f: {  	vm11 =	vlt.u32 v32, $0x100;
	v31 =	vor.u32 v0, v16;
	v30 =	vmul.f32 v20, v9;
	[tilespmem:v57+s15+$0x0] =	vst.idx.add.f32.msk $0xffff, v62  }
0x1a0: {  	vm8 =	vlt.u32 v3, $0x100;
	v34 =	vor.u32 v1, v16;
	v37 =	vor.u32 v4, v16;
	[tilespmem:v58+s15+$0x0] =	vst.idx.add.f32.msk $0xffff, v26  }
0x1a1: {  	v41 =	vor.u32 v5, v16;
	v45 =	vor.u32 v7, v16;
	v35 =	vnsel vm8, $0x0, v8;
	[tilespmem:v60+s15+$0x0] =	vst.idx.add.f32.msk $0xffff, v30  }
0x1a2: {  	v6 =	vmax.f32 v6, $0.0e+00;
	v16 =	vor.u32 v12, v16;
	v40 =	vmul.f32 v25, v35;
	[tilespmem:v63+s15+$0x0] =	vst.idx.add.f32.msk $0xffff, v33  }
0x1a3: {  	v43 =	vmin.u32 v38, $0xFF;
	v6 =	vmul.f32 v6, v42;
	v44 =	vmul.f32 v24, v35;
	[tilespmem:v15+s15+$0x0] =	vst.idx.add.f32.msk $0xffff, v36  }
0x1a4: {  	v46 =	vmul.f32 v21, v35;
	v48 =	vmul.f32 v20, v35;
	v27 =	vshll.u32 v43, $0x8;
	[tilespmem:v31+s15+$0x0] =	vst.idx.add.f32.msk $0xffff, v40  }
0x1a5: {  	v47 =	vnsel vm9, $0x0, v32;
	v3 =	vmul.f32 v19, v35;
	v49 =	vor.u32 v0, v27;
	[tilespmem:v34+s15+$0x0] =	vst.idx.add.f32.msk $0xffff, v44  }
0x1a6: {  	v14 =	vnsel vm11, $0x0, v14;
	v50 =	vmul.f32 v22, v35;
	v51 =	vor.u32 v1, v27;
	[tilespmem:v37+s15+$0x0] =	vst.idx.add.f32.msk $0xffff, v46  }
0x1a7: {  	v32 =	vmul.f32 v24, v14;
	v52 =	vnsel vm10, $0x0, v11;
	v53 =	vor.u32 v4, v27;
	[tilespmem:v41+s15+$0x0] =	vst.idx.add.f32.msk $0xffff, v48  }
0x1a8: {  	v54 =	vmul.f32 v25, v52;
	v55 =	vor.u32 v5, v27;
	[tilespmem:v45+s15+$0x0] =	vst.idx.add.f32.msk $0xffff, v50  }
0x1a9: {  	v56 =	vmin.u32 v47, $0xFF;
	v57 =	vmul.f32 v24, v52;
	v58 =	vor.u32 v7, v27;
	[tilespmem:v16+s15+$0x0] =	vst.idx.add.f32.msk $0xffff, v3  }
0x1aa: {  	v59 =	vmul.f32 v21, v52;
	v60 =	vor.u32 v12, v27;
	v15 =	vshll.u32 v56, $0x8;
	[tilespmem:v49+s15+$0x0] =	vst.idx.add.f32.msk $0xffff, v54  }
0x1ab: {  	v62 =	vmul.f32 v20, v52;
	v63 =	vor.u32 v0, v15;
	[tilespmem:v51+s15+$0x0] =	vst.idx.add.f32.msk $0xffff, v57  }
0x1ac: {  	v23 =	vmul.f32 v22, v52;
	v61 =	vadd.s32 $0xFFFFFC04, v39;
	v26 =	vor.u32 v1, v15;
	[tilespmem:v53+s15+$0x0] =	vst.idx.add.f32.msk $0xffff, v59  }
0x1ad: {  	v8 =	vmul.f32 v19, v52;
	vm12 =	vgt.s32 v61, $0x0;
	v27 =	vor.u32 v4, v15;
	[tilespmem:v55+s15+$0x0] =	vst.idx.add.f32.msk $0xffff, v62  }
0x1ae: {  	v30 =	vmul.f32 v25, v14;
	v28 =	vnsel vm12, $0x0, v61;
	v31 =	vor.u32 v5, v15;
	[tilespmem:v58+s15+$0x0] =	vst.idx.add.f32.msk $0xffff, v23  }
0x1af: {  	v35 =	vmul.f32 v21, v14;
	v13 =	vmin.u32 v28, $0xFF;
	v33 =	vor.u32 v7, v15;
	[tilespmem:v60+s15+$0x0] =	vst.idx.add.f32.msk $0xffff, v8  }
0x1b0: {  	vm13 =	vlt.u32 v61, $0x100;
	v36 =	vor.u32 v12, v15;
	v34 =	vshll.u32 v13, $0x8;
	[tilespmem:v63+s15+$0x0] =	vst.idx.add.f32.msk $0xffff, v30  }
0x1b1: {  	v40 =	vadd.s32 $0xFFFFFC05, v39;
	v37 =	vmul.f32 v20, v14;
	v38 =	vor.u32 v0, v34;
	[tilespmem:v26+s15+$0x0] =	vst.idx.add.f32.msk $0xffff, v32  }
0x1b2: {  	v44 =	vnsel vm13, $0x0, v10;
	v43 =	vor.u32 v1, v34;
	v41 =	vmul.f32 v22, v14;
	[tilespmem:v27+s15+$0x0] =	vst.idx.add.f32.msk $0xffff, v35  }
0x1b3: {  	vm14 =	vgt.s32 v40, $0x0;
	v47 =	vor.u32 v4, v34;
	v45 =	vmul.f32 v19, v14;
	[tilespmem:v31+s15+$0x0] =	vst.idx.add.f32.msk $0xffff, v37  }
0x1b4: {  	v46 =	vmul.f32 v25, v44;
	v48 =	vnsel vm14, $0x0, v40;
	v50 =	vor.u32 v5, v34;
	[tilespmem:v33+s15+$0x0] =	vst.idx.add.f32.msk $0xffff, v41  }
0x1b5: {  	v52 =	vor.u32 v7, v34;
	v49 =	vmul.f32 v24, v44;
	v51 =	vmin.u32 v48, $0xFF;
	[tilespmem:v36+s15+$0x0] =	vst.idx.add.f32.msk $0xffff, v45  }
0x1b6: {  	v2 =	vor.u32 v12, v34;
	v54 =	vmul.f32 v21, v44;
	v53 =	vshll.u32 v51, $0x8;
	[tilespmem:v38+s15+$0x0] =	vst.idx.add.f32.msk $0xffff, v46  }
0x1b7: {  	v55 =	vmul.f32 v20, v44;
	v0 =	vor.u32 v0, v53;
	[tilespmem:v43+s15+$0x0] =	vst.idx.add.f32.msk $0xffff, v49  }
0x1b8: {  	s30 =	spop (v2sf);
	vm15 =	vlt.u32 v40, $0x100;
	v56 =	vmul.f32 v22, v44;
	v1 =	vor.u32 v1, v53;
	[tilespmem:v47+s15+$0x0] =	vst.idx.add.f32.msk $0xffff, v54  }
0x1b9: {  	s31 =	sadd.s32 s22, s30;
	v6 =	vnsel vm15, $0x0, v6;
	v4 =	vor.u32 v4, v53;
	v8 =	vmul.f32 v19, v44;
	[tilespmem:v50+s15+$0x0] =	vst.idx.add.f32.msk $0xffff, v55  }
0x1ba: {  	s22 =	sadd.s32 $0xF, s31;
	v57 =	vmul.f32 v25, v6;
	v5 =	vor.u32 v5, v53;
	[tilespmem:v52+s15+$0x0] =	vst.idx.add.f32.msk $0xffff, v56  }
0x1bb: {  	s22 =	sshra.s32 s22, $0x4;
	v7 =	vor.u32 v7, v53;
	v58 =	vmul.f32 v24, v6;
	[tilespmem:v2+s15+$0x0] =	vst.idx.add.f32.msk $0xffff, v8  }
0x1bc: {  	p1 =	slt.s32 s22, $0x1;
	v59 =	vor.u32 v12, v53;
	v60 =	vmul.f32 v21, v6;
	[tilespmem:v0+s15+$0x0] =	vst.idx.add.f32.msk $0xffff, v57  }
.Ltmp5:
0x1bd: {  	v61 =	vmul.f32 v20, v6;
	[tilespmem:v1+s15+$0x0] =	vst.idx.add.f32.msk $0xffff, v58;
	(pc) =	sbr.rel @p1 .LBB2_9-.Ltmp5, $4  }
0x1be: {  	v62 =	vmul.f32 v22, v6;
	[tilespmem:v4+s15+$0x0] =	vst.idx.add.f32.msk $0xffff, v60  }
0x1bf: {  	v63 =	vmul.f32 v19, v6;
	[tilespmem:v5+s15+$0x0] =	vst.idx.add.f32.msk $0xffff, v61  }
0x1c0: {  	[tilespmem:v7+s15+$0x0] =	vst.idx.add.f32.msk $0xffff, v62  }
0x1c1: {  	s23 =	simm.s32 $0x3E80;
	[tilespmem:v59+s15+$0x0] =	vst.idx.add.f32.msk $0xffff, v63  }
.LBB2_8:
0x1c2: {  	v0 =	vld [tilespmem:s23+$0x0];
	_ =	sdelay $0x7  }
0x1c3: {  	v1 =	vld.idx.msk [tilespmem:v0+s18+$0x0], $0xffff;
	_ =	sdelay $0x2  }
0x1c4: {  	v2 =	vld.idx.msk [tilespmem:v0+s16+$0x0], $0xffff;
	_ =	sdelay $0x1  }
0x1c5: {  	v3 =	vmax.f32 v1, $5.524271630e-03  }
0x1c6: {  	v4 =	vmul.f32 $5.000000000e-01, v3;
	_ =	sdelay $0x1  }
0x1c7: {  	v9 =	vsub.f32 v2, v4  }
0x1c8: {  	v5 =	vld.idx.msk [tilespmem:v0+s17+$0x0], $0xffff  }
0x1c9: {  	v6 =	vld.idx.msk [tilespmem:v0+s2+$0x0], $0xffff;
	v36 =	vmul.f32 $2.560000000e+02, v9  }
0x1ca: {  	v0 =	vld.idx.msk [tilespmem:v0+s19+$0x0], $0xffff  }
0x1cb: {  	v1 =	vadd.f32 $1.024000000e+03, v36;
	_ =	sdelay $0x1  }
0x1cc: {  	v5 =	vmax.f32 v5, $5.524271630e-03;
	v1 =	vtrunc.f32 v1  }
0x1cd: {  	v3 =	vmul.f32 v3, v5;
	v1 =	vcvt.f32.s32 v1  }
0x1ce: {  	v40 =	vmul.f32 $6.553599850e+02, v0;
	v10 =	vmul.f32 $5.000000000e-01, v5;
	v12 =	vadd.f32 v4, v2  }
0x1cf: {  	(erf) = vrcp.f32 v3;
	v8 =	vadd.s32 $0xFFFFFC00, v1;
	v45 =	vadd.s32 $0xFFFFFC01, v1  }
0x1d0: {  	v17 =	vadd.s32 $0xFFFFFC02, v1;
	v50 =	vadd.s32 $0xFFFFFC03, v1;
	v52 =	vadd.s32 $0xFFFFFC04, v1  }
0x1d1: {  	v26 =	vadd.s32 $0xFFFFFC06, v1;
	v1 =	vadd.s32 $0xFFFFFC05, v1;
	v7 =	vcvt.s32.f32 v8  }
0x1d2: {  	vm0 =	vlt.u32 v8, $0x100;
	vm13 =	vgt.s32 v8, $0x0;
	vm14 =	vlt.u32 v45, $0x100  }
0x1d3: {  	vm15 =	vgt.s32 v45, $0x0;
	vm4 =	vlt.u32 v17, $0x100;
	vm5 =	vgt.s32 v17, $0x0  }
0x1d4: {  	vm6 =	vlt.u32 v50, $0x100;
	vm7 =	vgt.s32 v50, $0x0;
	vm8 =	vlt.u32 v52, $0x100  }
0x1d5: {  	vm9 =	vgt.s32 v52, $0x0;
	vm10 =	vlt.u32 v26, $0x100;
	vm11 =	vgt.s32 v26, $0x0  }
0x1d6: {  	v8 =	vnsel vm13, $0x0, v8;
	v16 =	vnsel vm15, $0x0, v45;
	v11 =	vmul.f32 $3.906250000e-03, v7  }
0x1d7: {  	v17 =	vnsel vm5, $0x0, v17;
	v25 =	vnsel vm9, $0x0, v52;
	v7 =	vsub.f32 v6, v10  }
0x1d8: {  	v26 =	vnsel vm11, $0x0, v26;
	v10 =	vadd.f32 v10, v6;
	v37 =	vadd.f32 $3.906250000e-03, v11  }
0x1d9: {  	v8 =	vmin.u32 v8, $0xFF;
	v38 =	vadd.f32 $0.0e+00, v11;
	v43 =	vadd.f32 $7.812500000e-03, v11  }
0x1da: {  	v45 =	vmin.u32 v25, $0xFF;
	v14 =	vadd.f32 $1.171875000e-02, v11;
	v47 =	vadd.f32 $1.562500000e-02, v11  }
0x1db: {  	v39 =	vmul.f32 $2.560000000e+02, v7;
	v19 =	vadd.f32 $1.953125000e-02, v11;
	v53 =	vadd.f32 $2.343750000e-02, v11  }
0x1dc: {  	v11 =	vadd.f32 $2.734375000e-02, v11;
	v13 =	vmin.f32 v12, v37;
	v4 =	vmax.f32 v9, v38  }
0x1dd: {  	v41 =	vadd.f32 $1.024000000e+03, v39;
	v44 =	vmin.f32 v12, v43;
	v2 =	vmax.f32 v9, v37  }
0x1de: {  	v46 =	vmin.f32 v12, v14;
	v49 =	vmin.f32 v12, v47;
	v14 =	vmax.f32 v9, v14  }
0x1df: {  	v20 =	vmin.f32 v12, v19;
	v11 =	vmin.f32 v12, v11;
	v24 =	vmax.f32 v9, v53  }
0x1e0: {  	v21 =	vpop (erf);
	v12 =	vmin.f32 v12, v53;
	v4 =	vsub.f32 v13, v4;
	v2 =	vsub.f32 v44, v2  }
0x1e1: {  	v13 =	vmul.f32 v21, v40;
	v11 =	vsub.f32 v11, v24;
	v5 =	vtrunc.f32 v41  }
0x1e2: {  	v42 =	vmax.f32 v4, $0.0e+00;
	v15 =	vcvt.f32.s32 v5;
	v4 =	vmax.f32 v9, v43  }
0x1e3: {  	v2 =	vmax.f32 v2, $0.0e+00;
	v5 =	vmax.f32 v9, v47;
	v55 =	vmax.f32 v11, $0.0e+00  }
0x1e4: {  	v9 =	vmax.f32 v9, v19;
	v43 =	vmin.u32 v17, $0xFF;
	v0 =	vnsel vm0, $0x0, v42  }
0x1e5: {  	v4 =	vsub.f32 v46, v4;
	v2 =	vnsel vm14, $0x0, v2;
	v5 =	vsub.f32 v20, v5  }
0x1e6: {  	v6 =	vnsel vm10, $0x0, v55;
	v9 =	vsub.f32 v12, v9;
	v42 =	vmin.u32 v16, $0xFF  }
0x1e7: {  	v46 =	vmin.u32 v26, $0xFF;
	v18 =	vadd.s32 $0xFFFFFC00, v15;
	v60 =	vadd.s32 $0xFFFFFC01, v15  }
0x1e8: {  	v28 =	vadd.s32 $0xFFFFFC02, v15;
	v30 =	vadd.s32 $0xFFFFFC03, v15;
	v36 =	vadd.s32 $0xFFFFFC04, v15  }
0x1e9: {  	v38 =	vadd.s32 $0xFFFFFC05, v15;
	v15 =	vadd.s32 $0xFFFFFC06, v15;
	v48 =	vmax.f32 v4, $0.0e+00  }
0x1ea: {  	v4 =	vsub.f32 v49, v14;
	v51 =	vcvt.s32.f32 v18;
	v14 =	vnsel vm7, $0x0, v50  }
0x1eb: {  	v5 =	vmax.f32 v5, $0.0e+00;
	vm12 =	vlt.u32 v18, $0x100;
	vm13 =	vgt.s32 v18, $0x0  }
0x1ec: {  	vm14 =	vlt.u32 v60, $0x100;
	vm15 =	vgt.s32 v60, $0x0;
	vm5 =	vgt.s32 v28, $0x0  }
0x1ed: {  	vm7 =	vgt.s32 v30, $0x0;
	vm9 =	vgt.s32 v36, $0x0;
	vm10 =	vlt.u32 v38, $0x100  }
0x1ee: {  	vm11 =	vgt.s32 v38, $0x0;
	v3 =	vnsel vm4, $0x0, v48;
	v5 =	vnsel vm8, $0x0, v5  }
0x1ef: {  	v18 =	vnsel vm13, $0x0, v18;
	v24 =	vnsel vm15, $0x0, v60;
	vm4 =	vlt.u32 v28, $0x100  }
0x1f0: {  	v34 =	vnsel vm5, $0x0, v28;
	v37 =	vnsel vm7, $0x0, v30;
	vm8 =	vlt.u32 v36, $0x100  }
0x1f1: {  	v39 =	vnsel vm9, $0x0, v36;
	v40 =	vnsel vm11, $0x0, v38;
	vm13 =	vlt.u32 v15, $0x100  }
0x1f2: {  	v14 =	vmin.u32 v14, $0xFF;
	v4 =	vmax.f32 v4, $0.0e+00;
	v20 =	vmul.f32 $3.906250000e-03, v51  }
0x1f3: {  	v44 =	vmin.u32 v18, $0xFF;
	v24 =	vmin.u32 v24, $0xFF;
	v47 =	vmin.u32 v34, $0xFF  }
0x1f4: {  	v12 =	vmin.u32 v40, $0xFF;
	v4 =	vnsel vm6, $0x0, v4;
	vm6 =	vlt.u32 v30, $0x100  }
0x1f5: {  	v16 =	vshll.u32 v44, $0x8;
	v22 =	vadd.f32 $3.906250000e-03, v20;
	v23 =	vadd.f32 $0.0e+00, v20  }
0x1f6: {  	v24 =	vshll.u32 v24, $0x8;
	v56 =	vadd.f32 $7.812500000e-03, v20;
	v59 =	vadd.f32 $1.171875000e-02, v20  }
0x1f7: {  	v25 =	vshll.u32 v47, $0x8;
	v61 =	vadd.f32 $1.562500000e-02, v20;
	v62 =	vadd.f32 $1.953125000e-02, v20  }
0x1f8: {  	v12 =	vshll.u32 v12, $0x8;
	v35 =	vadd.f32 $2.343750000e-02, v20;
	v20 =	vadd.f32 $2.734375000e-02, v20  }
0x1f9: {  	v16 =	vor.u32 v46, v16;
	v24 =	vor.u32 v46, v24;
	v25 =	vor.u32 v46, v25  }
0x1fa: {  	v12 =	vor.u32 v46, v12;
	v54 =	vmin.f32 v10, v22;
	v23 =	vmax.f32 v7, v23  }
0x1fb: {  	v57 =	vmin.f32 v10, v56;
	v22 =	vmax.f32 v7, v22;
	v27 =	vmin.f32 v10, v59  }
0x1fc: {  	v11 =	vmax.f32 v7, v56;
	v29 =	vmin.f32 v10, v61;
	v33 =	vmin.f32 v10, v62  }
0x1fd: {  	v31 =	vmin.f32 v10, v35;
	v23 =	vsub.f32 v54, v23;
	v22 =	vsub.f32 v57, v22  }
0x1fe: {  	v10 =	vmin.f32 v10, v20;
	v20 =	vmin.u32 v37, $0xFF;
	v11 =	vsub.f32 v27, v11  }
0x1ff: {  	v20 =	vshll.u32 v20, $0x8;
	v23 =	vmax.f32 v23, $0.0e+00;
	v22 =	vmax.f32 v22, $0.0e+00  }
0x200: {  	v11 =	vmax.f32 v11, $0.0e+00;
	v23 =	vmul.f32 v23, v13;
	v22 =	vmul.f32 v22, v13  }
0x201: {  	v27 =	vmax.f32 v7, v61;
	v20 =	vor.u32 v46, v20;
	v11 =	vmul.f32 v11, v13  }
0x202: {  	v58 =	vnsel vm12, $0x0, v23;
	v22 =	vnsel vm14, $0x0, v22;
	v23 =	vmax.f32 v7, v59  }
0x203: {  	v11 =	vnsel vm4, $0x0, v11;
	vm12 =	vgt.s32 v15, $0x0;
	vm14 =	vgt.s32 v1, $0x0  }
0x204: {  	v23 =	vsub.f32 v29, v23;
	v29 =	vmax.f32 v7, v62;
	v7 =	vmax.f32 v7, v35  }
0x205: {  	v41 =	vnsel vm12, $0x0, v15;
	v21 =	vmul.f32 v6, v58;
	v22 =	vmul.f32 v6, v22  }
0x206: {  	v29 =	vsub.f32 v31, v29;
	v7 =	vsub.f32 v10, v7;
	v10 =	vmin.u32 v39, $0xFF  }
0x207: {  	v48 =	vmin.u32 v41, $0xFF;
	v63 =	vmax.f32 v23, $0.0e+00;
	v23 =	vsub.f32 v33, v27  }
0x208: {  	v11 =	vmul.f32 v6, v11;
	v10 =	vshll.u32 v10, $0x8;
	v49 =	vshll.u32 v48, $0x8  }
0x209: {  	v19 =	vmul.f32 v63, v13;
	v29 =	vmax.f32 v29, $0.0e+00;
	v23 =	vmax.f32 v23, $0.0e+00  }
0x20a: {  	v7 =	vmax.f32 v7, $0.0e+00;
	v10 =	vor.u32 v46, v10;
	v23 =	vmul.f32 v23, v13  }
0x20b: {  	[tilespmem:v16+s15+$0x0] =	vst.idx.add.f32.msk $0xffff, v21;
	v8 =	vor.u32 v8, v49;
	v29 =	vmul.f32 v29, v13;
	v19 =	vnsel vm6, $0x0, v19  }
0x20c: {  	[tilespmem:v24+s15+$0x0] =	vst.idx.add.f32.msk $0xffff, v22;
	v7 =	vmul.f32 v7, v13;
	v19 =	vmul.f32 v6, v19;
	v23 =	vnsel vm8, $0x0, v23  }
0x20d: {  	[tilespmem:v25+s15+$0x0] =	vst.idx.add.f32.msk $0xffff, v11;
	v13 =	vor.u32 v42, v49;
	v29 =	vnsel vm10, $0x0, v29;
	v50 =	vmul.f32 v6, v23  }
0x20e: {  	v15 =	vor.u32 v43, v49;
	v7 =	vnsel vm13, $0x0, v7;
	v51 =	vmul.f32 v6, v29;
	[tilespmem:v20+s15+$0x0] =	vst.idx.add.f32.msk $0xffff, v19  }
0x20f: {  	v52 =	vnsel vm14, $0x0, v1;
	v53 =	vor.u32 v14, v49;
	v0 =	vmul.f32 v0, v7;
	[tilespmem:v10+s15+$0x0] =	vst.idx.add.f32.msk $0xffff, v50  }
0x210: {  	v54 =	vmin.u32 v52, $0xFF;
	v55 =	vor.u32 v45, v49;
	v2 =	vmul.f32 v2, v7;
	[tilespmem:v12+s15+$0x0] =	vst.idx.add.f32.msk $0xffff, v51  }
0x211: {  	v9 =	vmax.f32 v9, $0.0e+00;
	v57 =	vor.u32 v54, v49;
	v56 =	vmul.f32 v3, v7;
	[tilespmem:v8+s15+$0x0] =	vst.idx.add.f32.msk $0xffff, v0  }
0x212: {  	p1 =	sne.s32 s22, $0x1;
	vm15 =	vlt.u32 v1, $0x100;
	v59 =	vor.u32 v46, v49;
	v58 =	vmul.f32 v4, v7;
	[tilespmem:v13+s15+$0x0] =	vst.idx.add.f32.msk $0xffff, v2  }
.Ltmp6:
0x213: {  	v60 =	vnsel vm15, $0x0, v9;
	v61 =	vmul.f32 v5, v7;
	[tilespmem:v15+s15+$0x0] =	vst.idx.add.f32.msk $0xffff, v56;
	(pc) =	sbr.rel @p1 .LBB2_8-.Ltmp6, $4  }
0x214: {  	v62 =	vmul.f32 v60, v7;
	[tilespmem:v53+s15+$0x0] =	vst.idx.add.f32.msk $0xffff, v58  }
0x215: {  	v63 =	vmul.f32 v6, v7;
	[tilespmem:v55+s15+$0x0] =	vst.idx.add.f32.msk $0xffff, v61  }
0x216: {  	[tilespmem:v57+s15+$0x0] =	vst.idx.add.f32.msk $0xffff, v62  }
0x217: {  	s23 =	sadd.s32 $0x10, s23;
	s22 =	sadd.s32 $0xFFFFFFFF, s22;
	[tilespmem:v59+s15+$0x0] =	vst.idx.add.f32.msk $0xffff, v63  }
.Ltmp7:
0x218: {  	_ = 	snop;
	(pc) =	sbr.rel .LBB2_9-.Ltmp7, $1  }
0x219: {  	_ =	sdelay $0x3  }
.LBB2_10:
0x21a: {  	_ =	sfence.sel $0x180000  }
0x21b: {  	[bflag:$0x0] =	sbarrier.arrive $0xFFFF  }
0x21c: {  	p0 =	sne.s32 s1, $0x0;
	_ =	strace $0x90000047  }
0x21d: {  	s0 =	sadd.s32 @!p0 $0x100000, s0;
	[bflag:$0x2] =	sbarrier.arrive $0xFFFF  }
0x21e: {  	[sflag:s0] =	ssyncadd.tile.s32 @!p0 $0x1;
	_ =	shalt  }
.Lfunc_end2:
_tile_overlayer_lowered:
.L_overlay_start_2:
0x21f: {  	(tag) =	ssettag $0x2  }
0x220: {  	s0 =	rddreg [dreg:$0x0];
	s2 =	stileid.u32  }
0x221: {  	s1 =	rddreg [dreg:$0x1];
	p0 =	sne.s32 s2, $0x0  }
0x222: {  	s3 =	rddreg [dreg:$0x2];
	[bflag:$0x3] =	sbarrier.arrive $0xFFFF;
	s2 =	simm.s32 @!p0 $0x1C01  }
0x223: {  	[timem:s3], [sflag:s2] =	dma.local @!p0 [hbm:s0], s1  }
0x224: {  	s0 =	simm.s32 @!p0 $0x1  }
0x225: {  	_ =	swait.ge @!p0 [sflag:s0], s1  }
0x226: {  	s1 =	ssub.s32 @!p0 $0x0, s1;
	[sflag:s0] =	ssyncset.done @!p0 $0x0  }
0x227: {  	[sflag:s0] =	ssyncadd.s32 @!p0 s1  }
0x228: {  	[bflag:$0x3] =	sbarrier.arrive $0xFFFF  }
0x229: {  	_ =	shalt  }

</sc_bundles>
